<compile_context>
chip_gen: v7x
topology: tpu7x:2x2x1
jax: 0.10.2.dev20260603
libtpu: 0.0.44.dev20260713+nightly
codegen_flags: <defaults>
</compile_context>

<pallas_src>
import jax
import jax.numpy as jnp
from jax import lax
from jax.experimental import pallas as pl
from jax.experimental.pallas import tpu as pltpu
from jax.experimental.pallas import tpu_sc as plsc

_N, _E, _D, _O = 10000, 320000, 128, 300
_DH = _D // 2
_NC, _NS = 2, 16
_EPT = _E // _NS
_K = 80
_NCH = _EPT // _K
_NPAD = 10240
_RPT = _NPAD // _NS
_DW = 8
_NB = 5
_BN = 1000

_MESH = plsc.VectorSubcoreMesh(
    core_axis_name="c", subcore_axis_name="s", num_cores=_NC, num_subcores=_NS
)


def _make_sc_pass(with_deg):
  out_type = [jax.ShapeDtypeStruct((_NPAD, _D), jnp.float32)]
  if with_deg:
    out_type.append(jax.ShapeDtypeStruct((_NC, _NPAD, _DW), jnp.float32))

  scratch = [
      pltpu.VMEM((_EPT,), jnp.int32),
      pltpu.VMEM((_EPT,), jnp.int32),
      [pltpu.VMEM((_K,), jnp.int32)] * _NB,
      [pltpu.VMEM((_K, _DH), jnp.float32)] * _NB,
      pltpu.VMEM((_K, _DW), jnp.float32),
      pltpu.VMEM_SHARED((_NPAD, _DH), jnp.float32),
      pltpu.VMEM_SHARED((_NPAD, _DW), jnp.float32),
      [pltpu.SemaphoreType.DMA] * _NB,
      pltpu.SemaphoreType.DMA,
  ]

  def body(feat_hbm, edge_hbm, zrow_hbm, zdeg_hbm, onesk_hbm, *rest):
    if with_deg:
      part_hbm, degp_hbm = rest[0], rest[1]
      srcv, dstv, idxb, rowsb, onesv, acc, dacc, sems, dsem = rest[2:]
    else:
      part_hbm = rest[0]
      srcv, dstv, idxb, rowsb, onesv, acc, dacc, sems, dsem = rest[1:]
    c = lax.axis_index("c")
    s = lax.axis_index("s")
    feat = feat_hbm

    def xform(jj, b):
      for g in range(_K // 16):
        v = srcv[pl.ds(jj * _K + g * 16, 16)]
        idxb[b][pl.ds(g * 16, 16)] = v * 2 + c

    pltpu.sync_copy(edge_hbm.at[0, pl.ds(s * _EPT, _EPT)], srcv)
    pltpu.sync_copy(edge_hbm.at[1, pl.ds(s * _EPT, _EPT)], dstv)
    pltpu.sync_copy(onesk_hbm, onesv)
    pltpu.sync_copy(zrow_hbm, acc.at[pl.ds(s * _RPT, _RPT)])
    if with_deg:
      pltpu.sync_copy(zdeg_hbm, dacc.at[pl.ds(s * _RPT, _RPT)])

    for b in range(_NB):
      xform(b, b)
      pltpu.async_copy(feat.at[idxb[b]], rowsb[b], sems[b])
    plsc.subcore_barrier()

    def group(g, carry):
      for b in range(_NB):
        j = g * _NB + b
        dst_idx = dstv.at[pl.ds(j * _K, _K)]
        pltpu.make_async_copy(feat.at[idxb[b]], rowsb[b], sems[b]).wait()
        if with_deg:
          @pl.when(j >= _NB)
          def _():
            prv = dstv.at[pl.ds((j - _NB) * _K, _K)]
            pltpu.make_async_copy(onesv, dacc.at[prv], dsem).wait()
          pltpu.async_copy(onesv, dacc.at[dst_idx], dsem, add=True)
        pltpu.sync_copy(rowsb[b], acc.at[dst_idx], add=True)

        @pl.when(j + _NB < _NCH)
        def _():
          xform(j + _NB, b)
          pltpu.async_copy(feat.at[idxb[b]], rowsb[b], sems[b])
      return carry

    lax.fori_loop(0, _NCH // _NB, group, 0)
    if with_deg:
      for b in range(_NB):
        prv = dstv.at[pl.ds((_NCH - _NB + b) * _K, _K)]
        pltpu.make_async_copy(onesv, dacc.at[prv], dsem).wait()
    plsc.subcore_barrier()

    pltpu.sync_copy(acc.at[pl.ds(s * _RPT, _RPT)],
                    part_hbm.at[pl.ds(s * _RPT, _RPT), pl.ds(c * _DH, _DH)])
    if with_deg:
      pltpu.sync_copy(dacc.at[pl.ds(s * _RPT, _RPT)],
                      degp_hbm.at[c, pl.ds(s * _RPT, _RPT)])

  return pl.kernel(
      body, out_type=tuple(out_type), mesh=_MESH, scratch_types=tuple(scratch),
      compiler_params=pltpu.CompilerParams(use_tc_tiling_on_sc=False),
  )


_sc_pass1 = _make_sc_pass(True)
_sc_pass2 = _make_sc_pass(False)


def _tc1_body(part_ref, degp_ref, x_ref, wl_ref, b_ref, wr_ref, h_ref, e_ref):
  deg = degp_ref[0][:, 0:1]
  mean = part_ref[...] / jnp.maximum(deg, 1.0)
  h = (jnp.dot(mean, wl_ref[...], preferred_element_type=jnp.float32)
       + b_ref[...]
       + jnp.dot(x_ref[...], wr_ref[...], preferred_element_type=jnp.float32))
  h_ref[...] = h
  e_ref[...] = jnp.maximum(h, 0.0)


def _tc2_body(part_ref, degp_ref, h_ref, wl_ref, b_ref, wr_ref, o_ref):
  deg = degp_ref[0][:, 0:1]
  mean = part_ref[...] / jnp.maximum(deg, 1.0)
  xemb = jnp.maximum(h_ref[...], 0.0)
  logits = (jnp.dot(mean, wl_ref[...], preferred_element_type=jnp.float32)
            + b_ref[...]
            + jnp.dot(xemb, wr_ref[...], preferred_element_type=jnp.float32))
  m = jnp.max(logits, axis=1, keepdims=True)
  lse = m + jnp.log(jnp.sum(jnp.exp(logits - m), axis=1, keepdims=True))
  o_ref[...] = logits - lse


def _tc1(part, degp, x, wl, b, wr):
  return pl.pallas_call(
      _tc1_body,
      grid=(_N // _BN,),
      in_specs=[
          pl.BlockSpec((_BN, _D), lambda i: (i, 0)),
          pl.BlockSpec((_NC, _BN, _DW), lambda i: (0, i, 0)),
          pl.BlockSpec((_BN, _D), lambda i: (i, 0)),
          pl.BlockSpec((_D, _D), lambda i: (0, 0)),
          pl.BlockSpec((1, _D), lambda i: (0, 0)),
          pl.BlockSpec((_D, _D), lambda i: (0, 0)),
      ],
      out_specs=[
          pl.BlockSpec((_BN, _D), lambda i: (i, 0)),
          pl.BlockSpec((_BN, _D), lambda i: (i, 0)),
      ],
      out_shape=[
          jax.ShapeDtypeStruct((_N, _D), jnp.float32),
          jax.ShapeDtypeStruct((_N, _D), jnp.float32),
      ],
  )(part, degp, x, wl, b, wr)


def _tc2(part, degp, h, wl, b, wr):
  return pl.pallas_call(
      _tc2_body,
      grid=(_N // _BN,),
      in_specs=[
          pl.BlockSpec((_BN, _D), lambda i: (i, 0)),
          pl.BlockSpec((_NC, _BN, _DW), lambda i: (0, i, 0)),
          pl.BlockSpec((_BN, _D), lambda i: (i, 0)),
          pl.BlockSpec((_D, _O), lambda i: (0, 0)),
          pl.BlockSpec((1, _O), lambda i: (0, 0)),
          pl.BlockSpec((_D, _O), lambda i: (0, 0)),
      ],
      out_specs=pl.BlockSpec((_BN, _O), lambda i: (i, 0)),
      out_shape=jax.ShapeDtypeStruct((_N, _O), jnp.float32),
  )(part, degp, h, wl, b, wr)


def kernel(x, edge_index, W_l1, b_l1, W_r1, W_l2, b_l2, W_r2):
  zrow = jnp.zeros((_RPT, _DH), jnp.float32)
  zdeg = jnp.zeros((_RPT, _DW), jnp.float32)
  onesk = jnp.ones((_K, _DW), jnp.float32)

  part1, degp = _sc_pass1(x.reshape(2 * _N, _DH), edge_index,
                          zrow, zdeg, onesk)
  h, xemb = _tc1(part1, degp, x, W_l1, b_l1.reshape(1, _D), W_r1)
  part2 = _sc_pass2(xemb.reshape(2 * _N, _DH), edge_index,
                    zrow, zdeg, onesk)
  if isinstance(part2, (tuple, list)):
    part2 = part2[0]
  out = _tc2(part2, degp, h, W_l2, b_l2.reshape(1, _O), W_r2)
  return (h, out)

# --- scband reference (transcript-rebuilt; emitter-appended) ---
"""Pipeline reference for scband-hetero-gnn-35184372088981 (READ-ONLY COPY).

The authoritative reference and input builder live on the scoring server;
editing this copy changes nothing except your own understanding.
"""

import jax, jax.numpy as jnp
import numpy as np

N = 10000
E = 320000
D = 128
H = 128
O = 300


def setup_inputs(seed: int = 0) -> dict:
    key = jax.random.key(seed)
    ks = jax.random.split(key, 9)
    x = jax.random.normal(ks[0], (N, D), dtype=jnp.float32)
    edge_index = jax.random.randint(ks[1], (2, E), 0, N, dtype=jnp.int32)
    # SAGEConv layer 1: lin_l (aggregated neighbors, with bias), lin_r (root, no bias)
    W_l1 = jax.random.normal(ks[2], (D, H), dtype=jnp.float32) * (1.0 / np.sqrt(D))
    b_l1 = jnp.zeros((H,), dtype=jnp.float32)
    W_r1 = jax.random.normal(ks[3], (D, H), dtype=jnp.float32) * (1.0 / np.sqrt(D))
    # SAGEConv output layer
    W_l2 = jax.random.normal(ks[4], (H, O), dtype=jnp.float32) * (1.0 / np.sqrt(H))
    b_l2 = jnp.zeros((O,), dtype=jnp.float32)
    W_r2 = jax.random.normal(ks[5], (H, O), dtype=jnp.float32) * (1.0 / np.sqrt(H))
    return {"x": x, "edge_index": edge_index, "W_l1": W_l1, "b_l1": b_l1, "W_r1": W_r1,
            "W_l2": W_l2, "b_l2": b_l2, "W_r2": W_r2}


def _sage_conv(x_in, src, dst, W_l, b_l, W_r, num_nodes):
    # message = x[src]; aggregate = mean over incoming edges at dst
    msgs = x_in[src]
    agg = jax.ops.segment_sum(msgs, dst, num_segments=num_nodes)
    deg = jax.ops.segment_sum(jnp.ones((dst.shape[0], 1), dtype=x_in.dtype), dst,
                              num_segments=num_nodes)
    mean = agg / jnp.maximum(deg, 1.0)
    return mean @ W_l + b_l + x_in @ W_r


def reference(x, edge_index, W_l1, b_l1, W_r1, W_l2, b_l2, W_r2):
    src = edge_index[0]
    dst = edge_index[1]
    # layer 1 (skip=False, bn=False, eval mode => no dropout)
    h = _sage_conv(x, src, dst, W_l1, b_l1, W_r1, N)
    x_emb = jax.nn.relu(h)
    # output conv
    x_out = _sage_conv(x_emb, src, dst, W_l2, b_l2, W_r2, N)
    return (h, jax.nn.log_softmax(x_out, axis=1))

if __name__ == "__main__":
    import jax
    _d = setup_inputs()
    print(jax.jit(kernel)(*tuple(_d.values())))

</pallas_src>

<mosaic_0001>
#map = affine_map<(d0, d1) -> (0, 0)>
module attributes {stable_mosaic.version = 14 : i64} {
  func.func @body(%arg0: i32, %arg1: i32, %arg2: memref<20000x64xf32, #tpu.memory_space<hbm>>, %arg3: memref<2x320000xi32, #tpu.memory_space<hbm>>, %arg4: memref<640x64xf32, #tpu.memory_space<hbm>>, %arg5: memref<640x8xf32, #tpu.memory_space<hbm>>, %arg6: memref<80x8xf32, #tpu.memory_space<hbm>>, %arg7: memref<10240x128xf32, #tpu.memory_space<hbm>>, %arg8: memref<20000xi32, #tpu.memory_space<vmem>>, %arg9: memref<20000xi32, #tpu.memory_space<vmem>>, %arg10: memref<80xi32, #tpu.memory_space<vmem>>, %arg11: memref<80xi32, #tpu.memory_space<vmem>>, %arg12: memref<80xi32, #tpu.memory_space<vmem>>, %arg13: memref<80xi32, #tpu.memory_space<vmem>>, %arg14: memref<80xi32, #tpu.memory_space<vmem>>, %arg15: memref<80x64xf32, #tpu.memory_space<vmem>>, %arg16: memref<80x64xf32, #tpu.memory_space<vmem>>, %arg17: memref<80x64xf32, #tpu.memory_space<vmem>>, %arg18: memref<80x64xf32, #tpu.memory_space<vmem>>, %arg19: memref<80x64xf32, #tpu.memory_space<vmem>>, %arg20: memref<80x8xf32, #tpu.memory_space<vmem>>, %arg21: memref<10240x64xf32, #tpu.memory_space<vmem_shared>>, %arg22: memref<10240x8xf32, #tpu.memory_space<vmem_shared>>, %arg23: memref<!tpu.dma_semaphore, #tpu.memory_space<semaphore_mem>>, %arg24: memref<!tpu.dma_semaphore, #tpu.memory_space<semaphore_mem>>, %arg25: memref<!tpu.dma_semaphore, #tpu.memory_space<semaphore_mem>>, %arg26: memref<!tpu.dma_semaphore, #tpu.memory_space<semaphore_mem>>, %arg27: memref<!tpu.dma_semaphore, #tpu.memory_space<semaphore_mem>>, %arg28: memref<!tpu.dma_semaphore, #tpu.memory_space<semaphore_mem>>) attributes {dimension_semantics = [#tpu.dimension_semantics<core_parallel>, #tpu.dimension_semantics<subcore_parallel>], iteration_bounds = array<i64: 2, 16>, scalar_prefetch = 0 : i64, scratch_operands = 21 : i64, tpu.core_type = #tpu.core_type<sc_vector_subcore>, window_params = [{transform_indices = #map}, {transform_indices = #map}, {transform_indices = #map}, {transform_indices = #map}, {transform_indices = #map}, {transform_indices = #map}]} {
    %mul3A = arith.constant 20000 : i32
    %mul3A_0 = arith.muli %arg1, %mul3A : i32
    %run_scoped3A = arith.constant 0 : i32
    "tpu.region"() ({
      %run_scoped3A_329 = tpu.sem_alloc : memref<!tpu.dma_semaphore, #tpu.memory_space<semaphore_mem>>
      %dma_start3A_330 = tpu.memref_slice %arg3[%run_scoped3A, %mul3A_0] : memref<2x320000xi32, #tpu.memory_space<hbm>> -> memref<1x20000xi32, #tpu.memory_space<hbm>>
      %dma_start3A_331 = tpu.memref_squeeze %dma_start3A_330 : memref<1x20000xi32, #tpu.memory_space<hbm>> -> memref<20000xi32, #tpu.memory_space<hbm>>
      %dma_start3A_332 = tpu.memref_slice %arg3[%run_scoped3A, %mul3A_0] : memref<2x320000xi32, #tpu.memory_space<hbm>> -> memref<1x20000xi32, #tpu.memory_space<hbm>>
      %dma_start3A_333 = tpu.memref_squeeze %dma_start3A_332 : memref<1x20000xi32, #tpu.memory_space<hbm>> -> memref<20000xi32, #tpu.memory_space<hbm>>
      tpu.enqueue_dma source(%dma_start3A_333 : memref<20000xi32, #tpu.memory_space<hbm>>) target(%arg8 : memref<20000xi32, #tpu.memory_space<vmem>>) target_semaphore(%run_scoped3A_329 : memref<!tpu.dma_semaphore, #tpu.memory_space<semaphore_mem>>)
      %dma_wait3A = tpu.memref_slice %arg3[%run_scoped3A, %mul3A_0] : memref<2x320000xi32, #tpu.memory_space<hbm>> -> memref<1x20000xi32, #tpu.memory_space<hbm>>
      %dma_wait3A_334 = tpu.memref_squeeze %dma_wait3A : memref<1x20000xi32, #tpu.memory_space<hbm>> -> memref<20000xi32, #tpu.memory_space<hbm>>
      %dma_wait3A_335 = tpu.memref_slice %arg3[%run_scoped3A, %mul3A_0] : memref<2x320000xi32, #tpu.memory_space<hbm>> -> memref<1x20000xi32, #tpu.memory_space<hbm>>
      %dma_wait3A_336 = tpu.memref_squeeze %dma_wait3A_335 : memref<1x20000xi32, #tpu.memory_space<hbm>> -> memref<20000xi32, #tpu.memory_space<hbm>>
      tpu.wait_dma2 semaphore(%run_scoped3A_329 : memref<!tpu.dma_semaphore, #tpu.memory_space<semaphore_mem>>) src(%dma_wait3A_336 : memref<20000xi32, #tpu.memory_space<hbm>>) dst(%arg8 : memref<20000xi32, #tpu.memory_space<vmem>>)
      tpu.yield
    }) : () -> ()
    %mul3A_1 = arith.constant 20000 : i32
    %mul3A_2 = arith.muli %arg1, %mul3A_1 : i32
    %run_scoped3A_3 = arith.constant 1 : i32
    "tpu.region"() ({
      %run_scoped3A_329 = tpu.sem_alloc : memref<!tpu.dma_semaphore, #tpu.memory_space<semaphore_mem>>
      %dma_start3A_330 = tpu.memref_slice %arg3[%run_scoped3A_3, %mul3A_2] : memref<2x320000xi32, #tpu.memory_space<hbm>> -> memref<1x20000xi32, #tpu.memory_space<hbm>>
      %dma_start3A_331 = tpu.memref_squeeze %dma_start3A_330 : memref<1x20000xi32, #tpu.memory_space<hbm>> -> memref<20000xi32, #tpu.memory_space<hbm>>
      %dma_start3A_332 = tpu.memref_slice %arg3[%run_scoped3A_3, %mul3A_2] : memref<2x320000xi32, #tpu.memory_space<hbm>> -> memref<1x20000xi32, #tpu.memory_space<hbm>>
      %dma_start3A_333 = tpu.memref_squeeze %dma_start3A_332 : memref<1x20000xi32, #tpu.memory_space<hbm>> -> memref<20000xi32, #tpu.memory_space<hbm>>
      tpu.enqueue_dma source(%dma_start3A_333 : memref<20000xi32, #tpu.memory_space<hbm>>) target(%arg9 : memref<20000xi32, #tpu.memory_space<vmem>>) target_semaphore(%run_scoped3A_329 : memref<!tpu.dma_semaphore, #tpu.memory_space<semaphore_mem>>)
      %dma_wait3A = tpu.memref_slice %arg3[%run_scoped3A_3, %mul3A_2] : memref<2x320000xi32, #tpu.memory_space<hbm>> -> memref<1x20000xi32, #tpu.memory_space<hbm>>
      %dma_wait3A_334 = tpu.memref_squeeze %dma_wait3A : memref<1x20000xi32, #tpu.memory_space<hbm>> -> memref<20000xi32, #tpu.memory_space<hbm>>
      %dma_wait3A_335 = tpu.memref_slice %arg3[%run_scoped3A_3, %mul3A_2] : memref<2x320000xi32, #tpu.memory_space<hbm>> -> memref<1x20000xi32, #tpu.memory_space<hbm>>
      %dma_wait3A_336 = tpu.memref_squeeze %dma_wait3A_335 : memref<1x20000xi32, #tpu.memory_space<hbm>> -> memref<20000xi32, #tpu.memory_space<hbm>>
      tpu.wait_dma2 semaphore(%run_scoped3A_329 : memref<!tpu.dma_semaphore, #tpu.memory_space<semaphore_mem>>) src(%dma_wait3A_336 : memref<20000xi32, #tpu.memory_space<hbm>>) dst(%arg9 : memref<20000xi32, #tpu.memory_space<vmem>>)
      tpu.yield
    }) : () -> ()
    "tpu.region"() ({
      %run_scoped3A_329 = tpu.sem_alloc : memref<!tpu.dma_semaphore, #tpu.memory_space<semaphore_mem>>
      tpu.enqueue_dma source(%arg6 : memref<80x8xf32, #tpu.memory_space<hbm>>) target(%arg20 : memref<80x8xf32, #tpu.memory_space<vmem>>) target_semaphore(%run_scoped3A_329 : memref<!tpu.dma_semaphore, #tpu.memory_space<semaphore_mem>>)
      tpu.wait_dma2 semaphore(%run_scoped3A_329 : memref<!tpu.dma_semaphore, #tpu.memory_space<semaphore_mem>>) src(%arg6 : memref<80x8xf32, #tpu.memory_space<hbm>>) dst(%arg20 : memref<80x8xf32, #tpu.memory_space<vmem>>)
      tpu.yield
    }) : () -> ()
    %mul3A_4 = arith.constant 640 : i32
    %mul3A_5 = arith.muli %arg1, %mul3A_4 : i32
    "tpu.region"() ({
      %run_scoped3A_329 = tpu.sem_alloc : memref<!tpu.dma_semaphore, #tpu.memory_space<semaphore_mem>>
      %dma_start3A_330 = arith.constant 0 : i32
      %dma_start3A_331 = tpu.memref_slice %arg21[%mul3A_5, %dma_start3A_330] : memref<10240x64xf32, #tpu.memory_space<vmem_shared>> -> memref<640x64xf32, #tpu.memory_space<vmem_shared>>
      tpu.enqueue_dma source(%arg4 : memref<640x64xf32, #tpu.memory_space<hbm>>) target(%dma_start3A_331 : memref<640x64xf32, #tpu.memory_space<vmem_shared>>) target_semaphore(%run_scoped3A_329 : memref<!tpu.dma_semaphore, #tpu.memory_space<semaphore_mem>>)
      %dma_wait3A = arith.constant 0 : i32
      %dma_wait3A_332 = tpu.memref_slice %arg21[%mul3A_5, %dma_wait3A] : memref<10240x64xf32, #tpu.memory_space<vmem_shared>> -> memref<640x64xf32, #tpu.memory_space<vmem_shared>>
      tpu.wait_dma2 semaphore(%run_scoped3A_329 : memref<!tpu.dma_semaphore, #tpu.memory_space<semaphore_mem>>) src(%arg4 : memref<640x64xf32, #tpu.memory_space<hbm>>) dst(%dma_wait3A_332 : memref<640x64xf32, #tpu.memory_space<vmem_shared>>)
      tpu.yield
    }) : () -> ()
    %get3A = arith.constant 0 : index
    %get3A_6 = tpu.vector_load %arg8[%get3A] {strides = array<i32>} : memref<20000xi32, #tpu.memory_space<vmem>>, vector<16xi32>,
    %get3A_7 = vector.shape_cast %get3A_6 : vector<16xi32> to vector<16xi32>
    %mul3A_8 = arith.constant 2 : i32
    %mul3A_9 = vector.broadcast %mul3A_8 : i32 to vector<16xi32>
    %mul3A_10 = arith.muli %get3A_7, %mul3A_9 : vector<16xi32>
    %add3A = vector.broadcast %arg0 : i32 to vector<16xi32>
    %add3A_11 = arith.addi %mul3A_10, %add3A : vector<16xi32>
    %swap3A = arith.constant 0 : index
    %swap3A_12 = tpu.vector_load %arg10[%swap3A] {strides = array<i32>} : memref<80xi32, #tpu.memory_space<vmem>>, vector<16xi32>,
    %swap3A_13 = vector.shape_cast %swap3A_12 : vector<16xi32> to vector<16xi32>
    %swap3A_14 = vector.shape_cast %add3A_11 : vector<16xi32> to vector<16xi32>
    tpu.vector_store %arg10[%swap3A], %swap3A_14 {strides = array<i32>} : memref<80xi32, #tpu.memory_space<vmem>>, vector<16xi32>,
    %get3A_15 = arith.constant 16 : index
    %get3A_16 = tpu.vector_load %arg8[%get3A_15] {strides = array<i32>} : memref<20000xi32, #tpu.memory_space<vmem>>, vector<16xi32>,
    %get3A_17 = vector.shape_cast %get3A_16 : vector<16xi32> to vector<16xi32>
    %mul3A_18 = arith.constant 2 : i32
    %mul3A_19 = vector.broadcast %mul3A_18 : i32 to vector<16xi32>
    %mul3A_20 = arith.muli %get3A_17, %mul3A_19 : vector<16xi32>
    %add3A_21 = vector.broadcast %arg0 : i32 to vector<16xi32>
    %add3A_22 = arith.addi %mul3A_20, %add3A_21 : vector<16xi32>
    %swap3A_23 = arith.constant 16 : index
    %swap3A_24 = tpu.vector_load %arg10[%swap3A_23] {strides = array<i32>} : memref<80xi32, #tpu.memory_space<vmem>>, vector<16xi32>,
    %swap3A_25 = vector.shape_cast %swap3A_24 : vector<16xi32> to vector<16xi32>
    %swap3A_26 = vector.shape_cast %add3A_22 : vector<16xi32> to vector<16xi32>
    tpu.vector_store %arg10[%swap3A_23], %swap3A_26 {strides = array<i32>} : memref<80xi32, #tpu.memory_space<vmem>>, vector<16xi32>,
    %get3A_27 = arith.constant 32 : index
    %get3A_28 = tpu.vector_load %arg8[%get3A_27] {strides = array<i32>} : memref<20000xi32, #tpu.memory_space<vmem>>, vector<16xi32>,
    %get3A_29 = vector.shape_cast %get3A_28 : vector<16xi32> to vector<16xi32>
    %mul3A_30 = arith.constant 2 : i32
    %mul3A_31 = vector.broadcast %mul3A_30 : i32 to vector<16xi32>
    %mul3A_32 = arith.muli %get3A_29, %mul3A_31 : vector<16xi32>
    %add3A_33 = vector.broadcast %arg0 : i32 to vector<16xi32>
    %add3A_34 = arith.addi %mul3A_32, %add3A_33 : vector<16xi32>
    %swap3A_35 = arith.constant 32 : index
    %swap3A_36 = tpu.vector_load %arg10[%swap3A_35] {strides = array<i32>} : memref<80xi32, #tpu.memory_space<vmem>>, vector<16xi32>,
    %swap3A_37 = vector.shape_cast %swap3A_36 : vector<16xi32> to vector<16xi32>
    %swap3A_38 = vector.shape_cast %add3A_34 : vector<16xi32> to vector<16xi32>
    tpu.vector_store %arg10[%swap3A_35], %swap3A_38 {strides = array<i32>} : memref<80xi32, #tpu.memory_space<vmem>>, vector<16xi32>,
    %get3A_39 = arith.constant 48 : index
    %get3A_40 = tpu.vector_load %arg8[%get3A_39] {strides = array<i32>} : memref<20000xi32, #tpu.memory_space<vmem>>, vector<16xi32>,
    %get3A_41 = vector.shape_cast %get3A_40 : vector<16xi32> to vector<16xi32>
    %mul3A_42 = arith.constant 2 : i32
    %mul3A_43 = vector.broadcast %mul3A_42 : i32 to vector<16xi32>
    %mul3A_44 = arith.muli %get3A_41, %mul3A_43 : vector<16xi32>
    %add3A_45 = vector.broadcast %arg0 : i32 to vector<16xi32>
    %add3A_46 = arith.addi %mul3A_44, %add3A_45 : vector<16xi32>
    %swap3A_47 = arith.constant 48 : index
    %swap3A_48 = tpu.vector_load %arg10[%swap3A_47] {strides = array<i32>} : memref<80xi32, #tpu.memory_space<vmem>>, vector<16xi32>,
    %swap3A_49 = vector.shape_cast %swap3A_48 : vector<16xi32> to vector<16xi32>
    %swap3A_50 = vector.shape_cast %add3A_46 : vector<16xi32> to vector<16xi32>
    tpu.vector_store %arg10[%swap3A_47], %swap3A_50 {strides = array<i32>} : memref<80xi32, #tpu.memory_space<vmem>>, vector<16xi32>,
    %get3A_51 = arith.constant 64 : index
    %get3A_52 = tpu.vector_load %arg8[%get3A_51] {strides = array<i32>} : memref<20000xi32, #tpu.memory_space<vmem>>, vector<16xi32>,
    %get3A_53 = vector.shape_cast %get3A_52 : vector<16xi32> to vector<16xi32>
    %mul3A_54 = arith.constant 2 : i32
    %mul3A_55 = vector.broadcast %mul3A_54 : i32 to vector<16xi32>
    %mul3A_56 = arith.muli %get3A_53, %mul3A_55 : vector<16xi32>
    %add3A_57 = vector.broadcast %arg0 : i32 to vector<16xi32>
    %add3A_58 = arith.addi %mul3A_56, %add3A_57 : vector<16xi32>
    %swap3A_59 = arith.constant 64 : index
    %swap3A_60 = tpu.vector_load %arg10[%swap3A_59] {strides = array<i32>} : memref<80xi32, #tpu.memory_space<vmem>>, vector<16xi32>,
    %swap3A_61 = vector.shape_cast %swap3A_60 : vector<16xi32> to vector<16xi32>
    %swap3A_62 = vector.shape_cast %add3A_58 : vector<16xi32> to vector<16xi32>
    tpu.vector_store %arg10[%swap3A_59], %swap3A_62 {strides = array<i32>} : memref<80xi32, #tpu.memory_space<vmem>>, vector<16xi32>,
    %dma_start3A = arith.constant 0 : i32
    %dma_start3A_63 = arith.constant 0 : i32
    %dma_start3A_64 = tpu.memref_slice %arg2[%dma_start3A, %dma_start3A_63] : memref<20000x64xf32, #tpu.memory_space<hbm>> -> memref<20000x64xf32, #tpu.memory_space<hbm>>
    tpu.enqueue_indirect_dma source(%dma_start3A_64 : memref<20000x64xf32, #tpu.memory_space<hbm>>) target(%arg15 : memref<80x64xf32, #tpu.memory_space<vmem>>) offsets(%arg10 : memref<80xi32, #tpu.memory_space<vmem>>) semaphore(%arg23 : memref<!tpu.dma_semaphore, #tpu.memory_space<semaphore_mem>>)
    %get3A_65 = arith.constant 80 : index
    %get3A_66 = tpu.vector_load %arg8[%get3A_65] {strides = array<i32>} : memref<20000xi32, #tpu.memory_space<vmem>>, vector<16xi32>,
    %get3A_67 = vector.shape_cast %get3A_66 : vector<16xi32> to vector<16xi32>
    %mul3A_68 = arith.constant 2 : i32
    %mul3A_69 = vector.broadcast %mul3A_68 : i32 to vector<16xi32>
    %mul3A_70 = arith.muli %get3A_67, %mul3A_69 : vector<16xi32>
    %add3A_71 = vector.broadcast %arg0 : i32 to vector<16xi32>
    %add3A_72 = arith.addi %mul3A_70, %add3A_71 : vector<16xi32>
    %swap3A_73 = arith.constant 0 : index
    %swap3A_74 = tpu.vector_load %arg11[%swap3A_73] {strides = array<i32>} : memref<80xi32, #tpu.memory_space<vmem>>, vector<16xi32>,
    %swap3A_75 = vector.shape_cast %swap3A_74 : vector<16xi32> to vector<16xi32>
    %swap3A_76 = vector.shape_cast %add3A_72 : vector<16xi32> to vector<16xi32>
    tpu.vector_store %arg11[%swap3A_73], %swap3A_76 {strides = array<i32>} : memref<80xi32, #tpu.memory_space<vmem>>, vector<16xi32>,
    %get3A_77 = arith.constant 96 : index
    %get3A_78 = tpu.vector_load %arg8[%get3A_77] {strides = array<i32>} : memref<20000xi32, #tpu.memory_space<vmem>>, vector<16xi32>,
    %get3A_79 = vector.shape_cast %get3A_78 : vector<16xi32> to vector<16xi32>
    %mul3A_80 = arith.constant 2 : i32
    %mul3A_81 = vector.broadcast %mul3A_80 : i32 to vector<16xi32>
    %mul3A_82 = arith.muli %get3A_79, %mul3A_81 : vector<16xi32>
    %add3A_83 = vector.broadcast %arg0 : i32 to vector<16xi32>
    %add3A_84 = arith.addi %mul3A_82, %add3A_83 : vector<16xi32>
    %swap3A_85 = arith.constant 16 : index
    %swap3A_86 = tpu.vector_load %arg11[%swap3A_85] {strides = array<i32>} : memref<80xi32, #tpu.memory_space<vmem>>, vector<16xi32>,
    %swap3A_87 = vector.shape_cast %swap3A_86 : vector<16xi32> to vector<16xi32>
    %swap3A_88 = vector.shape_cast %add3A_84 : vector<16xi32> to vector<16xi32>
    tpu.vector_store %arg11[%swap3A_85], %swap3A_88 {strides = array<i32>} : memref<80xi32, #tpu.memory_space<vmem>>, vector<16xi32>,
    %get3A_89 = arith.constant 112 : index
    %get3A_90 = tpu.vector_load %arg8[%get3A_89] {strides = array<i32>} : memref<20000xi32, #tpu.memory_space<vmem>>, vector<16xi32>,
    %get3A_91 = vector.shape_cast %get3A_90 : vector<16xi32> to vector<16xi32>
    %mul3A_92 = arith.constant 2 : i32
    %mul3A_93 = vector.broadcast %mul3A_92 : i32 to vector<16xi32>
    %mul3A_94 = arith.muli %get3A_91, %mul3A_93 : vector<16xi32>
    %add3A_95 = vector.broadcast %arg0 : i32 to vector<16xi32>
    %add3A_96 = arith.addi %mul3A_94, %add3A_95 : vector<16xi32>
    %swap3A_97 = arith.constant 32 : index
    %swap3A_98 = tpu.vector_load %arg11[%swap3A_97] {strides = array<i32>} : memref<80xi32, #tpu.memory_space<vmem>>, vector<16xi32>,
    %swap3A_99 = vector.shape_cast %swap3A_98 : vector<16xi32> to vector<16xi32>
    %swap3A_100 = vector.shape_cast %add3A_96 : vector<16xi32> to vector<16xi32>
    tpu.vector_store %arg11[%swap3A_97], %swap3A_100 {strides = array<i32>} : memref<80xi32, #tpu.memory_space<vmem>>, vector<16xi32>,
    %get3A_101 = arith.constant 128 : index
    %get3A_102 = tpu.vector_load %arg8[%get3A_101] {strides = array<i32>} : memref<20000xi32, #tpu.memory_space<vmem>>, vector<16xi32>,
    %get3A_103 = vector.shape_cast %get3A_102 : vector<16xi32> to vector<16xi32>
    %mul3A_104 = arith.constant 2 : i32
    %mul3A_105 = vector.broadcast %mul3A_104 : i32 to vector<16xi32>
    %mul3A_106 = arith.muli %get3A_103, %mul3A_105 : vector<16xi32>
    %add3A_107 = vector.broadcast %arg0 : i32 to vector<16xi32>
    %add3A_108 = arith.addi %mul3A_106, %add3A_107 : vector<16xi32>
    %swap3A_109 = arith.constant 48 : index
    %swap3A_110 = tpu.vector_load %arg11[%swap3A_109] {strides = array<i32>} : memref<80xi32, #tpu.memory_space<vmem>>, vector<16xi32>,
    %swap3A_111 = vector.shape_cast %swap3A_110 : vector<16xi32> to vector<16xi32>
    %swap3A_112 = vector.shape_cast %add3A_108 : vector<16xi32> to vector<16xi32>
    tpu.vector_store %arg11[%swap3A_109], %swap3A_112 {strides = array<i32>} : memref<80xi32, #tpu.memory_space<vmem>>, vector<16xi32>,
    %get3A_113 = arith.constant 144 : index
    %get3A_114 = tpu.vector_load %arg8[%get3A_113] {strides = array<i32>} : memref<20000xi32, #tpu.memory_space<vmem>>, vector<16xi32>,
    %get3A_115 = vector.shape_cast %get3A_114 : vector<16xi32> to vector<16xi32>
    %mul3A_116 = arith.constant 2 : i32
    %mul3A_117 = vector.broadcast %mul3A_116 : i32 to vector<16xi32>
    %mul3A_118 = arith.muli %get3A_115, %mul3A_117 : vector<16xi32>
    %add3A_119 = vector.broadcast %arg0 : i32 to vector<16xi32>
    %add3A_120 = arith.addi %mul3A_118, %add3A_119 : vector<16xi32>
    %swap3A_121 = arith.constant 64 : index
    %swap3A_122 = tpu.vector_load %arg11[%swap3A_121] {strides = array<i32>} : memref<80xi32, #tpu.memory_space<vmem>>, vector<16xi32>,
    %swap3A_123 = vector.shape_cast %swap3A_122 : vector<16xi32> to vector<16xi32>
    %swap3A_124 = vector.shape_cast %add3A_120 : vector<16xi32> to vector<16xi32>
    tpu.vector_store %arg11[%swap3A_121], %swap3A_124 {strides = array<i32>} : memref<80xi32, #tpu.memory_space<vmem>>, vector<16xi32>,
    %dma_start3A_125 = arith.constant 0 : i32
    %dma_start3A_126 = arith.constant 0 : i32
    %dma_start3A_127 = tpu.memref_slice %arg2[%dma_start3A_125, %dma_start3A_126] : memref<20000x64xf32, #tpu.memory_space<hbm>> -> memref<20000x64xf32, #tpu.memory_space<hbm>>
    tpu.enqueue_indirect_dma source(%dma_start3A_127 : memref<20000x64xf32, #tpu.memory_space<hbm>>) target(%arg16 : memref<80x64xf32, #tpu.memory_space<vmem>>) offsets(%arg11 : memref<80xi32, #tpu.memory_space<vmem>>) semaphore(%arg24 : memref<!tpu.dma_semaphore, #tpu.memory_space<semaphore_mem>>)
    %get3A_128 = arith.constant 160 : index
    %get3A_129 = tpu.vector_load %arg8[%get3A_128] {strides = array<i32>} : memref<20000xi32, #tpu.memory_space<vmem>>, vector<16xi32>,
    %get3A_130 = vector.shape_cast %get3A_129 : vector<16xi32> to vector<16xi32>
    %mul3A_131 = arith.constant 2 : i32
    %mul3A_132 = vector.broadcast %mul3A_131 : i32 to vector<16xi32>
    %mul3A_133 = arith.muli %get3A_130, %mul3A_132 : vector<16xi32>
    %add3A_134 = vector.broadcast %arg0 : i32 to vector<16xi32>
    %add3A_135 = arith.addi %mul3A_133, %add3A_134 : vector<16xi32>
    %swap3A_136 = arith.constant 0 : index
    %swap3A_137 = tpu.vector_load %arg12[%swap3A_136] {strides = array<i32>} : memref<80xi32, #tpu.memory_space<vmem>>, vector<16xi32>,
    %swap3A_138 = vector.shape_cast %swap3A_137 : vector<16xi32> to vector<16xi32>
    %swap3A_139 = vector.shape_cast %add3A_135 : vector<16xi32> to vector<16xi32>
    tpu.vector_store %arg12[%swap3A_136], %swap3A_139 {strides = array<i32>} : memref<80xi32, #tpu.memory_space<vmem>>, vector<16xi32>,
    %get3A_140 = arith.constant 176 : index
    %get3A_141 = tpu.vector_load %arg8[%get3A_140] {strides = array<i32>} : memref<20000xi32, #tpu.memory_space<vmem>>, vector<16xi32>,
    %get3A_142 = vector.shape_cast %get3A_141 : vector<16xi32> to vector<16xi32>
    %mul3A_143 = arith.constant 2 : i32
    %mul3A_144 = vector.broadcast %mul3A_143 : i32 to vector<16xi32>
    %mul3A_145 = arith.muli %get3A_142, %mul3A_144 : vector<16xi32>
    %add3A_146 = vector.broadcast %arg0 : i32 to vector<16xi32>
    %add3A_147 = arith.addi %mul3A_145, %add3A_146 : vector<16xi32>
    %swap3A_148 = arith.constant 16 : index
    %swap3A_149 = tpu.vector_load %arg12[%swap3A_148] {strides = array<i32>} : memref<80xi32, #tpu.memory_space<vmem>>, vector<16xi32>,
    %swap3A_150 = vector.shape_cast %swap3A_149 : vector<16xi32> to vector<16xi32>
    %swap3A_151 = vector.shape_cast %add3A_147 : vector<16xi32> to vector<16xi32>
    tpu.vector_store %arg12[%swap3A_148], %swap3A_151 {strides = array<i32>} : memref<80xi32, #tpu.memory_space<vmem>>, vector<16xi32>,
    %get3A_152 = arith.constant 192 : index
    %get3A_153 = tpu.vector_load %arg8[%get3A_152] {strides = array<i32>} : memref<20000xi32, #tpu.memory_space<vmem>>, vector<16xi32>,
    %get3A_154 = vector.shape_cast %get3A_153 : vector<16xi32> to vector<16xi32>
    %mul3A_155 = arith.constant 2 : i32
    %mul3A_156 = vector.broadcast %mul3A_155 : i32 to vector<16xi32>
    %mul3A_157 = arith.muli %get3A_154, %mul3A_156 : vector<16xi32>
    %add3A_158 = vector.broadcast %arg0 : i32 to vector<16xi32>
    %add3A_159 = arith.addi %mul3A_157, %add3A_158 : vector<16xi32>
    %swap3A_160 = arith.constant 32 : index
    %swap3A_161 = tpu.vector_load %arg12[%swap3A_160] {strides = array<i32>} : memref<80xi32, #tpu.memory_space<vmem>>, vector<16xi32>,
    %swap3A_162 = vector.shape_cast %swap3A_161 : vector<16xi32> to vector<16xi32>
    %swap3A_163 = vector.shape_cast %add3A_159 : vector<16xi32> to vector<16xi32>
    tpu.vector_store %arg12[%swap3A_160], %swap3A_163 {strides = array<i32>} : memref<80xi32, #tpu.memory_space<vmem>>, vector<16xi32>,
    %get3A_164 = arith.constant 208 : index
    %get3A_165 = tpu.vector_load %arg8[%get3A_164] {strides = array<i32>} : memref<20000xi32, #tpu.memory_space<vmem>>, vector<16xi32>,
    %get3A_166 = vector.shape_cast %get3A_165 : vector<16xi32> to vector<16xi32>
    %mul3A_167 = arith.constant 2 : i32
    %mul3A_168 = vector.broadcast %mul3A_167 : i32 to vector<16xi32>
    %mul3A_169 = arith.muli %get3A_166, %mul3A_168 : vector<16xi32>
    %add3A_170 = vector.broadcast %arg0 : i32 to vector<16xi32>
    %add3A_171 = arith.addi %mul3A_169, %add3A_170 : vector<16xi32>
    %swap3A_172 = arith.constant 48 : index
    %swap3A_173 = tpu.vector_load %arg12[%swap3A_172] {strides = array<i32>} : memref<80xi32, #tpu.memory_space<vmem>>, vector<16xi32>,
    %swap3A_174 = vector.shape_cast %swap3A_173 : vector<16xi32> to vector<16xi32>
    %swap3A_175 = vector.shape_cast %add3A_171 : vector<16xi32> to vector<16xi32>
    tpu.vector_store %arg12[%swap3A_172], %swap3A_175 {strides = array<i32>} : memref<80xi32, #tpu.memory_space<vmem>>, vector<16xi32>,
    %get3A_176 = arith.constant 224 : index
    %get3A_177 = tpu.vector_load %arg8[%get3A_176] {strides = array<i32>} : memref<20000xi32, #tpu.memory_space<vmem>>, vector<16xi32>,
    %get3A_178 = vector.shape_cast %get3A_177 : vector<16xi32> to vector<16xi32>
    %mul3A_179 = arith.constant 2 : i32
    %mul3A_180 = vector.broadcast %mul3A_179 : i32 to vector<16xi32>
    %mul3A_181 = arith.muli %get3A_178, %mul3A_180 : vector<16xi32>
    %add3A_182 = vector.broadcast %arg0 : i32 to vector<16xi32>
    %add3A_183 = arith.addi %mul3A_181, %add3A_182 : vector<16xi32>
    %swap3A_184 = arith.constant 64 : index
    %swap3A_185 = tpu.vector_load %arg12[%swap3A_184] {strides = array<i32>} : memref<80xi32, #tpu.memory_space<vmem>>, vector<16xi32>,
    %swap3A_186 = vector.shape_cast %swap3A_185 : vector<16xi32> to vector<16xi32>
    %swap3A_187 = vector.shape_cast %add3A_183 : vector<16xi32> to vector<16xi32>
    tpu.vector_store %arg12[%swap3A_184], %swap3A_187 {strides = array<i32>} : memref<80xi32, #tpu.memory_space<vmem>>, vector<16xi32>,
    %dma_start3A_188 = arith.constant 0 : i32
    %dma_start3A_189 = arith.constant 0 : i32
    %dma_start3A_190 = tpu.memref_slice %arg2[%dma_start3A_188, %dma_start3A_189] : memref<20000x64xf32, #tpu.memory_space<hbm>> -> memref<20000x64xf32, #tpu.memory_space<hbm>>
    tpu.enqueue_indirect_dma source(%dma_start3A_190 : memref<20000x64xf32, #tpu.memory_space<hbm>>) target(%arg17 : memref<80x64xf32, #tpu.memory_space<vmem>>) offsets(%arg12 : memref<80xi32, #tpu.memory_space<vmem>>) semaphore(%arg25 : memref<!tpu.dma_semaphore, #tpu.memory_space<semaphore_mem>>)
    %get3A_191 = arith.constant 240 : index
    %get3A_192 = tpu.vector_load %arg8[%get3A_191] {strides = array<i32>} : memref<20000xi32, #tpu.memory_space<vmem>>, vector<16xi32>,
    %get3A_193 = vector.shape_cast %get3A_192 : vector<16xi32> to vector<16xi32>
    %mul3A_194 = arith.constant 2 : i32
    %mul3A_195 = vector.broadcast %mul3A_194 : i32 to vector<16xi32>
    %mul3A_196 = arith.muli %get3A_193, %mul3A_195 : vector<16xi32>
    %add3A_197 = vector.broadcast %arg0 : i32 to vector<16xi32>
    %add3A_198 = arith.addi %mul3A_196, %add3A_197 : vector<16xi32>
    %swap3A_199 = arith.constant 0 : index
    %swap3A_200 = tpu.vector_load %arg13[%swap3A_199] {strides = array<i32>} : memref<80xi32, #tpu.memory_space<vmem>>, vector<16xi32>,
    %swap3A_201 = vector.shape_cast %swap3A_200 : vector<16xi32> to vector<16xi32>
    %swap3A_202 = vector.shape_cast %add3A_198 : vector<16xi32> to vector<16xi32>
    tpu.vector_store %arg13[%swap3A_199], %swap3A_202 {strides = array<i32>} : memref<80xi32, #tpu.memory_space<vmem>>, vector<16xi32>,
    %get3A_203 = arith.constant 256 : index
    %get3A_204 = tpu.vector_load %arg8[%get3A_203] {strides = array<i32>} : memref<20000xi32, #tpu.memory_space<vmem>>, vector<16xi32>,
    %get3A_205 = vector.shape_cast %get3A_204 : vector<16xi32> to vector<16xi32>
    %mul3A_206 = arith.constant 2 : i32
    %mul3A_207 = vector.broadcast %mul3A_206 : i32 to vector<16xi32>
    %mul3A_208 = arith.muli %get3A_205, %mul3A_207 : vector<16xi32>
    %add3A_209 = vector.broadcast %arg0 : i32 to vector<16xi32>
    %add3A_210 = arith.addi %mul3A_208, %add3A_209 : vector<16xi32>
    %swap3A_211 = arith.constant 16 : index
    %swap3A_212 = tpu.vector_load %arg13[%swap3A_211] {strides = array<i32>} : memref<80xi32, #tpu.memory_space<vmem>>, vector<16xi32>,
    %swap3A_213 = vector.shape_cast %swap3A_212 : vector<16xi32> to vector<16xi32>
    %swap3A_214 = vector.shape_cast %add3A_210 : vector<16xi32> to vector<16xi32>
    tpu.vector_store %arg13[%swap3A_211], %swap3A_214 {strides = array<i32>} : memref<80xi32, #tpu.memory_space<vmem>>, vector<16xi32>,
    %get3A_215 = arith.constant 272 : index
    %get3A_216 = tpu.vector_load %arg8[%get3A_215] {strides = array<i32>} : memref<20000xi32, #tpu.memory_space<vmem>>, vector<16xi32>,
    %get3A_217 = vector.shape_cast %get3A_216 : vector<16xi32> to vector<16xi32>
    %mul3A_218 = arith.constant 2 : i32
    %mul3A_219 = vector.broadcast %mul3A_218 : i32 to vector<16xi32>
    %mul3A_220 = arith.muli %get3A_217, %mul3A_219 : vector<16xi32>
    %add3A_221 = vector.broadcast %arg0 : i32 to vector<16xi32>
    %add3A_222 = arith.addi %mul3A_220, %add3A_221 : vector<16xi32>
    %swap3A_223 = arith.constant 32 : index
    %swap3A_224 = tpu.vector_load %arg13[%swap3A_223] {strides = array<i32>} : memref<80xi32, #tpu.memory_space<vmem>>, vector<16xi32>,
    %swap3A_225 = vector.shape_cast %swap3A_224 : vector<16xi32> to vector<16xi32>
    %swap3A_226 = vector.shape_cast %add3A_222 : vector<16xi32> to vector<16xi32>
    tpu.vector_store %arg13[%swap3A_223], %swap3A_226 {strides = array<i32>} : memref<80xi32, #tpu.memory_space<vmem>>, vector<16xi32>,
    %get3A_227 = arith.constant 288 : index
    %get3A_228 = tpu.vector_load %arg8[%get3A_227] {strides = array<i32>} : memref<20000xi32, #tpu.memory_space<vmem>>, vector<16xi32>,
    %get3A_229 = vector.shape_cast %get3A_228 : vector<16xi32> to vector<16xi32>
    %mul3A_230 = arith.constant 2 : i32
    %mul3A_231 = vector.broadcast %mul3A_230 : i32 to vector<16xi32>
    %mul3A_232 = arith.muli %get3A_229, %mul3A_231 : vector<16xi32>
    %add3A_233 = vector.broadcast %arg0 : i32 to vector<16xi32>
    %add3A_234 = arith.addi %mul3A_232, %add3A_233 : vector<16xi32>
    %swap3A_235 = arith.constant 48 : index
    %swap3A_236 = tpu.vector_load %arg13[%swap3A_235] {strides = array<i32>} : memref<80xi32, #tpu.memory_space<vmem>>, vector<16xi32>,
    %swap3A_237 = vector.shape_cast %swap3A_236 : vector<16xi32> to vector<16xi32>
    %swap3A_238 = vector.shape_cast %add3A_234 : vector<16xi32> to vector<16xi32>
    tpu.vector_store %arg13[%swap3A_235], %swap3A_238 {strides = array<i32>} : memref<80xi32, #tpu.memory_space<vmem>>, vector<16xi32>,
    %get3A_239 = arith.constant 304 : index
    %get3A_240 = tpu.vector_load %arg8[%get3A_239] {strides = array<i32>} : memref<20000xi32, #tpu.memory_space<vmem>>, vector<16xi32>,
    %get3A_241 = vector.shape_cast %get3A_240 : vector<16xi32> to vector<16xi32>
    %mul3A_242 = arith.constant 2 : i32
    %mul3A_243 = vector.broadcast %mul3A_242 : i32 to vector<16xi32>
    %mul3A_244 = arith.muli %get3A_241, %mul3A_243 : vector<16xi32>
    %add3A_245 = vector.broadcast %arg0 : i32 to vector<16xi32>
    %add3A_246 = arith.addi %mul3A_244, %add3A_245 : vector<16xi32>
    %swap3A_247 = arith.constant 64 : index
    %swap3A_248 = tpu.vector_load %arg13[%swap3A_247] {strides = array<i32>} : memref<80xi32, #tpu.memory_space<vmem>>, vector<16xi32>,
    %swap3A_249 = vector.shape_cast %swap3A_248 : vector<16xi32> to vector<16xi32>
    %swap3A_250 = vector.shape_cast %add3A_246 : vector<16xi32> to vector<16xi32>
    tpu.vector_store %arg13[%swap3A_247], %swap3A_250 {strides = array<i32>} : memref<80xi32, #tpu.memory_space<vmem>>, vector<16xi32>,
    %dma_start3A_251 = arith.constant 0 : i32
    %dma_start3A_252 = arith.constant 0 : i32
    %dma_start3A_253 = tpu.memref_slice %arg2[%dma_start3A_251, %dma_start3A_252] : memref<20000x64xf32, #tpu.memory_space<hbm>> -> memref<20000x64xf32, #tpu.memory_space<hbm>>
    tpu.enqueue_indirect_dma source(%dma_start3A_253 : memref<20000x64xf32, #tpu.memory_space<hbm>>) target(%arg18 : memref<80x64xf32, #tpu.memory_space<vmem>>) offsets(%arg13 : memref<80xi32, #tpu.memory_space<vmem>>) semaphore(%arg26 : memref<!tpu.dma_semaphore, #tpu.memory_space<semaphore_mem>>)
    %get3A_254 = arith.constant 320 : index
    %get3A_255 = tpu.vector_load %arg8[%get3A_254] {strides = array<i32>} : memref<20000xi32, #tpu.memory_space<vmem>>, vector<16xi32>,
    %get3A_256 = vector.shape_cast %get3A_255 : vector<16xi32> to vector<16xi32>
    %mul3A_257 = arith.constant 2 : i32
    %mul3A_258 = vector.broadcast %mul3A_257 : i32 to vector<16xi32>
    %mul3A_259 = arith.muli %get3A_256, %mul3A_258 : vector<16xi32>
    %add3A_260 = vector.broadcast %arg0 : i32 to vector<16xi32>
    %add3A_261 = arith.addi %mul3A_259, %add3A_260 : vector<16xi32>
    %swap3A_262 = arith.constant 0 : index
    %swap3A_263 = tpu.vector_load %arg14[%swap3A_262] {strides = array<i32>} : memref<80xi32, #tpu.memory_space<vmem>>, vector<16xi32>,
    %swap3A_264 = vector.shape_cast %swap3A_263 : vector<16xi32> to vector<16xi32>
    %swap3A_265 = vector.shape_cast %add3A_261 : vector<16xi32> to vector<16xi32>
    tpu.vector_store %arg14[%swap3A_262], %swap3A_265 {strides = array<i32>} : memref<80xi32, #tpu.memory_space<vmem>>, vector<16xi32>,
    %get3A_266 = arith.constant 336 : index
    %get3A_267 = tpu.vector_load %arg8[%get3A_266] {strides = array<i32>} : memref<20000xi32, #tpu.memory_space<vmem>>, vector<16xi32>,
    %get3A_268 = vector.shape_cast %get3A_267 : vector<16xi32> to vector<16xi32>
    %mul3A_269 = arith.constant 2 : i32
    %mul3A_270 = vector.broadcast %mul3A_269 : i32 to vector<16xi32>
    %mul3A_271 = arith.muli %get3A_268, %mul3A_270 : vector<16xi32>
    %add3A_272 = vector.broadcast %arg0 : i32 to vector<16xi32>
    %add3A_273 = arith.addi %mul3A_271, %add3A_272 : vector<16xi32>
    %swap3A_274 = arith.constant 16 : index
    %swap3A_275 = tpu.vector_load %arg14[%swap3A_274] {strides = array<i32>} : memref<80xi32, #tpu.memory_space<vmem>>, vector<16xi32>,
    %swap3A_276 = vector.shape_cast %swap3A_275 : vector<16xi32> to vector<16xi32>
    %swap3A_277 = vector.shape_cast %add3A_273 : vector<16xi32> to vector<16xi32>
    tpu.vector_store %arg14[%swap3A_274], %swap3A_277 {strides = array<i32>} : memref<80xi32, #tpu.memory_space<vmem>>, vector<16xi32>,
    %get3A_278 = arith.constant 352 : index
    %get3A_279 = tpu.vector_load %arg8[%get3A_278] {strides = array<i32>} : memref<20000xi32, #tpu.memory_space<vmem>>, vector<16xi32>,
    %get3A_280 = vector.shape_cast %get3A_279 : vector<16xi32> to vector<16xi32>
    %mul3A_281 = arith.constant 2 : i32
    %mul3A_282 = vector.broadcast %mul3A_281 : i32 to vector<16xi32>
    %mul3A_283 = arith.muli %get3A_280, %mul3A_282 : vector<16xi32>
    %add3A_284 = vector.broadcast %arg0 : i32 to vector<16xi32>
    %add3A_285 = arith.addi %mul3A_283, %add3A_284 : vector<16xi32>
    %swap3A_286 = arith.constant 32 : index
    %swap3A_287 = tpu.vector_load %arg14[%swap3A_286] {strides = array<i32>} : memref<80xi32, #tpu.memory_space<vmem>>, vector<16xi32>,
    %swap3A_288 = vector.shape_cast %swap3A_287 : vector<16xi32> to vector<16xi32>
    %swap3A_289 = vector.shape_cast %add3A_285 : vector<16xi32> to vector<16xi32>
    tpu.vector_store %arg14[%swap3A_286], %swap3A_289 {strides = array<i32>} : memref<80xi32, #tpu.memory_space<vmem>>, vector<16xi32>,
    %get3A_290 = arith.constant 368 : index
    %get3A_291 = tpu.vector_load %arg8[%get3A_290] {strides = array<i32>} : memref<20000xi32, #tpu.memory_space<vmem>>, vector<16xi32>,
    %get3A_292 = vector.shape_cast %get3A_291 : vector<16xi32> to vector<16xi32>
    %mul3A_293 = arith.constant 2 : i32
    %mul3A_294 = vector.broadcast %mul3A_293 : i32 to vector<16xi32>
    %mul3A_295 = arith.muli %get3A_292, %mul3A_294 : vector<16xi32>
    %add3A_296 = vector.broadcast %arg0 : i32 to vector<16xi32>
    %add3A_297 = arith.addi %mul3A_295, %add3A_296 : vector<16xi32>
    %swap3A_298 = arith.constant 48 : index
    %swap3A_299 = tpu.vector_load %arg14[%swap3A_298] {strides = array<i32>} : memref<80xi32, #tpu.memory_space<vmem>>, vector<16xi32>,
    %swap3A_300 = vector.shape_cast %swap3A_299 : vector<16xi32> to vector<16xi32>
    %swap3A_301 = vector.shape_cast %add3A_297 : vector<16xi32> to vector<16xi32>
    tpu.vector_store %arg14[%swap3A_298], %swap3A_301 {strides = array<i32>} : memref<80xi32, #tpu.memory_space<vmem>>, vector<16xi32>,
    %get3A_302 = arith.constant 384 : index
    %get3A_303 = tpu.vector_load %arg8[%get3A_302] {strides = array<i32>} : memref<20000xi32, #tpu.memory_space<vmem>>, vector<16xi32>,
    %get3A_304 = vector.shape_cast %get3A_303 : vector<16xi32> to vector<16xi32>
    %mul3A_305 = arith.constant 2 : i32
    %mul3A_306 = vector.broadcast %mul3A_305 : i32 to vector<16xi32>
    %mul3A_307 = arith.muli %get3A_304, %mul3A_306 : vector<16xi32>
    %add3A_308 = vector.broadcast %arg0 : i32 to vector<16xi32>
    %add3A_309 = arith.addi %mul3A_307, %add3A_308 : vector<16xi32>
    %swap3A_310 = arith.constant 64 : index
    %swap3A_311 = tpu.vector_load %arg14[%swap3A_310] {strides = array<i32>} : memref<80xi32, #tpu.memory_space<vmem>>, vector<16xi32>,
    %swap3A_312 = vector.shape_cast %swap3A_311 : vector<16xi32> to vector<16xi32>
    %swap3A_313 = vector.shape_cast %add3A_309 : vector<16xi32> to vector<16xi32>
    tpu.vector_store %arg14[%swap3A_310], %swap3A_313 {strides = array<i32>} : memref<80xi32, #tpu.memory_space<vmem>>, vector<16xi32>,
    %dma_start3A_314 = arith.constant 0 : i32
    %dma_start3A_315 = arith.constant 0 : i32
    %dma_start3A_316 = tpu.memref_slice %arg2[%dma_start3A_314, %dma_start3A_315] : memref<20000x64xf32, #tpu.memory_space<hbm>> -> memref<20000x64xf32, #tpu.memory_space<hbm>>
    tpu.enqueue_indirect_dma source(%dma_start3A_316 : memref<20000x64xf32, #tpu.memory_space<hbm>>) target(%arg19 : memref<80x64xf32, #tpu.memory_space<vmem>>) offsets(%arg14 : memref<80xi32, #tpu.memory_space<vmem>>) semaphore(%arg27 : memref<!tpu.dma_semaphore, #tpu.memory_space<semaphore_mem>>)
    %barrier3A = arith.constant 0 : index
    tpu.barrier barrier_id(%barrier3A)
    %scan3A = arith.constant 0 : i32
    %scan3A_317 = arith.constant 0 : i32
    %scan3A_318 = arith.constant 50 : i32
    %scan3A_319 = arith.addi %scan3A_317, %scan3A_318 : i32
    %scan3A_320 = arith.constant 1 : i32
    scf.for %scan3A_329 = %scan3A_317 to %scan3A_319 step %scan3A_320  : i32 {
      %mul3A_330 = arith.constant 5 : i32
      %mul3A_331 = arith.muli %scan3A_329, %mul3A_330 : i32
      %add3A_332 = arith.constant 0 : i32
      %add3A_333 = arith.addi %mul3A_331, %add3A_332 : i32
      %mul3A_334 = arith.constant 80 : i32
      %mul3A_335 = arith.muli %add3A_333, %mul3A_334 : i32
      %dma_wait3A = arith.constant 0 : i32
      %dma_wait3A_336 = arith.constant 0 : i32
      %dma_wait3A_337 = tpu.memref_slice %arg2[%dma_wait3A, %dma_wait3A_336] : memref<20000x64xf32, #tpu.memory_space<hbm>> -> memref<20000x64xf32, #tpu.memory_space<hbm>>
      tpu.wait_indirect_dma semaphore(%arg23 : memref<!tpu.dma_semaphore, #tpu.memory_space<semaphore_mem>>) src(%dma_wait3A_337 : memref<20000x64xf32, #tpu.memory_space<hbm>>) dst(%arg15 : memref<80x64xf32, #tpu.memory_space<vmem>>)
      "tpu.region"() ({
        %run_scoped3A_406 = tpu.sem_alloc : memref<!tpu.dma_semaphore, #tpu.memory_space<semaphore_mem>>
        %dma_start3A_407 = tpu.memref_slice %arg9[%mul3A_335] : memref<20000xi32, #tpu.memory_space<vmem>> -> memref<80xi32, #tpu.memory_space<vmem>>
        %dma_start3A_408 = arith.constant 0 : i32
        %dma_start3A_409 = arith.constant 0 : i32
        %dma_start3A_410 = tpu.memref_slice %arg21[%dma_start3A_408, %dma_start3A_409] : memref<10240x64xf32, #tpu.memory_space<vmem_shared>> -> memref<10240x64xf32, #tpu.memory_space<vmem_shared>>
        tpu.enqueue_indirect_dma source(%arg15 : memref<80x64xf32, #tpu.memory_space<vmem>>) target(%dma_start3A_410 : memref<10240x64xf32, #tpu.memory_space<vmem_shared>>) offsets(%dma_start3A_407 : memref<80xi32, #tpu.memory_space<vmem>>) semaphore(%run_scoped3A_406 : memref<!tpu.dma_semaphore, #tpu.memory_space<semaphore_mem>>) {add = true}
        %dma_wait3A_411 = tpu.memref_slice %arg9[%mul3A_335] : memref<20000xi32, #tpu.memory_space<vmem>> -> memref<80xi32, #tpu.memory_space<vmem>>
        %dma_wait3A_412 = arith.constant 0 : i32
        %dma_wait3A_413 = arith.constant 0 : i32
        %dma_wait3A_414 = tpu.memref_slice %arg21[%dma_wait3A_412, %dma_wait3A_413] : memref<10240x64xf32, #tpu.memory_space<vmem_shared>> -> memref<10240x64xf32, #tpu.memory_space<vmem_shared>>
        tpu.wait_indirect_dma semaphore(%run_scoped3A_406 : memref<!tpu.dma_semaphore, #tpu.memory_space<semaphore_mem>>) src(%arg15 : memref<80x64xf32, #tpu.memory_space<vmem>>) dst(%dma_wait3A_414 : memref<10240x64xf32, #tpu.memory_space<vmem_shared>>)
        tpu.yield
      }) : () -> ()
      %add3A_338 = arith.constant 5 : i32
      %add3A_339 = arith.addi %add3A_333, %add3A_338 : i32
      %lt3A = arith.constant 250 : i32
      %lt3A_340 = arith.cmpi slt, %add3A_339, %lt3A : i32
      %convert_element_type3A = arith.extui %lt3A_340 : i1 to i32
      %cond3A = arith.constant 0 : i32
      %cond3A_341 = arith.cmpi ne, %convert_element_type3A, %cond3A : i32
      scf.if %cond3A_341 {
        %add3A_406 = arith.constant 5 : i32
        %add3A_407 = arith.addi %add3A_333, %add3A_406 : i32
        %mul3A_408 = arith.constant 80 : i32
        %mul3A_409 = arith.muli %add3A_407, %mul3A_408 : i32
        %add3A_410 = arith.constant 0 : i32
        %add3A_411 = arith.addi %mul3A_409, %add3A_410 : i32
        %get3A_412 = arith.index_cast %add3A_411 : i32 to index
        %get3A_413 = tpu.vector_load %arg8[%get3A_412] {strides = array<i32>} : memref<20000xi32, #tpu.memory_space<vmem>>, vector<16xi32>,
        %get3A_414 = vector.shape_cast %get3A_413 : vector<16xi32> to vector<16xi32>
        %mul3A_415 = arith.constant 2 : i32
        %mul3A_416 = vector.broadcast %mul3A_415 : i32 to vector<16xi32>
        %mul3A_417 = arith.muli %get3A_414, %mul3A_416 : vector<16xi32>
        %add3A_418 = vector.broadcast %arg0 : i32 to vector<16xi32>
        %add3A_419 = arith.addi %mul3A_417, %add3A_418 : vector<16xi32>
        %swap3A_420 = arith.constant 0 : index
        %swap3A_421 = tpu.vector_load %arg10[%swap3A_420] {strides = array<i32>} : memref<80xi32, #tpu.memory_space<vmem>>, vector<16xi32>,
        %swap3A_422 = vector.shape_cast %swap3A_421 : vector<16xi32> to vector<16xi32>
        %swap3A_423 = vector.shape_cast %add3A_419 : vector<16xi32> to vector<16xi32>
        tpu.vector_store %arg10[%swap3A_420], %swap3A_423 {strides = array<i32>} : memref<80xi32, #tpu.memory_space<vmem>>, vector<16xi32>,
        %mul3A_424 = arith.constant 80 : i32
        %mul3A_425 = arith.muli %add3A_407, %mul3A_424 : i32
        %add3A_426 = arith.constant 16 : i32
        %add3A_427 = arith.addi %mul3A_425, %add3A_426 : i32
        %get3A_428 = arith.index_cast %add3A_427 : i32 to index
        %get3A_429 = tpu.vector_load %arg8[%get3A_428] {strides = array<i32>} : memref<20000xi32, #tpu.memory_space<vmem>>, vector<16xi32>,
        %get3A_430 = vector.shape_cast %get3A_429 : vector<16xi32> to vector<16xi32>
        %mul3A_431 = arith.constant 2 : i32
        %mul3A_432 = vector.broadcast %mul3A_431 : i32 to vector<16xi32>
        %mul3A_433 = arith.muli %get3A_430, %mul3A_432 : vector<16xi32>
        %add3A_434 = vector.broadcast %arg0 : i32 to vector<16xi32>
        %add3A_435 = arith.addi %mul3A_433, %add3A_434 : vector<16xi32>
        %swap3A_436 = arith.constant 16 : index
        %swap3A_437 = tpu.vector_load %arg10[%swap3A_436] {strides = array<i32>} : memref<80xi32, #tpu.memory_space<vmem>>, vector<16xi32>,
        %swap3A_438 = vector.shape_cast %swap3A_437 : vector<16xi32> to vector<16xi32>
        %swap3A_439 = vector.shape_cast %add3A_435 : vector<16xi32> to vector<16xi32>
        tpu.vector_store %arg10[%swap3A_436], %swap3A_439 {strides = array<i32>} : memref<80xi32, #tpu.memory_space<vmem>>, vector<16xi32>,
        %mul3A_440 = arith.constant 80 : i32
        %mul3A_441 = arith.muli %add3A_407, %mul3A_440 : i32
        %add3A_442 = arith.constant 32 : i32
        %add3A_443 = arith.addi %mul3A_441, %add3A_442 : i32
        %get3A_444 = arith.index_cast %add3A_443 : i32 to index
        %get3A_445 = tpu.vector_load %arg8[%get3A_444] {strides = array<i32>} : memref<20000xi32, #tpu.memory_space<vmem>>, vector<16xi32>,
        %get3A_446 = vector.shape_cast %get3A_445 : vector<16xi32> to vector<16xi32>
        %mul3A_447 = arith.constant 2 : i32
        %mul3A_448 = vector.broadcast %mul3A_447 : i32 to vector<16xi32>
        %mul3A_449 = arith.muli %get3A_446, %mul3A_448 : vector<16xi32>
        %add3A_450 = vector.broadcast %arg0 : i32 to vector<16xi32>
        %add3A_451 = arith.addi %mul3A_449, %add3A_450 : vector<16xi32>
        %swap3A_452 = arith.constant 32 : index
        %swap3A_453 = tpu.vector_load %arg10[%swap3A_452] {strides = array<i32>} : memref<80xi32, #tpu.memory_space<vmem>>, vector<16xi32>,
        %swap3A_454 = vector.shape_cast %swap3A_453 : vector<16xi32> to vector<16xi32>
        %swap3A_455 = vector.shape_cast %add3A_451 : vector<16xi32> to vector<16xi32>
        tpu.vector_store %arg10[%swap3A_452], %swap3A_455 {strides = array<i32>} : memref<80xi32, #tpu.memory_space<vmem>>, vector<16xi32>,
        %mul3A_456 = arith.constant 80 : i32
        %mul3A_457 = arith.muli %add3A_407, %mul3A_456 : i32
        %add3A_458 = arith.constant 48 : i32
        %add3A_459 = arith.addi %mul3A_457, %add3A_458 : i32
        %get3A_460 = arith.index_cast %add3A_459 : i32 to index
        %get3A_461 = tpu.vector_load %arg8[%get3A_460] {strides = array<i32>} : memref<20000xi32, #tpu.memory_space<vmem>>, vector<16xi32>,
        %get3A_462 = vector.shape_cast %get3A_461 : vector<16xi32> to vector<16xi32>
        %mul3A_463 = arith.constant 2 : i32
        %mul3A_464 = vector.broadcast %mul3A_463 : i32 to vector<16xi32>
        %mul3A_465 = arith.muli %get3A_462, %mul3A_464 : vector<16xi32>
        %add3A_466 = vector.broadcast %arg0 : i32 to vector<16xi32>
        %add3A_467 = arith.addi %mul3A_465, %add3A_466 : vector<16xi32>
        %swap3A_468 = arith.constant 48 : index
        %swap3A_469 = tpu.vector_load %arg10[%swap3A_468] {strides = array<i32>} : memref<80xi32, #tpu.memory_space<vmem>>, vector<16xi32>,
        %swap3A_470 = vector.shape_cast %swap3A_469 : vector<16xi32> to vector<16xi32>
        %swap3A_471 = vector.shape_cast %add3A_467 : vector<16xi32> to vector<16xi32>
        tpu.vector_store %arg10[%swap3A_468], %swap3A_471 {strides = array<i32>} : memref<80xi32, #tpu.memory_space<vmem>>, vector<16xi32>,
        %mul3A_472 = arith.constant 80 : i32
        %mul3A_473 = arith.muli %add3A_407, %mul3A_472 : i32
        %add3A_474 = arith.constant 64 : i32
        %add3A_475 = arith.addi %mul3A_473, %add3A_474 : i32
        %get3A_476 = arith.index_cast %add3A_475 : i32 to index
        %get3A_477 = tpu.vector_load %arg8[%get3A_476] {strides = array<i32>} : memref<20000xi32, #tpu.memory_space<vmem>>, vector<16xi32>,
        %get3A_478 = vector.shape_cast %get3A_477 : vector<16xi32> to vector<16xi32>
        %mul3A_479 = arith.constant 2 : i32
        %mul3A_480 = vector.broadcast %mul3A_479 : i32 to vector<16xi32>
        %mul3A_481 = arith.muli %get3A_478, %mul3A_480 : vector<16xi32>
        %add3A_482 = vector.broadcast %arg0 : i32 to vector<16xi32>
        %add3A_483 = arith.addi %mul3A_481, %add3A_482 : vector<16xi32>
        %swap3A_484 = arith.constant 64 : index
        %swap3A_485 = tpu.vector_load %arg10[%swap3A_484] {strides = array<i32>} : memref<80xi32, #tpu.memory_space<vmem>>, vector<16xi32>,
        %swap3A_486 = vector.shape_cast %swap3A_485 : vector<16xi32> to vector<16xi32>
        %swap3A_487 = vector.shape_cast %add3A_483 : vector<16xi32> to vector<16xi32>
        tpu.vector_store %arg10[%swap3A_484], %swap3A_487 {strides = array<i32>} : memref<80xi32, #tpu.memory_space<vmem>>, vector<16xi32>,
        %dma_start3A_488 = arith.constant 0 : i32
        %dma_start3A_489 = arith.constant 0 : i32
        %dma_start3A_490 = tpu.memref_slice %arg2[%dma_start3A_488, %dma_start3A_489] : memref<20000x64xf32, #tpu.memory_space<hbm>> -> memref<20000x64xf32, #tpu.memory_space<hbm>>
        tpu.enqueue_indirect_dma source(%dma_start3A_490 : memref<20000x64xf32, #tpu.memory_space<hbm>>) target(%arg15 : memref<80x64xf32, #tpu.memory_space<vmem>>) offsets(%arg10 : memref<80xi32, #tpu.memory_space<vmem>>) semaphore(%arg23 : memref<!tpu.dma_semaphore, #tpu.memory_space<semaphore_mem>>)
      } else {
      }
      %mul3A_342 = arith.constant 5 : i32
      %mul3A_343 = arith.muli %scan3A_329, %mul3A_342 : i32
      %add3A_344 = arith.constant 1 : i32
      %add3A_345 = arith.addi %mul3A_343, %add3A_344 : i32
      %mul3A_346 = arith.constant 80 : i32
      %mul3A_347 = arith.muli %add3A_345, %mul3A_346 : i32
      %dma_wait3A_348 = arith.constant 0 : i32
      %dma_wait3A_349 = arith.constant 0 : i32
      %dma_wait3A_350 = tpu.memref_slice %arg2[%dma_wait3A_348, %dma_wait3A_349] : memref<20000x64xf32, #tpu.memory_space<hbm>> -> memref<20000x64xf32, #tpu.memory_space<hbm>>
      tpu.wait_indirect_dma semaphore(%arg24 : memref<!tpu.dma_semaphore, #tpu.memory_space<semaphore_mem>>) src(%dma_wait3A_350 : memref<20000x64xf32, #tpu.memory_space<hbm>>) dst(%arg16 : memref<80x64xf32, #tpu.memory_space<vmem>>)
      "tpu.region"() ({
        %run_scoped3A_406 = tpu.sem_alloc : memref<!tpu.dma_semaphore, #tpu.memory_space<semaphore_mem>>
        %dma_start3A_407 = tpu.memref_slice %arg9[%mul3A_347] : memref<20000xi32, #tpu.memory_space<vmem>> -> memref<80xi32, #tpu.memory_space<vmem>>
        %dma_start3A_408 = arith.constant 0 : i32
        %dma_start3A_409 = arith.constant 0 : i32
        %dma_start3A_410 = tpu.memref_slice %arg21[%dma_start3A_408, %dma_start3A_409] : memref<10240x64xf32, #tpu.memory_space<vmem_shared>> -> memref<10240x64xf32, #tpu.memory_space<vmem_shared>>
        tpu.enqueue_indirect_dma source(%arg16 : memref<80x64xf32, #tpu.memory_space<vmem>>) target(%dma_start3A_410 : memref<10240x64xf32, #tpu.memory_space<vmem_shared>>) offsets(%dma_start3A_407 : memref<80xi32, #tpu.memory_space<vmem>>) semaphore(%run_scoped3A_406 : memref<!tpu.dma_semaphore, #tpu.memory_space<semaphore_mem>>) {add = true}
        %dma_wait3A_411 = tpu.memref_slice %arg9[%mul3A_347] : memref<20000xi32, #tpu.memory_space<vmem>> -> memref<80xi32, #tpu.memory_space<vmem>>
        %dma_wait3A_412 = arith.constant 0 : i32
        %dma_wait3A_413 = arith.constant 0 : i32
        %dma_wait3A_414 = tpu.memref_slice %arg21[%dma_wait3A_412, %dma_wait3A_413] : memref<10240x64xf32, #tpu.memory_space<vmem_shared>> -> memref<10240x64xf32, #tpu.memory_space<vmem_shared>>
        tpu.wait_indirect_dma semaphore(%run_scoped3A_406 : memref<!tpu.dma_semaphore, #tpu.memory_space<semaphore_mem>>) src(%arg16 : memref<80x64xf32, #tpu.memory_space<vmem>>) dst(%dma_wait3A_414 : memref<10240x64xf32, #tpu.memory_space<vmem_shared>>)
        tpu.yield
      }) : () -> ()
      %add3A_351 = arith.constant 5 : i32
      %add3A_352 = arith.addi %add3A_345, %add3A_351 : i32
      %lt3A_353 = arith.constant 250 : i32
      %lt3A_354 = arith.cmpi slt, %add3A_352, %lt3A_353 : i32
      %convert_element_type3A_355 = arith.extui %lt3A_354 : i1 to i32
      %cond3A_356 = arith.constant 0 : i32
      %cond3A_357 = arith.cmpi ne, %convert_element_type3A_355, %cond3A_356 : i32
      scf.if %cond3A_357 {
        %add3A_406 = arith.constant 5 : i32
        %add3A_407 = arith.addi %add3A_345, %add3A_406 : i32
        %mul3A_408 = arith.constant 80 : i32
        %mul3A_409 = arith.muli %add3A_407, %mul3A_408 : i32
        %add3A_410 = arith.constant 0 : i32
        %add3A_411 = arith.addi %mul3A_409, %add3A_410 : i32
        %get3A_412 = arith.index_cast %add3A_411 : i32 to index
        %get3A_413 = tpu.vector_load %arg8[%get3A_412] {strides = array<i32>} : memref<20000xi32, #tpu.memory_space<vmem>>, vector<16xi32>,
        %get3A_414 = vector.shape_cast %get3A_413 : vector<16xi32> to vector<16xi32>
        %mul3A_415 = arith.constant 2 : i32
        %mul3A_416 = vector.broadcast %mul3A_415 : i32 to vector<16xi32>
        %mul3A_417 = arith.muli %get3A_414, %mul3A_416 : vector<16xi32>
        %add3A_418 = vector.broadcast %arg0 : i32 to vector<16xi32>
        %add3A_419 = arith.addi %mul3A_417, %add3A_418 : vector<16xi32>
        %swap3A_420 = arith.constant 0 : index
        %swap3A_421 = tpu.vector_load %arg11[%swap3A_420] {strides = array<i32>} : memref<80xi32, #tpu.memory_space<vmem>>, vector<16xi32>,
        %swap3A_422 = vector.shape_cast %swap3A_421 : vector<16xi32> to vector<16xi32>
        %swap3A_423 = vector.shape_cast %add3A_419 : vector<16xi32> to vector<16xi32>
        tpu.vector_store %arg11[%swap3A_420], %swap3A_423 {strides = array<i32>} : memref<80xi32, #tpu.memory_space<vmem>>, vector<16xi32>,
        %mul3A_424 = arith.constant 80 : i32
        %mul3A_425 = arith.muli %add3A_407, %mul3A_424 : i32
        %add3A_426 = arith.constant 16 : i32
        %add3A_427 = arith.addi %mul3A_425, %add3A_426 : i32
        %get3A_428 = arith.index_cast %add3A_427 : i32 to index
        %get3A_429 = tpu.vector_load %arg8[%get3A_428] {strides = array<i32>} : memref<20000xi32, #tpu.memory_space<vmem>>, vector<16xi32>,
        %get3A_430 = vector.shape_cast %get3A_429 : vector<16xi32> to vector<16xi32>
        %mul3A_431 = arith.constant 2 : i32
        %mul3A_432 = vector.broadcast %mul3A_431 : i32 to vector<16xi32>
        %mul3A_433 = arith.muli %get3A_430, %mul3A_432 : vector<16xi32>
        %add3A_434 = vector.broadcast %arg0 : i32 to vector<16xi32>
        %add3A_435 = arith.addi %mul3A_433, %add3A_434 : vector<16xi32>
        %swap3A_436 = arith.constant 16 : index
        %swap3A_437 = tpu.vector_load %arg11[%swap3A_436] {strides = array<i32>} : memref<80xi32, #tpu.memory_space<vmem>>, vector<16xi32>,
        %swap3A_438 = vector.shape_cast %swap3A_437 : vector<16xi32> to vector<16xi32>
        %swap3A_439 = vector.shape_cast %add3A_435 : vector<16xi32> to vector<16xi32>
        tpu.vector_store %arg11[%swap3A_436], %swap3A_439 {strides = array<i32>} : memref<80xi32, #tpu.memory_space<vmem>>, vector<16xi32>,
        %mul3A_440 = arith.constant 80 : i32
        %mul3A_441 = arith.muli %add3A_407, %mul3A_440 : i32
        %add3A_442 = arith.constant 32 : i32
        %add3A_443 = arith.addi %mul3A_441, %add3A_442 : i32
        %get3A_444 = arith.index_cast %add3A_443 : i32 to index
        %get3A_445 = tpu.vector_load %arg8[%get3A_444] {strides = array<i32>} : memref<20000xi32, #tpu.memory_space<vmem>>, vector<16xi32>,
        %get3A_446 = vector.shape_cast %get3A_445 : vector<16xi32> to vector<16xi32>
        %mul3A_447 = arith.constant 2 : i32
        %mul3A_448 = vector.broadcast %mul3A_447 : i32 to vector<16xi32>
        %mul3A_449 = arith.muli %get3A_446, %mul3A_448 : vector<16xi32>
        %add3A_450 = vector.broadcast %arg0 : i32 to vector<16xi32>
        %add3A_451 = arith.addi %mul3A_449, %add3A_450 : vector<16xi32>
        %swap3A_452 = arith.constant 32 : index
        %swap3A_453 = tpu.vector_load %arg11[%swap3A_452] {strides = array<i32>} : memref<80xi32, #tpu.memory_space<vmem>>, vector<16xi32>,
        %swap3A_454 = vector.shape_cast %swap3A_453 : vector<16xi32> to vector<16xi32>
        %swap3A_455 = vector.shape_cast %add3A_451 : vector<16xi32> to vector<16xi32>
        tpu.vector_store %arg11[%swap3A_452], %swap3A_455 {strides = array<i32>} : memref<80xi32, #tpu.memory_space<vmem>>, vector<16xi32>,
        %mul3A_456 = arith.constant 80 : i32
        %mul3A_457 = arith.muli %add3A_407, %mul3A_456 : i32
        %add3A_458 = arith.constant 48 : i32
        %add3A_459 = arith.addi %mul3A_457, %add3A_458 : i32
        %get3A_460 = arith.index_cast %add3A_459 : i32 to index
        %get3A_461 = tpu.vector_load %arg8[%get3A_460] {strides = array<i32>} : memref<20000xi32, #tpu.memory_space<vmem>>, vector<16xi32>,
        %get3A_462 = vector.shape_cast %get3A_461 : vector<16xi32> to vector<16xi32>
        %mul3A_463 = arith.constant 2 : i32
        %mul3A_464 = vector.broadcast %mul3A_463 : i32 to vector<16xi32>
        %mul3A_465 = arith.muli %get3A_462, %mul3A_464 : vector<16xi32>
        %add3A_466 = vector.broadcast %arg0 : i32 to vector<16xi32>
        %add3A_467 = arith.addi %mul3A_465, %add3A_466 : vector<16xi32>
        %swap3A_468 = arith.constant 48 : index
        %swap3A_469 = tpu.vector_load %arg11[%swap3A_468] {strides = array<i32>} : memref<80xi32, #tpu.memory_space<vmem>>, vector<16xi32>,
        %swap3A_470 = vector.shape_cast %swap3A_469 : vector<16xi32> to vector<16xi32>
        %swap3A_471 = vector.shape_cast %add3A_467 : vector<16xi32> to vector<16xi32>
        tpu.vector_store %arg11[%swap3A_468], %swap3A_471 {strides = array<i32>} : memref<80xi32, #tpu.memory_space<vmem>>, vector<16xi32>,
        %mul3A_472 = arith.constant 80 : i32
        %mul3A_473 = arith.muli %add3A_407, %mul3A_472 : i32
        %add3A_474 = arith.constant 64 : i32
        %add3A_475 = arith.addi %mul3A_473, %add3A_474 : i32
        %get3A_476 = arith.index_cast %add3A_475 : i32 to index
        %get3A_477 = tpu.vector_load %arg8[%get3A_476] {strides = array<i32>} : memref<20000xi32, #tpu.memory_space<vmem>>, vector<16xi32>,
        %get3A_478 = vector.shape_cast %get3A_477 : vector<16xi32> to vector<16xi32>
        %mul3A_479 = arith.constant 2 : i32
        %mul3A_480 = vector.broadcast %mul3A_479 : i32 to vector<16xi32>
        %mul3A_481 = arith.muli %get3A_478, %mul3A_480 : vector<16xi32>
        %add3A_482 = vector.broadcast %arg0 : i32 to vector<16xi32>
        %add3A_483 = arith.addi %mul3A_481, %add3A_482 : vector<16xi32>
        %swap3A_484 = arith.constant 64 : index
        %swap3A_485 = tpu.vector_load %arg11[%swap3A_484] {strides = array<i32>} : memref<80xi32, #tpu.memory_space<vmem>>, vector<16xi32>,
        %swap3A_486 = vector.shape_cast %swap3A_485 : vector<16xi32> to vector<16xi32>
        %swap3A_487 = vector.shape_cast %add3A_483 : vector<16xi32> to vector<16xi32>
        tpu.vector_store %arg11[%swap3A_484], %swap3A_487 {strides = array<i32>} : memref<80xi32, #tpu.memory_space<vmem>>, vector<16xi32>,
        %dma_start3A_488 = arith.constant 0 : i32
        %dma_start3A_489 = arith.constant 0 : i32
        %dma_start3A_490 = tpu.memref_slice %arg2[%dma_start3A_488, %dma_start3A_489] : memref<20000x64xf32, #tpu.memory_space<hbm>> -> memref<20000x64xf32, #tpu.memory_space<hbm>>
        tpu.enqueue_indirect_dma source(%dma_start3A_490 : memref<20000x64xf32, #tpu.memory_space<hbm>>) target(%arg16 : memref<80x64xf32, #tpu.memory_space<vmem>>) offsets(%arg11 : memref<80xi32, #tpu.memory_space<vmem>>) semaphore(%arg24 : memref<!tpu.dma_semaphore, #tpu.memory_space<semaphore_mem>>)
      } else {
      }
      %mul3A_358 = arith.constant 5 : i32
      %mul3A_359 = arith.muli %scan3A_329, %mul3A_358 : i32
      %add3A_360 = arith.constant 2 : i32
      %add3A_361 = arith.addi %mul3A_359, %add3A_360 : i32
      %mul3A_362 = arith.constant 80 : i32
      %mul3A_363 = arith.muli %add3A_361, %mul3A_362 : i32
      %dma_wait3A_364 = arith.constant 0 : i32
      %dma_wait3A_365 = arith.constant 0 : i32
      %dma_wait3A_366 = tpu.memref_slice %arg2[%dma_wait3A_364, %dma_wait3A_365] : memref<20000x64xf32, #tpu.memory_space<hbm>> -> memref<20000x64xf32, #tpu.memory_space<hbm>>
      tpu.wait_indirect_dma semaphore(%arg25 : memref<!tpu.dma_semaphore, #tpu.memory_space<semaphore_mem>>) src(%dma_wait3A_366 : memref<20000x64xf32, #tpu.memory_space<hbm>>) dst(%arg17 : memref<80x64xf32, #tpu.memory_space<vmem>>)
      "tpu.region"() ({
        %run_scoped3A_406 = tpu.sem_alloc : memref<!tpu.dma_semaphore, #tpu.memory_space<semaphore_mem>>
        %dma_start3A_407 = tpu.memref_slice %arg9[%mul3A_363] : memref<20000xi32, #tpu.memory_space<vmem>> -> memref<80xi32, #tpu.memory_space<vmem>>
        %dma_start3A_408 = arith.constant 0 : i32
        %dma_start3A_409 = arith.constant 0 : i32
        %dma_start3A_410 = tpu.memref_slice %arg21[%dma_start3A_408, %dma_start3A_409] : memref<10240x64xf32, #tpu.memory_space<vmem_shared>> -> memref<10240x64xf32, #tpu.memory_space<vmem_shared>>
        tpu.enqueue_indirect_dma source(%arg17 : memref<80x64xf32, #tpu.memory_space<vmem>>) target(%dma_start3A_410 : memref<10240x64xf32, #tpu.memory_space<vmem_shared>>) offsets(%dma_start3A_407 : memref<80xi32, #tpu.memory_space<vmem>>) semaphore(%run_scoped3A_406 : memref<!tpu.dma_semaphore, #tpu.memory_space<semaphore_mem>>) {add = true}
        %dma_wait3A_411 = tpu.memref_slice %arg9[%mul3A_363] : memref<20000xi32, #tpu.memory_space<vmem>> -> memref<80xi32, #tpu.memory_space<vmem>>
        %dma_wait3A_412 = arith.constant 0 : i32
        %dma_wait3A_413 = arith.constant 0 : i32
        %dma_wait3A_414 = tpu.memref_slice %arg21[%dma_wait3A_412, %dma_wait3A_413] : memref<10240x64xf32, #tpu.memory_space<vmem_shared>> -> memref<10240x64xf32, #tpu.memory_space<vmem_shared>>
        tpu.wait_indirect_dma semaphore(%run_scoped3A_406 : memref<!tpu.dma_semaphore, #tpu.memory_space<semaphore_mem>>) src(%arg17 : memref<80x64xf32, #tpu.memory_space<vmem>>) dst(%dma_wait3A_414 : memref<10240x64xf32, #tpu.memory_space<vmem_shared>>)
        tpu.yield
      }) : () -> ()
      %add3A_367 = arith.constant 5 : i32
      %add3A_368 = arith.addi %add3A_361, %add3A_367 : i32
      %lt3A_369 = arith.constant 250 : i32
      %lt3A_370 = arith.cmpi slt, %add3A_368, %lt3A_369 : i32
      %convert_element_type3A_371 = arith.extui %lt3A_370 : i1 to i32
      %cond3A_372 = arith.constant 0 : i32
      %cond3A_373 = arith.cmpi ne, %convert_element_type3A_371, %cond3A_372 : i32
      scf.if %cond3A_373 {
        %add3A_406 = arith.constant 5 : i32
        %add3A_407 = arith.addi %add3A_361, %add3A_406 : i32
        %mul3A_408 = arith.constant 80 : i32
        %mul3A_409 = arith.muli %add3A_407, %mul3A_408 : i32
        %add3A_410 = arith.constant 0 : i32
        %add3A_411 = arith.addi %mul3A_409, %add3A_410 : i32
        %get3A_412 = arith.index_cast %add3A_411 : i32 to index
        %get3A_413 = tpu.vector_load %arg8[%get3A_412] {strides = array<i32>} : memref<20000xi32, #tpu.memory_space<vmem>>, vector<16xi32>,
        %get3A_414 = vector.shape_cast %get3A_413 : vector<16xi32> to vector<16xi32>
        %mul3A_415 = arith.constant 2 : i32
        %mul3A_416 = vector.broadcast %mul3A_415 : i32 to vector<16xi32>
        %mul3A_417 = arith.muli %get3A_414, %mul3A_416 : vector<16xi32>
        %add3A_418 = vector.broadcast %arg0 : i32 to vector<16xi32>
        %add3A_419 = arith.addi %mul3A_417, %add3A_418 : vector<16xi32>
        %swap3A_420 = arith.constant 0 : index
        %swap3A_421 = tpu.vector_load %arg12[%swap3A_420] {strides = array<i32>} : memref<80xi32, #tpu.memory_space<vmem>>, vector<16xi32>,
        %swap3A_422 = vector.shape_cast %swap3A_421 : vector<16xi32> to vector<16xi32>
        %swap3A_423 = vector.shape_cast %add3A_419 : vector<16xi32> to vector<16xi32>
        tpu.vector_store %arg12[%swap3A_420], %swap3A_423 {strides = array<i32>} : memref<80xi32, #tpu.memory_space<vmem>>, vector<16xi32>,
        %mul3A_424 = arith.constant 80 : i32
        %mul3A_425 = arith.muli %add3A_407, %mul3A_424 : i32
        %add3A_426 = arith.constant 16 : i32
        %add3A_427 = arith.addi %mul3A_425, %add3A_426 : i32
        %get3A_428 = arith.index_cast %add3A_427 : i32 to index
        %get3A_429 = tpu.vector_load %arg8[%get3A_428] {strides = array<i32>} : memref<20000xi32, #tpu.memory_space<vmem>>, vector<16xi32>,
        %get3A_430 = vector.shape_cast %get3A_429 : vector<16xi32> to vector<16xi32>
        %mul3A_431 = arith.constant 2 : i32
        %mul3A_432 = vector.broadcast %mul3A_431 : i32 to vector<16xi32>
        %mul3A_433 = arith.muli %get3A_430, %mul3A_432 : vector<16xi32>
        %add3A_434 = vector.broadcast %arg0 : i32 to vector<16xi32>
        %add3A_435 = arith.addi %mul3A_433, %add3A_434 : vector<16xi32>
        %swap3A_436 = arith.constant 16 : index
        %swap3A_437 = tpu.vector_load %arg12[%swap3A_436] {strides = array<i32>} : memref<80xi32, #tpu.memory_space<vmem>>, vector<16xi32>,
        %swap3A_438 = vector.shape_cast %swap3A_437 : vector<16xi32> to vector<16xi32>
        %swap3A_439 = vector.shape_cast %add3A_435 : vector<16xi32> to vector<16xi32>
        tpu.vector_store %arg12[%swap3A_436], %swap3A_439 {strides = array<i32>} : memref<80xi32, #tpu.memory_space<vmem>>, vector<16xi32>,
        %mul3A_440 = arith.constant 80 : i32
        %mul3A_441 = arith.muli %add3A_407, %mul3A_440 : i32
        %add3A_442 = arith.constant 32 : i32
        %add3A_443 = arith.addi %mul3A_441, %add3A_442 : i32
        %get3A_444 = arith.index_cast %add3A_443 : i32 to index
        %get3A_445 = tpu.vector_load %arg8[%get3A_444] {strides = array<i32>} : memref<20000xi32, #tpu.memory_space<vmem>>, vector<16xi32>,
        %get3A_446 = vector.shape_cast %get3A_445 : vector<16xi32> to vector<16xi32>
        %mul3A_447 = arith.constant 2 : i32
        %mul3A_448 = vector.broadcast %mul3A_447 : i32 to vector<16xi32>
        %mul3A_449 = arith.muli %get3A_446, %mul3A_448 : vector<16xi32>
        %add3A_450 = vector.broadcast %arg0 : i32 to vector<16xi32>
        %add3A_451 = arith.addi %mul3A_449, %add3A_450 : vector<16xi32>
        %swap3A_452 = arith.constant 32 : index
        %swap3A_453 = tpu.vector_load %arg12[%swap3A_452] {strides = array<i32>} : memref<80xi32, #tpu.memory_space<vmem>>, vector<16xi32>,
        %swap3A_454 = vector.shape_cast %swap3A_453 : vector<16xi32> to vector<16xi32>
        %swap3A_455 = vector.shape_cast %add3A_451 : vector<16xi32> to vector<16xi32>
        tpu.vector_store %arg12[%swap3A_452], %swap3A_455 {strides = array<i32>} : memref<80xi32, #tpu.memory_space<vmem>>, vector<16xi32>,
        %mul3A_456 = arith.constant 80 : i32
        %mul3A_457 = arith.muli %add3A_407, %mul3A_456 : i32
        %add3A_458 = arith.constant 48 : i32
        %add3A_459 = arith.addi %mul3A_457, %add3A_458 : i32
        %get3A_460 = arith.index_cast %add3A_459 : i32 to index
        %get3A_461 = tpu.vector_load %arg8[%get3A_460] {strides = array<i32>} : memref<20000xi32, #tpu.memory_space<vmem>>, vector<16xi32>,
        %get3A_462 = vector.shape_cast %get3A_461 : vector<16xi32> to vector<16xi32>
        %mul3A_463 = arith.constant 2 : i32
        %mul3A_464 = vector.broadcast %mul3A_463 : i32 to vector<16xi32>
        %mul3A_465 = arith.muli %get3A_462, %mul3A_464 : vector<16xi32>
        %add3A_466 = vector.broadcast %arg0 : i32 to vector<16xi32>
        %add3A_467 = arith.addi %mul3A_465, %add3A_466 : vector<16xi32>
        %swap3A_468 = arith.constant 48 : index
        %swap3A_469 = tpu.vector_load %arg12[%swap3A_468] {strides = array<i32>} : memref<80xi32, #tpu.memory_space<vmem>>, vector<16xi32>,
        %swap3A_470 = vector.shape_cast %swap3A_469 : vector<16xi32> to vector<16xi32>
        %swap3A_471 = vector.shape_cast %add3A_467 : vector<16xi32> to vector<16xi32>
        tpu.vector_store %arg12[%swap3A_468], %swap3A_471 {strides = array<i32>} : memref<80xi32, #tpu.memory_space<vmem>>, vector<16xi32>,
        %mul3A_472 = arith.constant 80 : i32
        %mul3A_473 = arith.muli %add3A_407, %mul3A_472 : i32
        %add3A_474 = arith.constant 64 : i32
        %add3A_475 = arith.addi %mul3A_473, %add3A_474 : i32
        %get3A_476 = arith.index_cast %add3A_475 : i32 to index
        %get3A_477 = tpu.vector_load %arg8[%get3A_476] {strides = array<i32>} : memref<20000xi32, #tpu.memory_space<vmem>>, vector<16xi32>,
        %get3A_478 = vector.shape_cast %get3A_477 : vector<16xi32> to vector<16xi32>
        %mul3A_479 = arith.constant 2 : i32
        %mul3A_480 = vector.broadcast %mul3A_479 : i32 to vector<16xi32>
        %mul3A_481 = arith.muli %get3A_478, %mul3A_480 : vector<16xi32>
        %add3A_482 = vector.broadcast %arg0 : i32 to vector<16xi32>
        %add3A_483 = arith.addi %mul3A_481, %add3A_482 : vector<16xi32>
        %swap3A_484 = arith.constant 64 : index
        %swap3A_485 = tpu.vector_load %arg12[%swap3A_484] {strides = array<i32>} : memref<80xi32, #tpu.memory_space<vmem>>, vector<16xi32>,
        %swap3A_486 = vector.shape_cast %swap3A_485 : vector<16xi32> to vector<16xi32>
        %swap3A_487 = vector.shape_cast %add3A_483 : vector<16xi32> to vector<16xi32>
        tpu.vector_store %arg12[%swap3A_484], %swap3A_487 {strides = array<i32>} : memref<80xi32, #tpu.memory_space<vmem>>, vector<16xi32>,
        %dma_start3A_488 = arith.constant 0 : i32
        %dma_start3A_489 = arith.constant 0 : i32
        %dma_start3A_490 = tpu.memref_slice %arg2[%dma_start3A_488, %dma_start3A_489] : memref<20000x64xf32, #tpu.memory_space<hbm>> -> memref<20000x64xf32, #tpu.memory_space<hbm>>
        tpu.enqueue_indirect_dma source(%dma_start3A_490 : memref<20000x64xf32, #tpu.memory_space<hbm>>) target(%arg17 : memref<80x64xf32, #tpu.memory_space<vmem>>) offsets(%arg12 : memref<80xi32, #tpu.memory_space<vmem>>) semaphore(%arg25 : memref<!tpu.dma_semaphore, #tpu.memory_space<semaphore_mem>>)
      } else {
      }
      %mul3A_374 = arith.constant 5 : i32
      %mul3A_375 = arith.muli %scan3A_329, %mul3A_374 : i32
      %add3A_376 = arith.constant 3 : i32
      %add3A_377 = arith.addi %mul3A_375, %add3A_376 : i32
      %mul3A_378 = arith.constant 80 : i32
      %mul3A_379 = arith.muli %add3A_377, %mul3A_378 : i32
      %dma_wait3A_380 = arith.constant 0 : i32
      %dma_wait3A_381 = arith.constant 0 : i32
      %dma_wait3A_382 = tpu.memref_slice %arg2[%dma_wait3A_380, %dma_wait3A_381] : memref<20000x64xf32, #tpu.memory_space<hbm>> -> memref<20000x64xf32, #tpu.memory_space<hbm>>
      tpu.wait_indirect_dma semaphore(%arg26 : memref<!tpu.dma_semaphore, #tpu.memory_space<semaphore_mem>>) src(%dma_wait3A_382 : memref<20000x64xf32, #tpu.memory_space<hbm>>) dst(%arg18 : memref<80x64xf32, #tpu.memory_space<vmem>>)
      "tpu.region"() ({
        %run_scoped3A_406 = tpu.sem_alloc : memref<!tpu.dma_semaphore, #tpu.memory_space<semaphore_mem>>
        %dma_start3A_407 = tpu.memref_slice %arg9[%mul3A_379] : memref<20000xi32, #tpu.memory_space<vmem>> -> memref<80xi32, #tpu.memory_space<vmem>>
        %dma_start3A_408 = arith.constant 0 : i32
        %dma_start3A_409 = arith.constant 0 : i32
        %dma_start3A_410 = tpu.memref_slice %arg21[%dma_start3A_408, %dma_start3A_409] : memref<10240x64xf32, #tpu.memory_space<vmem_shared>> -> memref<10240x64xf32, #tpu.memory_space<vmem_shared>>
        tpu.enqueue_indirect_dma source(%arg18 : memref<80x64xf32, #tpu.memory_space<vmem>>) target(%dma_start3A_410 : memref<10240x64xf32, #tpu.memory_space<vmem_shared>>) offsets(%dma_start3A_407 : memref<80xi32, #tpu.memory_space<vmem>>) semaphore(%run_scoped3A_406 : memref<!tpu.dma_semaphore, #tpu.memory_space<semaphore_mem>>) {add = true}
        %dma_wait3A_411 = tpu.memref_slice %arg9[%mul3A_379] : memref<20000xi32, #tpu.memory_space<vmem>> -> memref<80xi32, #tpu.memory_space<vmem>>
        %dma_wait3A_412 = arith.constant 0 : i32
        %dma_wait3A_413 = arith.constant 0 : i32
        %dma_wait3A_414 = tpu.memref_slice %arg21[%dma_wait3A_412, %dma_wait3A_413] : memref<10240x64xf32, #tpu.memory_space<vmem_shared>> -> memref<10240x64xf32, #tpu.memory_space<vmem_shared>>
        tpu.wait_indirect_dma semaphore(%run_scoped3A_406 : memref<!tpu.dma_semaphore, #tpu.memory_space<semaphore_mem>>) src(%arg18 : memref<80x64xf32, #tpu.memory_space<vmem>>) dst(%dma_wait3A_414 : memref<10240x64xf32, #tpu.memory_space<vmem_shared>>)
        tpu.yield
      }) : () -> ()
      %add3A_383 = arith.constant 5 : i32
      %add3A_384 = arith.addi %add3A_377, %add3A_383 : i32
      %lt3A_385 = arith.constant 250 : i32
      %lt3A_386 = arith.cmpi slt, %add3A_384, %lt3A_385 : i32
      %convert_element_type3A_387 = arith.extui %lt3A_386 : i1 to i32
      %cond3A_388 = arith.constant 0 : i32
      %cond3A_389 = arith.cmpi ne, %convert_element_type3A_387, %cond3A_388 : i32
      scf.if %cond3A_389 {
        %add3A_406 = arith.constant 5 : i32
        %add3A_407 = arith.addi %add3A_377, %add3A_406 : i32
        %mul3A_408 = arith.constant 80 : i32
        %mul3A_409 = arith.muli %add3A_407, %mul3A_408 : i32
        %add3A_410 = arith.constant 0 : i32
        %add3A_411 = arith.addi %mul3A_409, %add3A_410 : i32
        %get3A_412 = arith.index_cast %add3A_411 : i32 to index
        %get3A_413 = tpu.vector_load %arg8[%get3A_412] {strides = array<i32>} : memref<20000xi32, #tpu.memory_space<vmem>>, vector<16xi32>,
        %get3A_414 = vector.shape_cast %get3A_413 : vector<16xi32> to vector<16xi32>
        %mul3A_415 = arith.constant 2 : i32
        %mul3A_416 = vector.broadcast %mul3A_415 : i32 to vector<16xi32>
        %mul3A_417 = arith.muli %get3A_414, %mul3A_416 : vector<16xi32>
        %add3A_418 = vector.broadcast %arg0 : i32 to vector<16xi32>
        %add3A_419 = arith.addi %mul3A_417, %add3A_418 : vector<16xi32>
        %swap3A_420 = arith.constant 0 : index
        %swap3A_421 = tpu.vector_load %arg13[%swap3A_420] {strides = array<i32>} : memref<80xi32, #tpu.memory_space<vmem>>, vector<16xi32>,
        %swap3A_422 = vector.shape_cast %swap3A_421 : vector<16xi32> to vector<16xi32>
        %swap3A_423 = vector.shape_cast %add3A_419 : vector<16xi32> to vector<16xi32>
        tpu.vector_store %arg13[%swap3A_420], %swap3A_423 {strides = array<i32>} : memref<80xi32, #tpu.memory_space<vmem>>, vector<16xi32>,
        %mul3A_424 = arith.constant 80 : i32
        %mul3A_425 = arith.muli %add3A_407, %mul3A_424 : i32
        %add3A_426 = arith.constant 16 : i32
        %add3A_427 = arith.addi %mul3A_425, %add3A_426 : i32
        %get3A_428 = arith.index_cast %add3A_427 : i32 to index
        %get3A_429 = tpu.vector_load %arg8[%get3A_428] {strides = array<i32>} : memref<20000xi32, #tpu.memory_space<vmem>>, vector<16xi32>,
        %get3A_430 = vector.shape_cast %get3A_429 : vector<16xi32> to vector<16xi32>
        %mul3A_431 = arith.constant 2 : i32
        %mul3A_432 = vector.broadcast %mul3A_431 : i32 to vector<16xi32>
        %mul3A_433 = arith.muli %get3A_430, %mul3A_432 : vector<16xi32>
        %add3A_434 = vector.broadcast %arg0 : i32 to vector<16xi32>
        %add3A_435 = arith.addi %mul3A_433, %add3A_434 : vector<16xi32>
        %swap3A_436 = arith.constant 16 : index
        %swap3A_437 = tpu.vector_load %arg13[%swap3A_436] {strides = array<i32>} : memref<80xi32, #tpu.memory_space<vmem>>, vector<16xi32>,
        %swap3A_438 = vector.shape_cast %swap3A_437 : vector<16xi32> to vector<16xi32>
        %swap3A_439 = vector.shape_cast %add3A_435 : vector<16xi32> to vector<16xi32>
        tpu.vector_store %arg13[%swap3A_436], %swap3A_439 {strides = array<i32>} : memref<80xi32, #tpu.memory_space<vmem>>, vector<16xi32>,
        %mul3A_440 = arith.constant 80 : i32
        %mul3A_441 = arith.muli %add3A_407, %mul3A_440 : i32
        %add3A_442 = arith.constant 32 : i32
        %add3A_443 = arith.addi %mul3A_441, %add3A_442 : i32
        %get3A_444 = arith.index_cast %add3A_443 : i32 to index
        %get3A_445 = tpu.vector_load %arg8[%get3A_444] {strides = array<i32>} : memref<20000xi32, #tpu.memory_space<vmem>>, vector<16xi32>,
        %get3A_446 = vector.shape_cast %get3A_445 : vector<16xi32> to vector<16xi32>
        %mul3A_447 = arith.constant 2 : i32
        %mul3A_448 = vector.broadcast %mul3A_447 : i32 to vector<16xi32>
        %mul3A_449 = arith.muli %get3A_446, %mul3A_448 : vector<16xi32>
        %add3A_450 = vector.broadcast %arg0 : i32 to vector<16xi32>
        %add3A_451 = arith.addi %mul3A_449, %add3A_450 : vector<16xi32>
        %swap3A_452 = arith.constant 32 : index
        %swap3A_453 = tpu.vector_load %arg13[%swap3A_452] {strides = array<i32>} : memref<80xi32, #tpu.memory_space<vmem>>, vector<16xi32>,
        %swap3A_454 = vector.shape_cast %swap3A_453 : vector<16xi32> to vector<16xi32>
        %swap3A_455 = vector.shape_cast %add3A_451 : vector<16xi32> to vector<16xi32>
        tpu.vector_store %arg13[%swap3A_452], %swap3A_455 {strides = array<i32>} : memref<80xi32, #tpu.memory_space<vmem>>, vector<16xi32>,
        %mul3A_456 = arith.constant 80 : i32
        %mul3A_457 = arith.muli %add3A_407, %mul3A_456 : i32
        %add3A_458 = arith.constant 48 : i32
        %add3A_459 = arith.addi %mul3A_457, %add3A_458 : i32
        %get3A_460 = arith.index_cast %add3A_459 : i32 to index
        %get3A_461 = tpu.vector_load %arg8[%get3A_460] {strides = array<i32>} : memref<20000xi32, #tpu.memory_space<vmem>>, vector<16xi32>,
        %get3A_462 = vector.shape_cast %get3A_461 : vector<16xi32> to vector<16xi32>
        %mul3A_463 = arith.constant 2 : i32
        %mul3A_464 = vector.broadcast %mul3A_463 : i32 to vector<16xi32>
        %mul3A_465 = arith.muli %get3A_462, %mul3A_464 : vector<16xi32>
        %add3A_466 = vector.broadcast %arg0 : i32 to vector<16xi32>
        %add3A_467 = arith.addi %mul3A_465, %add3A_466 : vector<16xi32>
        %swap3A_468 = arith.constant 48 : index
        %swap3A_469 = tpu.vector_load %arg13[%swap3A_468] {strides = array<i32>} : memref<80xi32, #tpu.memory_space<vmem>>, vector<16xi32>,
        %swap3A_470 = vector.shape_cast %swap3A_469 : vector<16xi32> to vector<16xi32>
        %swap3A_471 = vector.shape_cast %add3A_467 : vector<16xi32> to vector<16xi32>
        tpu.vector_store %arg13[%swap3A_468], %swap3A_471 {strides = array<i32>} : memref<80xi32, #tpu.memory_space<vmem>>, vector<16xi32>,
        %mul3A_472 = arith.constant 80 : i32
        %mul3A_473 = arith.muli %add3A_407, %mul3A_472 : i32
        %add3A_474 = arith.constant 64 : i32
        %add3A_475 = arith.addi %mul3A_473, %add3A_474 : i32
        %get3A_476 = arith.index_cast %add3A_475 : i32 to index
        %get3A_477 = tpu.vector_load %arg8[%get3A_476] {strides = array<i32>} : memref<20000xi32, #tpu.memory_space<vmem>>, vector<16xi32>,
        %get3A_478 = vector.shape_cast %get3A_477 : vector<16xi32> to vector<16xi32>
        %mul3A_479 = arith.constant 2 : i32
        %mul3A_480 = vector.broadcast %mul3A_479 : i32 to vector<16xi32>
        %mul3A_481 = arith.muli %get3A_478, %mul3A_480 : vector<16xi32>
        %add3A_482 = vector.broadcast %arg0 : i32 to vector<16xi32>
        %add3A_483 = arith.addi %mul3A_481, %add3A_482 : vector<16xi32>
        %swap3A_484 = arith.constant 64 : index
        %swap3A_485 = tpu.vector_load %arg13[%swap3A_484] {strides = array<i32>} : memref<80xi32, #tpu.memory_space<vmem>>, vector<16xi32>,
        %swap3A_486 = vector.shape_cast %swap3A_485 : vector<16xi32> to vector<16xi32>
        %swap3A_487 = vector.shape_cast %add3A_483 : vector<16xi32> to vector<16xi32>
        tpu.vector_store %arg13[%swap3A_484], %swap3A_487 {strides = array<i32>} : memref<80xi32, #tpu.memory_space<vmem>>, vector<16xi32>,
        %dma_start3A_488 = arith.constant 0 : i32
        %dma_start3A_489 = arith.constant 0 : i32
        %dma_start3A_490 = tpu.memref_slice %arg2[%dma_start3A_488, %dma_start3A_489] : memref<20000x64xf32, #tpu.memory_space<hbm>> -> memref<20000x64xf32, #tpu.memory_space<hbm>>
        tpu.enqueue_indirect_dma source(%dma_start3A_490 : memref<20000x64xf32, #tpu.memory_space<hbm>>) target(%arg18 : memref<80x64xf32, #tpu.memory_space<vmem>>) offsets(%arg13 : memref<80xi32, #tpu.memory_space<vmem>>) semaphore(%arg26 : memref<!tpu.dma_semaphore, #tpu.memory_space<semaphore_mem>>)
      } else {
      }
      %mul3A_390 = arith.constant 5 : i32
      %mul3A_391 = arith.muli %scan3A_329, %mul3A_390 : i32
      %add3A_392 = arith.constant 4 : i32
      %add3A_393 = arith.addi %mul3A_391, %add3A_392 : i32
      %mul3A_394 = arith.constant 80 : i32
      %mul3A_395 = arith.muli %add3A_393, %mul3A_394 : i32
      %dma_wait3A_396 = arith.constant 0 : i32
      %dma_wait3A_397 = arith.constant 0 : i32
      %dma_wait3A_398 = tpu.memref_slice %arg2[%dma_wait3A_396, %dma_wait3A_397] : memref<20000x64xf32, #tpu.memory_space<hbm>> -> memref<20000x64xf32, #tpu.memory_space<hbm>>
      tpu.wait_indirect_dma semaphore(%arg27 : memref<!tpu.dma_semaphore, #tpu.memory_space<semaphore_mem>>) src(%dma_wait3A_398 : memref<20000x64xf32, #tpu.memory_space<hbm>>) dst(%arg19 : memref<80x64xf32, #tpu.memory_space<vmem>>)
      "tpu.region"() ({
        %run_scoped3A_406 = tpu.sem_alloc : memref<!tpu.dma_semaphore, #tpu.memory_space<semaphore_mem>>
        %dma_start3A_407 = tpu.memref_slice %arg9[%mul3A_395] : memref<20000xi32, #tpu.memory_space<vmem>> -> memref<80xi32, #tpu.memory_space<vmem>>
        %dma_start3A_408 = arith.constant 0 : i32
        %dma_start3A_409 = arith.constant 0 : i32
        %dma_start3A_410 = tpu.memref_slice %arg21[%dma_start3A_408, %dma_start3A_409] : memref<10240x64xf32, #tpu.memory_space<vmem_shared>> -> memref<10240x64xf32, #tpu.memory_space<vmem_shared>>
        tpu.enqueue_indirect_dma source(%arg19 : memref<80x64xf32, #tpu.memory_space<vmem>>) target(%dma_start3A_410 : memref<10240x64xf32, #tpu.memory_space<vmem_shared>>) offsets(%dma_start3A_407 : memref<80xi32, #tpu.memory_space<vmem>>) semaphore(%run_scoped3A_406 : memref<!tpu.dma_semaphore, #tpu.memory_space<semaphore_mem>>) {add = true}
        %dma_wait3A_411 = tpu.memref_slice %arg9[%mul3A_395] : memref<20000xi32, #tpu.memory_space<vmem>> -> memref<80xi32, #tpu.memory_space<vmem>>
        %dma_wait3A_412 = arith.constant 0 : i32
        %dma_wait3A_413 = arith.constant 0 : i32
        %dma_wait3A_414 = tpu.memref_slice %arg21[%dma_wait3A_412, %dma_wait3A_413] : memref<10240x64xf32, #tpu.memory_space<vmem_shared>> -> memref<10240x64xf32, #tpu.memory_space<vmem_shared>>
        tpu.wait_indirect_dma semaphore(%run_scoped3A_406 : memref<!tpu.dma_semaphore, #tpu.memory_space<semaphore_mem>>) src(%arg19 : memref<80x64xf32, #tpu.memory_space<vmem>>) dst(%dma_wait3A_414 : memref<10240x64xf32, #tpu.memory_space<vmem_shared>>)
        tpu.yield
      }) : () -> ()
      %add3A_399 = arith.constant 5 : i32
      %add3A_400 = arith.addi %add3A_393, %add3A_399 : i32
      %lt3A_401 = arith.constant 250 : i32
      %lt3A_402 = arith.cmpi slt, %add3A_400, %lt3A_401 : i32
      %convert_element_type3A_403 = arith.extui %lt3A_402 : i1 to i32
      %cond3A_404 = arith.constant 0 : i32
      %cond3A_405 = arith.cmpi ne, %convert_element_type3A_403, %cond3A_404 : i32
      scf.if %cond3A_405 {
        %add3A_406 = arith.constant 5 : i32
        %add3A_407 = arith.addi %add3A_393, %add3A_406 : i32
        %mul3A_408 = arith.constant 80 : i32
        %mul3A_409 = arith.muli %add3A_407, %mul3A_408 : i32
        %add3A_410 = arith.constant 0 : i32
        %add3A_411 = arith.addi %mul3A_409, %add3A_410 : i32
        %get3A_412 = arith.index_cast %add3A_411 : i32 to index
        %get3A_413 = tpu.vector_load %arg8[%get3A_412] {strides = array<i32>} : memref<20000xi32, #tpu.memory_space<vmem>>, vector<16xi32>,
        %get3A_414 = vector.shape_cast %get3A_413 : vector<16xi32> to vector<16xi32>
        %mul3A_415 = arith.constant 2 : i32
        %mul3A_416 = vector.broadcast %mul3A_415 : i32 to vector<16xi32>
        %mul3A_417 = arith.muli %get3A_414, %mul3A_416 : vector<16xi32>
        %add3A_418 = vector.broadcast %arg0 : i32 to vector<16xi32>
        %add3A_419 = arith.addi %mul3A_417, %add3A_418 : vector<16xi32>
        %swap3A_420 = arith.constant 0 : index
        %swap3A_421 = tpu.vector_load %arg14[%swap3A_420] {strides = array<i32>} : memref<80xi32, #tpu.memory_space<vmem>>, vector<16xi32>,
        %swap3A_422 = vector.shape_cast %swap3A_421 : vector<16xi32> to vector<16xi32>
        %swap3A_423 = vector.shape_cast %add3A_419 : vector<16xi32> to vector<16xi32>
        tpu.vector_store %arg14[%swap3A_420], %swap3A_423 {strides = array<i32>} : memref<80xi32, #tpu.memory_space<vmem>>, vector<16xi32>,
        %mul3A_424 = arith.constant 80 : i32
        %mul3A_425 = arith.muli %add3A_407, %mul3A_424 : i32
        %add3A_426 = arith.constant 16 : i32
        %add3A_427 = arith.addi %mul3A_425, %add3A_426 : i32
        %get3A_428 = arith.index_cast %add3A_427 : i32 to index
        %get3A_429 = tpu.vector_load %arg8[%get3A_428] {strides = array<i32>} : memref<20000xi32, #tpu.memory_space<vmem>>, vector<16xi32>,
        %get3A_430 = vector.shape_cast %get3A_429 : vector<16xi32> to vector<16xi32>
        %mul3A_431 = arith.constant 2 : i32
        %mul3A_432 = vector.broadcast %mul3A_431 : i32 to vector<16xi32>
        %mul3A_433 = arith.muli %get3A_430, %mul3A_432 : vector<16xi32>
        %add3A_434 = vector.broadcast %arg0 : i32 to vector<16xi32>
        %add3A_435 = arith.addi %mul3A_433, %add3A_434 : vector<16xi32>
        %swap3A_436 = arith.constant 16 : index
        %swap3A_437 = tpu.vector_load %arg14[%swap3A_436] {strides = array<i32>} : memref<80xi32, #tpu.memory_space<vmem>>, vector<16xi32>,
        %swap3A_438 = vector.shape_cast %swap3A_437 : vector<16xi32> to vector<16xi32>
        %swap3A_439 = vector.shape_cast %add3A_435 : vector<16xi32> to vector<16xi32>
        tpu.vector_store %arg14[%swap3A_436], %swap3A_439 {strides = array<i32>} : memref<80xi32, #tpu.memory_space<vmem>>, vector<16xi32>,
        %mul3A_440 = arith.constant 80 : i32
        %mul3A_441 = arith.muli %add3A_407, %mul3A_440 : i32
        %add3A_442 = arith.constant 32 : i32
        %add3A_443 = arith.addi %mul3A_441, %add3A_442 : i32
        %get3A_444 = arith.index_cast %add3A_443 : i32 to index
        %get3A_445 = tpu.vector_load %arg8[%get3A_444] {strides = array<i32>} : memref<20000xi32, #tpu.memory_space<vmem>>, vector<16xi32>,
        %get3A_446 = vector.shape_cast %get3A_445 : vector<16xi32> to vector<16xi32>
        %mul3A_447 = arith.constant 2 : i32
        %mul3A_448 = vector.broadcast %mul3A_447 : i32 to vector<16xi32>
        %mul3A_449 = arith.muli %get3A_446, %mul3A_448 : vector<16xi32>
        %add3A_450 = vector.broadcast %arg0 : i32 to vector<16xi32>
        %add3A_451 = arith.addi %mul3A_449, %add3A_450 : vector<16xi32>
        %swap3A_452 = arith.constant 32 : index
        %swap3A_453 = tpu.vector_load %arg14[%swap3A_452] {strides = array<i32>} : memref<80xi32, #tpu.memory_space<vmem>>, vector<16xi32>,
        %swap3A_454 = vector.shape_cast %swap3A_453 : vector<16xi32> to vector<16xi32>
        %swap3A_455 = vector.shape_cast %add3A_451 : vector<16xi32> to vector<16xi32>
        tpu.vector_store %arg14[%swap3A_452], %swap3A_455 {strides = array<i32>} : memref<80xi32, #tpu.memory_space<vmem>>, vector<16xi32>,
        %mul3A_456 = arith.constant 80 : i32
        %mul3A_457 = arith.muli %add3A_407, %mul3A_456 : i32
        %add3A_458 = arith.constant 48 : i32
        %add3A_459 = arith.addi %mul3A_457, %add3A_458 : i32
        %get3A_460 = arith.index_cast %add3A_459 : i32 to index
        %get3A_461 = tpu.vector_load %arg8[%get3A_460] {strides = array<i32>} : memref<20000xi32, #tpu.memory_space<vmem>>, vector<16xi32>,
        %get3A_462 = vector.shape_cast %get3A_461 : vector<16xi32> to vector<16xi32>
        %mul3A_463 = arith.constant 2 : i32
        %mul3A_464 = vector.broadcast %mul3A_463 : i32 to vector<16xi32>
        %mul3A_465 = arith.muli %get3A_462, %mul3A_464 : vector<16xi32>
        %add3A_466 = vector.broadcast %arg0 : i32 to vector<16xi32>
        %add3A_467 = arith.addi %mul3A_465, %add3A_466 : vector<16xi32>
        %swap3A_468 = arith.constant 48 : index
        %swap3A_469 = tpu.vector_load %arg14[%swap3A_468] {strides = array<i32>} : memref<80xi32, #tpu.memory_space<vmem>>, vector<16xi32>,
        %swap3A_470 = vector.shape_cast %swap3A_469 : vector<16xi32> to vector<16xi32>
        %swap3A_471 = vector.shape_cast %add3A_467 : vector<16xi32> to vector<16xi32>
        tpu.vector_store %arg14[%swap3A_468], %swap3A_471 {strides = array<i32>} : memref<80xi32, #tpu.memory_space<vmem>>, vector<16xi32>,
        %mul3A_472 = arith.constant 80 : i32
        %mul3A_473 = arith.muli %add3A_407, %mul3A_472 : i32
        %add3A_474 = arith.constant 64 : i32
        %add3A_475 = arith.addi %mul3A_473, %add3A_474 : i32
        %get3A_476 = arith.index_cast %add3A_475 : i32 to index
        %get3A_477 = tpu.vector_load %arg8[%get3A_476] {strides = array<i32>} : memref<20000xi32, #tpu.memory_space<vmem>>, vector<16xi32>,
        %get3A_478 = vector.shape_cast %get3A_477 : vector<16xi32> to vector<16xi32>
        %mul3A_479 = arith.constant 2 : i32
        %mul3A_480 = vector.broadcast %mul3A_479 : i32 to vector<16xi32>
        %mul3A_481 = arith.muli %get3A_478, %mul3A_480 : vector<16xi32>
        %add3A_482 = vector.broadcast %arg0 : i32 to vector<16xi32>
        %add3A_483 = arith.addi %mul3A_481, %add3A_482 : vector<16xi32>
        %swap3A_484 = arith.constant 64 : index
        %swap3A_485 = tpu.vector_load %arg14[%swap3A_484] {strides = array<i32>} : memref<80xi32, #tpu.memory_space<vmem>>, vector<16xi32>,
        %swap3A_486 = vector.shape_cast %swap3A_485 : vector<16xi32> to vector<16xi32>
        %swap3A_487 = vector.shape_cast %add3A_483 : vector<16xi32> to vector<16xi32>
        tpu.vector_store %arg14[%swap3A_484], %swap3A_487 {strides = array<i32>} : memref<80xi32, #tpu.memory_space<vmem>>, vector<16xi32>,
        %dma_start3A_488 = arith.constant 0 : i32
        %dma_start3A_489 = arith.constant 0 : i32
        %dma_start3A_490 = tpu.memref_slice %arg2[%dma_start3A_488, %dma_start3A_489] : memref<20000x64xf32, #tpu.memory_space<hbm>> -> memref<20000x64xf32, #tpu.memory_space<hbm>>
        tpu.enqueue_indirect_dma source(%dma_start3A_490 : memref<20000x64xf32, #tpu.memory_space<hbm>>) target(%arg19 : memref<80x64xf32, #tpu.memory_space<vmem>>) offsets(%arg14 : memref<80xi32, #tpu.memory_space<vmem>>) semaphore(%arg27 : memref<!tpu.dma_semaphore, #tpu.memory_space<semaphore_mem>>)
      } else {
      }
    }
    %scan3A_321 = arith.constant 50 : i32
    %barrier3A_322 = arith.constant 0 : index
    tpu.barrier barrier_id(%barrier3A_322)
    %mul3A_323 = arith.constant 640 : i32
    %mul3A_324 = arith.muli %arg1, %mul3A_323 : i32
    %mul3A_325 = arith.constant 640 : i32
    %mul3A_326 = arith.muli %arg1, %mul3A_325 : i32
    %mul3A_327 = arith.constant 64 : i32
    %mul3A_328 = arith.muli %arg0, %mul3A_327 : i32
    "tpu.region"() ({
      %run_scoped3A_329 = tpu.sem_alloc : memref<!tpu.dma_semaphore, #tpu.memory_space<semaphore_mem>>
      %dma_start3A_330 = tpu.memref_slice %arg7[%mul3A_326, %mul3A_328] : memref<10240x128xf32, #tpu.memory_space<hbm>> -> memref<640x64xf32, #tpu.memory_space<hbm>>
      %dma_start3A_331 = arith.constant 0 : i32
      %dma_start3A_332 = tpu.memref_slice %arg21[%mul3A_324, %dma_start3A_331] : memref<10240x64xf32, #tpu.memory_space<vmem_shared>> -> memref<640x64xf32, #tpu.memory_space<vmem_shared>>
      tpu.enqueue_dma source(%dma_start3A_332 : memref<640x64xf32, #tpu.memory_space<vmem_shared>>) target(%dma_start3A_330 : memref<640x64xf32, #tpu.memory_space<hbm>>) target_semaphore(%run_scoped3A_329 : memref<!tpu.dma_semaphore, #tpu.memory_space<semaphore_mem>>)
      %dma_wait3A = tpu.memref_slice %arg7[%mul3A_326, %mul3A_328] : memref<10240x128xf32, #tpu.memory_space<hbm>> -> memref<640x64xf32, #tpu.memory_space<hbm>>
      %dma_wait3A_333 = arith.constant 0 : i32
      %dma_wait3A_334 = tpu.memref_slice %arg21[%mul3A_324, %dma_wait3A_333] : memref<10240x64xf32, #tpu.memory_space<vmem_shared>> -> memref<640x64xf32, #tpu.memory_space<vmem_shared>>
      tpu.wait_dma2 semaphore(%run_scoped3A_329 : memref<!tpu.dma_semaphore, #tpu.memory_space<semaphore_mem>>) src(%dma_wait3A_334 : memref<640x64xf32, #tpu.memory_space<vmem_shared>>) dst(%dma_wait3A : memref<640x64xf32, #tpu.memory_space<hbm>>)
      tpu.yield
    }) : () -> ()
    return
  }
}

#map = affine_map<(d0, d1) -> (0, 0)>
#map1 = affine_map<(d0, d1) -> (0, 0, 0)>
module attributes {stable_mosaic.version = 14 : i64} {
  func.func @body(%arg0: i32, %arg1: i32, %arg2: memref<20000x64xf32, #tpu.memory_space<hbm>>, %arg3: memref<2x320000xi32, #tpu.memory_space<hbm>>, %arg4: memref<640x64xf32, #tpu.memory_space<hbm>>, %arg5: memref<640x8xf32, #tpu.memory_space<hbm>>, %arg6: memref<80x8xf32, #tpu.memory_space<hbm>>, %arg7: memref<10240x128xf32, #tpu.memory_space<hbm>>, %arg8: memref<2x10240x8xf32, #tpu.memory_space<hbm>>, %arg9: memref<20000xi32, #tpu.memory_space<vmem>>, %arg10: memref<20000xi32, #tpu.memory_space<vmem>>, %arg11: memref<80xi32, #tpu.memory_space<vmem>>, %arg12: memref<80xi32, #tpu.memory_space<vmem>>, %arg13: memref<80xi32, #tpu.memory_space<vmem>>, %arg14: memref<80xi32, #tpu.memory_space<vmem>>, %arg15: memref<80xi32, #tpu.memory_space<vmem>>, %arg16: memref<80x64xf32, #tpu.memory_space<vmem>>, %arg17: memref<80x64xf32, #tpu.memory_space<vmem>>, %arg18: memref<80x64xf32, #tpu.memory_space<vmem>>, %arg19: memref<80x64xf32, #tpu.memory_space<vmem>>, %arg20: memref<80x64xf32, #tpu.memory_space<vmem>>, %arg21: memref<80x8xf32, #tpu.memory_space<vmem>>, %arg22: memref<10240x64xf32, #tpu.memory_space<vmem_shared>>, %arg23: memref<10240x8xf32, #tpu.memory_space<vmem_shared>>, %arg24: memref<!tpu.dma_semaphore, #tpu.memory_space<semaphore_mem>>, %arg25: memref<!tpu.dma_semaphore, #tpu.memory_space<semaphore_mem>>, %arg26: memref<!tpu.dma_semaphore, #tpu.memory_space<semaphore_mem>>, %arg27: memref<!tpu.dma_semaphore, #tpu.memory_space<semaphore_mem>>, %arg28: memref<!tpu.dma_semaphore, #tpu.memory_space<semaphore_mem>>, %arg29: memref<!tpu.dma_semaphore, #tpu.memory_space<semaphore_mem>>) attributes {dimension_semantics = [#tpu.dimension_semantics<core_parallel>, #tpu.dimension_semantics<subcore_parallel>], iteration_bounds = array<i64: 2, 16>, scalar_prefetch = 0 : i64, scratch_operands = 21 : i64, tpu.core_type = #tpu.core_type<sc_vector_subcore>, window_params = [{transform_indices = #map}, {transform_indices = #map}, {transform_indices = #map}, {transform_indices = #map}, {transform_indices = #map}, {transform_indices = #map}, {transform_indices = #map1}]} {
    %mul3A = arith.constant 20000 : i32
    %mul3A_0 = arith.muli %arg1, %mul3A : i32
    %run_scoped3A = arith.constant 0 : i32
    "tpu.region"() ({
      %run_scoped3A_359 = tpu.sem_alloc : memref<!tpu.dma_semaphore, #tpu.memory_space<semaphore_mem>>
      %dma_start3A_360 = tpu.memref_slice %arg3[%run_scoped3A, %mul3A_0] : memref<2x320000xi32, #tpu.memory_space<hbm>> -> memref<1x20000xi32, #tpu.memory_space<hbm>>
      %dma_start3A_361 = tpu.memref_squeeze %dma_start3A_360 : memref<1x20000xi32, #tpu.memory_space<hbm>> -> memref<20000xi32, #tpu.memory_space<hbm>>
      %dma_start3A_362 = tpu.memref_slice %arg3[%run_scoped3A, %mul3A_0] : memref<2x320000xi32, #tpu.memory_space<hbm>> -> memref<1x20000xi32, #tpu.memory_space<hbm>>
      %dma_start3A_363 = tpu.memref_squeeze %dma_start3A_362 : memref<1x20000xi32, #tpu.memory_space<hbm>> -> memref<20000xi32, #tpu.memory_space<hbm>>
      tpu.enqueue_dma source(%dma_start3A_363 : memref<20000xi32, #tpu.memory_space<hbm>>) target(%arg9 : memref<20000xi32, #tpu.memory_space<vmem>>) target_semaphore(%run_scoped3A_359 : memref<!tpu.dma_semaphore, #tpu.memory_space<semaphore_mem>>)
      %dma_wait3A_364 = tpu.memref_slice %arg3[%run_scoped3A, %mul3A_0] : memref<2x320000xi32, #tpu.memory_space<hbm>> -> memref<1x20000xi32, #tpu.memory_space<hbm>>
      %dma_wait3A_365 = tpu.memref_squeeze %dma_wait3A_364 : memref<1x20000xi32, #tpu.memory_space<hbm>> -> memref<20000xi32, #tpu.memory_space<hbm>>
      %dma_wait3A_366 = tpu.memref_slice %arg3[%run_scoped3A, %mul3A_0] : memref<2x320000xi32, #tpu.memory_space<hbm>> -> memref<1x20000xi32, #tpu.memory_space<hbm>>
      %dma_wait3A_367 = tpu.memref_squeeze %dma_wait3A_366 : memref<1x20000xi32, #tpu.memory_space<hbm>> -> memref<20000xi32, #tpu.memory_space<hbm>>
      tpu.wait_dma2 semaphore(%run_scoped3A_359 : memref<!tpu.dma_semaphore, #tpu.memory_space<semaphore_mem>>) src(%dma_wait3A_367 : memref<20000xi32, #tpu.memory_space<hbm>>) dst(%arg9 : memref<20000xi32, #tpu.memory_space<vmem>>)
      tpu.yield
    }) : () -> ()
    %mul3A_1 = arith.constant 20000 : i32
    %mul3A_2 = arith.muli %arg1, %mul3A_1 : i32
    %run_scoped3A_3 = arith.constant 1 : i32
    "tpu.region"() ({
      %run_scoped3A_359 = tpu.sem_alloc : memref<!tpu.dma_semaphore, #tpu.memory_space<semaphore_mem>>
      %dma_start3A_360 = tpu.memref_slice %arg3[%run_scoped3A_3, %mul3A_2] : memref<2x320000xi32, #tpu.memory_space<hbm>> -> memref<1x20000xi32, #tpu.memory_space<hbm>>
      %dma_start3A_361 = tpu.memref_squeeze %dma_start3A_360 : memref<1x20000xi32, #tpu.memory_space<hbm>> -> memref<20000xi32, #tpu.memory_space<hbm>>
      %dma_start3A_362 = tpu.memref_slice %arg3[%run_scoped3A_3, %mul3A_2] : memref<2x320000xi32, #tpu.memory_space<hbm>> -> memref<1x20000xi32, #tpu.memory_space<hbm>>
      %dma_start3A_363 = tpu.memref_squeeze %dma_start3A_362 : memref<1x20000xi32, #tpu.memory_space<hbm>> -> memref<20000xi32, #tpu.memory_space<hbm>>
      tpu.enqueue_dma source(%dma_start3A_363 : memref<20000xi32, #tpu.memory_space<hbm>>) target(%arg10 : memref<20000xi32, #tpu.memory_space<vmem>>) target_semaphore(%run_scoped3A_359 : memref<!tpu.dma_semaphore, #tpu.memory_space<semaphore_mem>>)
      %dma_wait3A_364 = tpu.memref_slice %arg3[%run_scoped3A_3, %mul3A_2] : memref<2x320000xi32, #tpu.memory_space<hbm>> -> memref<1x20000xi32, #tpu.memory_space<hbm>>
      %dma_wait3A_365 = tpu.memref_squeeze %dma_wait3A_364 : memref<1x20000xi32, #tpu.memory_space<hbm>> -> memref<20000xi32, #tpu.memory_space<hbm>>
      %dma_wait3A_366 = tpu.memref_slice %arg3[%run_scoped3A_3, %mul3A_2] : memref<2x320000xi32, #tpu.memory_space<hbm>> -> memref<1x20000xi32, #tpu.memory_space<hbm>>
      %dma_wait3A_367 = tpu.memref_squeeze %dma_wait3A_366 : memref<1x20000xi32, #tpu.memory_space<hbm>> -> memref<20000xi32, #tpu.memory_space<hbm>>
      tpu.wait_dma2 semaphore(%run_scoped3A_359 : memref<!tpu.dma_semaphore, #tpu.memory_space<semaphore_mem>>) src(%dma_wait3A_367 : memref<20000xi32, #tpu.memory_space<hbm>>) dst(%arg10 : memref<20000xi32, #tpu.memory_space<vmem>>)
      tpu.yield
    }) : () -> ()
    "tpu.region"() ({
      %run_scoped3A_359 = tpu.sem_alloc : memref<!tpu.dma_semaphore, #tpu.memory_space<semaphore_mem>>
      tpu.enqueue_dma source(%arg6 : memref<80x8xf32, #tpu.memory_space<hbm>>) target(%arg21 : memref<80x8xf32, #tpu.memory_space<vmem>>) target_semaphore(%run_scoped3A_359 : memref<!tpu.dma_semaphore, #tpu.memory_space<semaphore_mem>>)
      tpu.wait_dma2 semaphore(%run_scoped3A_359 : memref<!tpu.dma_semaphore, #tpu.memory_space<semaphore_mem>>) src(%arg6 : memref<80x8xf32, #tpu.memory_space<hbm>>) dst(%arg21 : memref<80x8xf32, #tpu.memory_space<vmem>>)
      tpu.yield
    }) : () -> ()
    %mul3A_4 = arith.constant 640 : i32
    %mul3A_5 = arith.muli %arg1, %mul3A_4 : i32
    "tpu.region"() ({
      %run_scoped3A_359 = tpu.sem_alloc : memref<!tpu.dma_semaphore, #tpu.memory_space<semaphore_mem>>
      %dma_start3A_360 = arith.constant 0 : i32
      %dma_start3A_361 = tpu.memref_slice %arg22[%mul3A_5, %dma_start3A_360] : memref<10240x64xf32, #tpu.memory_space<vmem_shared>> -> memref<640x64xf32, #tpu.memory_space<vmem_shared>>
      tpu.enqueue_dma source(%arg4 : memref<640x64xf32, #tpu.memory_space<hbm>>) target(%dma_start3A_361 : memref<640x64xf32, #tpu.memory_space<vmem_shared>>) target_semaphore(%run_scoped3A_359 : memref<!tpu.dma_semaphore, #tpu.memory_space<semaphore_mem>>)
      %dma_wait3A_362 = arith.constant 0 : i32
      %dma_wait3A_363 = tpu.memref_slice %arg22[%mul3A_5, %dma_wait3A_362] : memref<10240x64xf32, #tpu.memory_space<vmem_shared>> -> memref<640x64xf32, #tpu.memory_space<vmem_shared>>
      tpu.wait_dma2 semaphore(%run_scoped3A_359 : memref<!tpu.dma_semaphore, #tpu.memory_space<semaphore_mem>>) src(%arg4 : memref<640x64xf32, #tpu.memory_space<hbm>>) dst(%dma_wait3A_363 : memref<640x64xf32, #tpu.memory_space<vmem_shared>>)
      tpu.yield
    }) : () -> ()
    %mul3A_6 = arith.constant 640 : i32
    %mul3A_7 = arith.muli %arg1, %mul3A_6 : i32
    "tpu.region"() ({
      %run_scoped3A_359 = tpu.sem_alloc : memref<!tpu.dma_semaphore, #tpu.memory_space<semaphore_mem>>
      %dma_start3A_360 = arith.constant 0 : i32
      %dma_start3A_361 = tpu.memref_slice %arg23[%mul3A_7, %dma_start3A_360] : memref<10240x8xf32, #tpu.memory_space<vmem_shared>> -> memref<640x8xf32, #tpu.memory_space<vmem_shared>>
      tpu.enqueue_dma source(%arg5 : memref<640x8xf32, #tpu.memory_space<hbm>>) target(%dma_start3A_361 : memref<640x8xf32, #tpu.memory_space<vmem_shared>>) target_semaphore(%run_scoped3A_359 : memref<!tpu.dma_semaphore, #tpu.memory_space<semaphore_mem>>)
      %dma_wait3A_362 = arith.constant 0 : i32
      %dma_wait3A_363 = tpu.memref_slice %arg23[%mul3A_7, %dma_wait3A_362] : memref<10240x8xf32, #tpu.memory_space<vmem_shared>> -> memref<640x8xf32, #tpu.memory_space<vmem_shared>>
      tpu.wait_dma2 semaphore(%run_scoped3A_359 : memref<!tpu.dma_semaphore, #tpu.memory_space<semaphore_mem>>) src(%arg5 : memref<640x8xf32, #tpu.memory_space<hbm>>) dst(%dma_wait3A_363 : memref<640x8xf32, #tpu.memory_space<vmem_shared>>)
      tpu.yield
    }) : () -> ()
    %get3A = arith.constant 0 : index
    %get3A_8 = tpu.vector_load %arg9[%get3A] {strides = array<i32>} : memref<20000xi32, #tpu.memory_space<vmem>>, vector<16xi32>,
    %get3A_9 = vector.shape_cast %get3A_8 : vector<16xi32> to vector<16xi32>
    %mul3A_10 = arith.constant 2 : i32
    %mul3A_11 = vector.broadcast %mul3A_10 : i32 to vector<16xi32>
    %mul3A_12 = arith.muli %get3A_9, %mul3A_11 : vector<16xi32>
    %add3A = vector.broadcast %arg0 : i32 to vector<16xi32>
    %add3A_13 = arith.addi %mul3A_12, %add3A : vector<16xi32>
    %swap3A = arith.constant 0 : index
    %swap3A_14 = tpu.vector_load %arg11[%swap3A] {strides = array<i32>} : memref<80xi32, #tpu.memory_space<vmem>>, vector<16xi32>,
    %swap3A_15 = vector.shape_cast %swap3A_14 : vector<16xi32> to vector<16xi32>
    %swap3A_16 = vector.shape_cast %add3A_13 : vector<16xi32> to vector<16xi32>
    tpu.vector_store %arg11[%swap3A], %swap3A_16 {strides = array<i32>} : memref<80xi32, #tpu.memory_space<vmem>>, vector<16xi32>,
    %get3A_17 = arith.constant 16 : index
    %get3A_18 = tpu.vector_load %arg9[%get3A_17] {strides = array<i32>} : memref<20000xi32, #tpu.memory_space<vmem>>, vector<16xi32>,
    %get3A_19 = vector.shape_cast %get3A_18 : vector<16xi32> to vector<16xi32>
    %mul3A_20 = arith.constant 2 : i32
    %mul3A_21 = vector.broadcast %mul3A_20 : i32 to vector<16xi32>
    %mul3A_22 = arith.muli %get3A_19, %mul3A_21 : vector<16xi32>
    %add3A_23 = vector.broadcast %arg0 : i32 to vector<16xi32>
    %add3A_24 = arith.addi %mul3A_22, %add3A_23 : vector<16xi32>
    %swap3A_25 = arith.constant 16 : index
    %swap3A_26 = tpu.vector_load %arg11[%swap3A_25] {strides = array<i32>} : memref<80xi32, #tpu.memory_space<vmem>>, vector<16xi32>,
    %swap3A_27 = vector.shape_cast %swap3A_26 : vector<16xi32> to vector<16xi32>
    %swap3A_28 = vector.shape_cast %add3A_24 : vector<16xi32> to vector<16xi32>
    tpu.vector_store %arg11[%swap3A_25], %swap3A_28 {strides = array<i32>} : memref<80xi32, #tpu.memory_space<vmem>>, vector<16xi32>,
    %get3A_29 = arith.constant 32 : index
    %get3A_30 = tpu.vector_load %arg9[%get3A_29] {strides = array<i32>} : memref<20000xi32, #tpu.memory_space<vmem>>, vector<16xi32>,
    %get3A_31 = vector.shape_cast %get3A_30 : vector<16xi32> to vector<16xi32>
    %mul3A_32 = arith.constant 2 : i32
    %mul3A_33 = vector.broadcast %mul3A_32 : i32 to vector<16xi32>
    %mul3A_34 = arith.muli %get3A_31, %mul3A_33 : vector<16xi32>
    %add3A_35 = vector.broadcast %arg0 : i32 to vector<16xi32>
    %add3A_36 = arith.addi %mul3A_34, %add3A_35 : vector<16xi32>
    %swap3A_37 = arith.constant 32 : index
    %swap3A_38 = tpu.vector_load %arg11[%swap3A_37] {strides = array<i32>} : memref<80xi32, #tpu.memory_space<vmem>>, vector<16xi32>,
    %swap3A_39 = vector.shape_cast %swap3A_38 : vector<16xi32> to vector<16xi32>
    %swap3A_40 = vector.shape_cast %add3A_36 : vector<16xi32> to vector<16xi32>
    tpu.vector_store %arg11[%swap3A_37], %swap3A_40 {strides = array<i32>} : memref<80xi32, #tpu.memory_space<vmem>>, vector<16xi32>,
    %get3A_41 = arith.constant 48 : index
    %get3A_42 = tpu.vector_load %arg9[%get3A_41] {strides = array<i32>} : memref<20000xi32, #tpu.memory_space<vmem>>, vector<16xi32>,
    %get3A_43 = vector.shape_cast %get3A_42 : vector<16xi32> to vector<16xi32>
    %mul3A_44 = arith.constant 2 : i32
    %mul3A_45 = vector.broadcast %mul3A_44 : i32 to vector<16xi32>
    %mul3A_46 = arith.muli %get3A_43, %mul3A_45 : vector<16xi32>
    %add3A_47 = vector.broadcast %arg0 : i32 to vector<16xi32>
    %add3A_48 = arith.addi %mul3A_46, %add3A_47 : vector<16xi32>
    %swap3A_49 = arith.constant 48 : index
    %swap3A_50 = tpu.vector_load %arg11[%swap3A_49] {strides = array<i32>} : memref<80xi32, #tpu.memory_space<vmem>>, vector<16xi32>,
    %swap3A_51 = vector.shape_cast %swap3A_50 : vector<16xi32> to vector<16xi32>
    %swap3A_52 = vector.shape_cast %add3A_48 : vector<16xi32> to vector<16xi32>
    tpu.vector_store %arg11[%swap3A_49], %swap3A_52 {strides = array<i32>} : memref<80xi32, #tpu.memory_space<vmem>>, vector<16xi32>,
    %get3A_53 = arith.constant 64 : index
    %get3A_54 = tpu.vector_load %arg9[%get3A_53] {strides = array<i32>} : memref<20000xi32, #tpu.memory_space<vmem>>, vector<16xi32>,
    %get3A_55 = vector.shape_cast %get3A_54 : vector<16xi32> to vector<16xi32>
    %mul3A_56 = arith.constant 2 : i32
    %mul3A_57 = vector.broadcast %mul3A_56 : i32 to vector<16xi32>
    %mul3A_58 = arith.muli %get3A_55, %mul3A_57 : vector<16xi32>
    %add3A_59 = vector.broadcast %arg0 : i32 to vector<16xi32>
    %add3A_60 = arith.addi %mul3A_58, %add3A_59 : vector<16xi32>
    %swap3A_61 = arith.constant 64 : index
    %swap3A_62 = tpu.vector_load %arg11[%swap3A_61] {strides = array<i32>} : memref<80xi32, #tpu.memory_space<vmem>>, vector<16xi32>,
    %swap3A_63 = vector.shape_cast %swap3A_62 : vector<16xi32> to vector<16xi32>
    %swap3A_64 = vector.shape_cast %add3A_60 : vector<16xi32> to vector<16xi32>
    tpu.vector_store %arg11[%swap3A_61], %swap3A_64 {strides = array<i32>} : memref<80xi32, #tpu.memory_space<vmem>>, vector<16xi32>,
    %dma_start3A = arith.constant 0 : i32
    %dma_start3A_65 = arith.constant 0 : i32
    %dma_start3A_66 = tpu.memref_slice %arg2[%dma_start3A, %dma_start3A_65] : memref<20000x64xf32, #tpu.memory_space<hbm>> -> memref<20000x64xf32, #tpu.memory_space<hbm>>
    tpu.enqueue_indirect_dma source(%dma_start3A_66 : memref<20000x64xf32, #tpu.memory_space<hbm>>) target(%arg16 : memref<80x64xf32, #tpu.memory_space<vmem>>) offsets(%arg11 : memref<80xi32, #tpu.memory_space<vmem>>) semaphore(%arg24 : memref<!tpu.dma_semaphore, #tpu.memory_space<semaphore_mem>>)
    %get3A_67 = arith.constant 80 : index
    %get3A_68 = tpu.vector_load %arg9[%get3A_67] {strides = array<i32>} : memref<20000xi32, #tpu.memory_space<vmem>>, vector<16xi32>,
    %get3A_69 = vector.shape_cast %get3A_68 : vector<16xi32> to vector<16xi32>
    %mul3A_70 = arith.constant 2 : i32
    %mul3A_71 = vector.broadcast %mul3A_70 : i32 to vector<16xi32>
    %mul3A_72 = arith.muli %get3A_69, %mul3A_71 : vector<16xi32>
    %add3A_73 = vector.broadcast %arg0 : i32 to vector<16xi32>
    %add3A_74 = arith.addi %mul3A_72, %add3A_73 : vector<16xi32>
    %swap3A_75 = arith.constant 0 : index
    %swap3A_76 = tpu.vector_load %arg12[%swap3A_75] {strides = array<i32>} : memref<80xi32, #tpu.memory_space<vmem>>, vector<16xi32>,
    %swap3A_77 = vector.shape_cast %swap3A_76 : vector<16xi32> to vector<16xi32>
    %swap3A_78 = vector.shape_cast %add3A_74 : vector<16xi32> to vector<16xi32>
    tpu.vector_store %arg12[%swap3A_75], %swap3A_78 {strides = array<i32>} : memref<80xi32, #tpu.memory_space<vmem>>, vector<16xi32>,
    %get3A_79 = arith.constant 96 : index
    %get3A_80 = tpu.vector_load %arg9[%get3A_79] {strides = array<i32>} : memref<20000xi32, #tpu.memory_space<vmem>>, vector<16xi32>,
    %get3A_81 = vector.shape_cast %get3A_80 : vector<16xi32> to vector<16xi32>
    %mul3A_82 = arith.constant 2 : i32
    %mul3A_83 = vector.broadcast %mul3A_82 : i32 to vector<16xi32>
    %mul3A_84 = arith.muli %get3A_81, %mul3A_83 : vector<16xi32>
    %add3A_85 = vector.broadcast %arg0 : i32 to vector<16xi32>
    %add3A_86 = arith.addi %mul3A_84, %add3A_85 : vector<16xi32>
    %swap3A_87 = arith.constant 16 : index
    %swap3A_88 = tpu.vector_load %arg12[%swap3A_87] {strides = array<i32>} : memref<80xi32, #tpu.memory_space<vmem>>, vector<16xi32>,
    %swap3A_89 = vector.shape_cast %swap3A_88 : vector<16xi32> to vector<16xi32>
    %swap3A_90 = vector.shape_cast %add3A_86 : vector<16xi32> to vector<16xi32>
    tpu.vector_store %arg12[%swap3A_87], %swap3A_90 {strides = array<i32>} : memref<80xi32, #tpu.memory_space<vmem>>, vector<16xi32>,
    %get3A_91 = arith.constant 112 : index
    %get3A_92 = tpu.vector_load %arg9[%get3A_91] {strides = array<i32>} : memref<20000xi32, #tpu.memory_space<vmem>>, vector<16xi32>,
    %get3A_93 = vector.shape_cast %get3A_92 : vector<16xi32> to vector<16xi32>
    %mul3A_94 = arith.constant 2 : i32
    %mul3A_95 = vector.broadcast %mul3A_94 : i32 to vector<16xi32>
    %mul3A_96 = arith.muli %get3A_93, %mul3A_95 : vector<16xi32>
    %add3A_97 = vector.broadcast %arg0 : i32 to vector<16xi32>
    %add3A_98 = arith.addi %mul3A_96, %add3A_97 : vector<16xi32>
    %swap3A_99 = arith.constant 32 : index
    %swap3A_100 = tpu.vector_load %arg12[%swap3A_99] {strides = array<i32>} : memref<80xi32, #tpu.memory_space<vmem>>, vector<16xi32>,
    %swap3A_101 = vector.shape_cast %swap3A_100 : vector<16xi32> to vector<16xi32>
    %swap3A_102 = vector.shape_cast %add3A_98 : vector<16xi32> to vector<16xi32>
    tpu.vector_store %arg12[%swap3A_99], %swap3A_102 {strides = array<i32>} : memref<80xi32, #tpu.memory_space<vmem>>, vector<16xi32>,
    %get3A_103 = arith.constant 128 : index
    %get3A_104 = tpu.vector_load %arg9[%get3A_103] {strides = array<i32>} : memref<20000xi32, #tpu.memory_space<vmem>>, vector<16xi32>,
    %get3A_105 = vector.shape_cast %get3A_104 : vector<16xi32> to vector<16xi32>
    %mul3A_106 = arith.constant 2 : i32
    %mul3A_107 = vector.broadcast %mul3A_106 : i32 to vector<16xi32>
    %mul3A_108 = arith.muli %get3A_105, %mul3A_107 : vector<16xi32>
    %add3A_109 = vector.broadcast %arg0 : i32 to vector<16xi32>
    %add3A_110 = arith.addi %mul3A_108, %add3A_109 : vector<16xi32>
    %swap3A_111 = arith.constant 48 : index
    %swap3A_112 = tpu.vector_load %arg12[%swap3A_111] {strides = array<i32>} : memref<80xi32, #tpu.memory_space<vmem>>, vector<16xi32>,
    %swap3A_113 = vector.shape_cast %swap3A_112 : vector<16xi32> to vector<16xi32>
    %swap3A_114 = vector.shape_cast %add3A_110 : vector<16xi32> to vector<16xi32>
    tpu.vector_store %arg12[%swap3A_111], %swap3A_114 {strides = array<i32>} : memref<80xi32, #tpu.memory_space<vmem>>, vector<16xi32>,
    %get3A_115 = arith.constant 144 : index
    %get3A_116 = tpu.vector_load %arg9[%get3A_115] {strides = array<i32>} : memref<20000xi32, #tpu.memory_space<vmem>>, vector<16xi32>,
    %get3A_117 = vector.shape_cast %get3A_116 : vector<16xi32> to vector<16xi32>
    %mul3A_118 = arith.constant 2 : i32
    %mul3A_119 = vector.broadcast %mul3A_118 : i32 to vector<16xi32>
    %mul3A_120 = arith.muli %get3A_117, %mul3A_119 : vector<16xi32>
    %add3A_121 = vector.broadcast %arg0 : i32 to vector<16xi32>
    %add3A_122 = arith.addi %mul3A_120, %add3A_121 : vector<16xi32>
    %swap3A_123 = arith.constant 64 : index
    %swap3A_124 = tpu.vector_load %arg12[%swap3A_123] {strides = array<i32>} : memref<80xi32, #tpu.memory_space<vmem>>, vector<16xi32>,
    %swap3A_125 = vector.shape_cast %swap3A_124 : vector<16xi32> to vector<16xi32>
    %swap3A_126 = vector.shape_cast %add3A_122 : vector<16xi32> to vector<16xi32>
    tpu.vector_store %arg12[%swap3A_123], %swap3A_126 {strides = array<i32>} : memref<80xi32, #tpu.memory_space<vmem>>, vector<16xi32>,
    %dma_start3A_127 = arith.constant 0 : i32
    %dma_start3A_128 = arith.constant 0 : i32
    %dma_start3A_129 = tpu.memref_slice %arg2[%dma_start3A_127, %dma_start3A_128] : memref<20000x64xf32, #tpu.memory_space<hbm>> -> memref<20000x64xf32, #tpu.memory_space<hbm>>
    tpu.enqueue_indirect_dma source(%dma_start3A_129 : memref<20000x64xf32, #tpu.memory_space<hbm>>) target(%arg17 : memref<80x64xf32, #tpu.memory_space<vmem>>) offsets(%arg12 : memref<80xi32, #tpu.memory_space<vmem>>) semaphore(%arg25 : memref<!tpu.dma_semaphore, #tpu.memory_space<semaphore_mem>>)
    %get3A_130 = arith.constant 160 : index
    %get3A_131 = tpu.vector_load %arg9[%get3A_130] {strides = array<i32>} : memref<20000xi32, #tpu.memory_space<vmem>>, vector<16xi32>,
    %get3A_132 = vector.shape_cast %get3A_131 : vector<16xi32> to vector<16xi32>
    %mul3A_133 = arith.constant 2 : i32
    %mul3A_134 = vector.broadcast %mul3A_133 : i32 to vector<16xi32>
    %mul3A_135 = arith.muli %get3A_132, %mul3A_134 : vector<16xi32>
    %add3A_136 = vector.broadcast %arg0 : i32 to vector<16xi32>
    %add3A_137 = arith.addi %mul3A_135, %add3A_136 : vector<16xi32>
    %swap3A_138 = arith.constant 0 : index
    %swap3A_139 = tpu.vector_load %arg13[%swap3A_138] {strides = array<i32>} : memref<80xi32, #tpu.memory_space<vmem>>, vector<16xi32>,
    %swap3A_140 = vector.shape_cast %swap3A_139 : vector<16xi32> to vector<16xi32>
    %swap3A_141 = vector.shape_cast %add3A_137 : vector<16xi32> to vector<16xi32>
    tpu.vector_store %arg13[%swap3A_138], %swap3A_141 {strides = array<i32>} : memref<80xi32, #tpu.memory_space<vmem>>, vector<16xi32>,
    %get3A_142 = arith.constant 176 : index
    %get3A_143 = tpu.vector_load %arg9[%get3A_142] {strides = array<i32>} : memref<20000xi32, #tpu.memory_space<vmem>>, vector<16xi32>,
    %get3A_144 = vector.shape_cast %get3A_143 : vector<16xi32> to vector<16xi32>
    %mul3A_145 = arith.constant 2 : i32
    %mul3A_146 = vector.broadcast %mul3A_145 : i32 to vector<16xi32>
    %mul3A_147 = arith.muli %get3A_144, %mul3A_146 : vector<16xi32>
    %add3A_148 = vector.broadcast %arg0 : i32 to vector<16xi32>
    %add3A_149 = arith.addi %mul3A_147, %add3A_148 : vector<16xi32>
    %swap3A_150 = arith.constant 16 : index
    %swap3A_151 = tpu.vector_load %arg13[%swap3A_150] {strides = array<i32>} : memref<80xi32, #tpu.memory_space<vmem>>, vector<16xi32>,
    %swap3A_152 = vector.shape_cast %swap3A_151 : vector<16xi32> to vector<16xi32>
    %swap3A_153 = vector.shape_cast %add3A_149 : vector<16xi32> to vector<16xi32>
    tpu.vector_store %arg13[%swap3A_150], %swap3A_153 {strides = array<i32>} : memref<80xi32, #tpu.memory_space<vmem>>, vector<16xi32>,
    %get3A_154 = arith.constant 192 : index
    %get3A_155 = tpu.vector_load %arg9[%get3A_154] {strides = array<i32>} : memref<20000xi32, #tpu.memory_space<vmem>>, vector<16xi32>,
    %get3A_156 = vector.shape_cast %get3A_155 : vector<16xi32> to vector<16xi32>
    %mul3A_157 = arith.constant 2 : i32
    %mul3A_158 = vector.broadcast %mul3A_157 : i32 to vector<16xi32>
    %mul3A_159 = arith.muli %get3A_156, %mul3A_158 : vector<16xi32>
    %add3A_160 = vector.broadcast %arg0 : i32 to vector<16xi32>
    %add3A_161 = arith.addi %mul3A_159, %add3A_160 : vector<16xi32>
    %swap3A_162 = arith.constant 32 : index
    %swap3A_163 = tpu.vector_load %arg13[%swap3A_162] {strides = array<i32>} : memref<80xi32, #tpu.memory_space<vmem>>, vector<16xi32>,
    %swap3A_164 = vector.shape_cast %swap3A_163 : vector<16xi32> to vector<16xi32>
    %swap3A_165 = vector.shape_cast %add3A_161 : vector<16xi32> to vector<16xi32>
    tpu.vector_store %arg13[%swap3A_162], %swap3A_165 {strides = array<i32>} : memref<80xi32, #tpu.memory_space<vmem>>, vector<16xi32>,
    %get3A_166 = arith.constant 208 : index
    %get3A_167 = tpu.vector_load %arg9[%get3A_166] {strides = array<i32>} : memref<20000xi32, #tpu.memory_space<vmem>>, vector<16xi32>,
    %get3A_168 = vector.shape_cast %get3A_167 : vector<16xi32> to vector<16xi32>
    %mul3A_169 = arith.constant 2 : i32
    %mul3A_170 = vector.broadcast %mul3A_169 : i32 to vector<16xi32>
    %mul3A_171 = arith.muli %get3A_168, %mul3A_170 : vector<16xi32>
    %add3A_172 = vector.broadcast %arg0 : i32 to vector<16xi32>
    %add3A_173 = arith.addi %mul3A_171, %add3A_172 : vector<16xi32>
    %swap3A_174 = arith.constant 48 : index
    %swap3A_175 = tpu.vector_load %arg13[%swap3A_174] {strides = array<i32>} : memref<80xi32, #tpu.memory_space<vmem>>, vector<16xi32>,
    %swap3A_176 = vector.shape_cast %swap3A_175 : vector<16xi32> to vector<16xi32>
    %swap3A_177 = vector.shape_cast %add3A_173 : vector<16xi32> to vector<16xi32>
    tpu.vector_store %arg13[%swap3A_174], %swap3A_177 {strides = array<i32>} : memref<80xi32, #tpu.memory_space<vmem>>, vector<16xi32>,
    %get3A_178 = arith.constant 224 : index
    %get3A_179 = tpu.vector_load %arg9[%get3A_178] {strides = array<i32>} : memref<20000xi32, #tpu.memory_space<vmem>>, vector<16xi32>,
    %get3A_180 = vector.shape_cast %get3A_179 : vector<16xi32> to vector<16xi32>
    %mul3A_181 = arith.constant 2 : i32
    %mul3A_182 = vector.broadcast %mul3A_181 : i32 to vector<16xi32>
    %mul3A_183 = arith.muli %get3A_180, %mul3A_182 : vector<16xi32>
    %add3A_184 = vector.broadcast %arg0 : i32 to vector<16xi32>
    %add3A_185 = arith.addi %mul3A_183, %add3A_184 : vector<16xi32>
    %swap3A_186 = arith.constant 64 : index
    %swap3A_187 = tpu.vector_load %arg13[%swap3A_186] {strides = array<i32>} : memref<80xi32, #tpu.memory_space<vmem>>, vector<16xi32>,
    %swap3A_188 = vector.shape_cast %swap3A_187 : vector<16xi32> to vector<16xi32>
    %swap3A_189 = vector.shape_cast %add3A_185 : vector<16xi32> to vector<16xi32>
    tpu.vector_store %arg13[%swap3A_186], %swap3A_189 {strides = array<i32>} : memref<80xi32, #tpu.memory_space<vmem>>, vector<16xi32>,
    %dma_start3A_190 = arith.constant 0 : i32
    %dma_start3A_191 = arith.constant 0 : i32
    %dma_start3A_192 = tpu.memref_slice %arg2[%dma_start3A_190, %dma_start3A_191] : memref<20000x64xf32, #tpu.memory_space<hbm>> -> memref<20000x64xf32, #tpu.memory_space<hbm>>
    tpu.enqueue_indirect_dma source(%dma_start3A_192 : memref<20000x64xf32, #tpu.memory_space<hbm>>) target(%arg18 : memref<80x64xf32, #tpu.memory_space<vmem>>) offsets(%arg13 : memref<80xi32, #tpu.memory_space<vmem>>) semaphore(%arg26 : memref<!tpu.dma_semaphore, #tpu.memory_space<semaphore_mem>>)
    %get3A_193 = arith.constant 240 : index
    %get3A_194 = tpu.vector_load %arg9[%get3A_193] {strides = array<i32>} : memref<20000xi32, #tpu.memory_space<vmem>>, vector<16xi32>,
    %get3A_195 = vector.shape_cast %get3A_194 : vector<16xi32> to vector<16xi32>
    %mul3A_196 = arith.constant 2 : i32
    %mul3A_197 = vector.broadcast %mul3A_196 : i32 to vector<16xi32>
    %mul3A_198 = arith.muli %get3A_195, %mul3A_197 : vector<16xi32>
    %add3A_199 = vector.broadcast %arg0 : i32 to vector<16xi32>
    %add3A_200 = arith.addi %mul3A_198, %add3A_199 : vector<16xi32>
    %swap3A_201 = arith.constant 0 : index
    %swap3A_202 = tpu.vector_load %arg14[%swap3A_201] {strides = array<i32>} : memref<80xi32, #tpu.memory_space<vmem>>, vector<16xi32>,
    %swap3A_203 = vector.shape_cast %swap3A_202 : vector<16xi32> to vector<16xi32>
    %swap3A_204 = vector.shape_cast %add3A_200 : vector<16xi32> to vector<16xi32>
    tpu.vector_store %arg14[%swap3A_201], %swap3A_204 {strides = array<i32>} : memref<80xi32, #tpu.memory_space<vmem>>, vector<16xi32>,
    %get3A_205 = arith.constant 256 : index
    %get3A_206 = tpu.vector_load %arg9[%get3A_205] {strides = array<i32>} : memref<20000xi32, #tpu.memory_space<vmem>>, vector<16xi32>,
    %get3A_207 = vector.shape_cast %get3A_206 : vector<16xi32> to vector<16xi32>
    %mul3A_208 = arith.constant 2 : i32
    %mul3A_209 = vector.broadcast %mul3A_208 : i32 to vector<16xi32>
    %mul3A_210 = arith.muli %get3A_207, %mul3A_209 : vector<16xi32>
    %add3A_211 = vector.broadcast %arg0 : i32 to vector<16xi32>
    %add3A_212 = arith.addi %mul3A_210, %add3A_211 : vector<16xi32>
    %swap3A_213 = arith.constant 16 : index
    %swap3A_214 = tpu.vector_load %arg14[%swap3A_213] {strides = array<i32>} : memref<80xi32, #tpu.memory_space<vmem>>, vector<16xi32>,
    %swap3A_215 = vector.shape_cast %swap3A_214 : vector<16xi32> to vector<16xi32>
    %swap3A_216 = vector.shape_cast %add3A_212 : vector<16xi32> to vector<16xi32>
    tpu.vector_store %arg14[%swap3A_213], %swap3A_216 {strides = array<i32>} : memref<80xi32, #tpu.memory_space<vmem>>, vector<16xi32>,
    %get3A_217 = arith.constant 272 : index
    %get3A_218 = tpu.vector_load %arg9[%get3A_217] {strides = array<i32>} : memref<20000xi32, #tpu.memory_space<vmem>>, vector<16xi32>,
    %get3A_219 = vector.shape_cast %get3A_218 : vector<16xi32> to vector<16xi32>
    %mul3A_220 = arith.constant 2 : i32
    %mul3A_221 = vector.broadcast %mul3A_220 : i32 to vector<16xi32>
    %mul3A_222 = arith.muli %get3A_219, %mul3A_221 : vector<16xi32>
    %add3A_223 = vector.broadcast %arg0 : i32 to vector<16xi32>
    %add3A_224 = arith.addi %mul3A_222, %add3A_223 : vector<16xi32>
    %swap3A_225 = arith.constant 32 : index
    %swap3A_226 = tpu.vector_load %arg14[%swap3A_225] {strides = array<i32>} : memref<80xi32, #tpu.memory_space<vmem>>, vector<16xi32>,
    %swap3A_227 = vector.shape_cast %swap3A_226 : vector<16xi32> to vector<16xi32>
    %swap3A_228 = vector.shape_cast %add3A_224 : vector<16xi32> to vector<16xi32>
    tpu.vector_store %arg14[%swap3A_225], %swap3A_228 {strides = array<i32>} : memref<80xi32, #tpu.memory_space<vmem>>, vector<16xi32>,
    %get3A_229 = arith.constant 288 : index
    %get3A_230 = tpu.vector_load %arg9[%get3A_229] {strides = array<i32>} : memref<20000xi32, #tpu.memory_space<vmem>>, vector<16xi32>,
    %get3A_231 = vector.shape_cast %get3A_230 : vector<16xi32> to vector<16xi32>
    %mul3A_232 = arith.constant 2 : i32
    %mul3A_233 = vector.broadcast %mul3A_232 : i32 to vector<16xi32>
    %mul3A_234 = arith.muli %get3A_231, %mul3A_233 : vector<16xi32>
    %add3A_235 = vector.broadcast %arg0 : i32 to vector<16xi32>
    %add3A_236 = arith.addi %mul3A_234, %add3A_235 : vector<16xi32>
    %swap3A_237 = arith.constant 48 : index
    %swap3A_238 = tpu.vector_load %arg14[%swap3A_237] {strides = array<i32>} : memref<80xi32, #tpu.memory_space<vmem>>, vector<16xi32>,
    %swap3A_239 = vector.shape_cast %swap3A_238 : vector<16xi32> to vector<16xi32>
    %swap3A_240 = vector.shape_cast %add3A_236 : vector<16xi32> to vector<16xi32>
    tpu.vector_store %arg14[%swap3A_237], %swap3A_240 {strides = array<i32>} : memref<80xi32, #tpu.memory_space<vmem>>, vector<16xi32>,
    %get3A_241 = arith.constant 304 : index
    %get3A_242 = tpu.vector_load %arg9[%get3A_241] {strides = array<i32>} : memref<20000xi32, #tpu.memory_space<vmem>>, vector<16xi32>,
    %get3A_243 = vector.shape_cast %get3A_242 : vector<16xi32> to vector<16xi32>
    %mul3A_244 = arith.constant 2 : i32
    %mul3A_245 = vector.broadcast %mul3A_244 : i32 to vector<16xi32>
    %mul3A_246 = arith.muli %get3A_243, %mul3A_245 : vector<16xi32>
    %add3A_247 = vector.broadcast %arg0 : i32 to vector<16xi32>
    %add3A_248 = arith.addi %mul3A_246, %add3A_247 : vector<16xi32>
    %swap3A_249 = arith.constant 64 : index
    %swap3A_250 = tpu.vector_load %arg14[%swap3A_249] {strides = array<i32>} : memref<80xi32, #tpu.memory_space<vmem>>, vector<16xi32>,
    %swap3A_251 = vector.shape_cast %swap3A_250 : vector<16xi32> to vector<16xi32>
    %swap3A_252 = vector.shape_cast %add3A_248 : vector<16xi32> to vector<16xi32>
    tpu.vector_store %arg14[%swap3A_249], %swap3A_252 {strides = array<i32>} : memref<80xi32, #tpu.memory_space<vmem>>, vector<16xi32>,
    %dma_start3A_253 = arith.constant 0 : i32
    %dma_start3A_254 = arith.constant 0 : i32
    %dma_start3A_255 = tpu.memref_slice %arg2[%dma_start3A_253, %dma_start3A_254] : memref<20000x64xf32, #tpu.memory_space<hbm>> -> memref<20000x64xf32, #tpu.memory_space<hbm>>
    tpu.enqueue_indirect_dma source(%dma_start3A_255 : memref<20000x64xf32, #tpu.memory_space<hbm>>) target(%arg19 : memref<80x64xf32, #tpu.memory_space<vmem>>) offsets(%arg14 : memref<80xi32, #tpu.memory_space<vmem>>) semaphore(%arg27 : memref<!tpu.dma_semaphore, #tpu.memory_space<semaphore_mem>>)
    %get3A_256 = arith.constant 320 : index
    %get3A_257 = tpu.vector_load %arg9[%get3A_256] {strides = array<i32>} : memref<20000xi32, #tpu.memory_space<vmem>>, vector<16xi32>,
    %get3A_258 = vector.shape_cast %get3A_257 : vector<16xi32> to vector<16xi32>
    %mul3A_259 = arith.constant 2 : i32
    %mul3A_260 = vector.broadcast %mul3A_259 : i32 to vector<16xi32>
    %mul3A_261 = arith.muli %get3A_258, %mul3A_260 : vector<16xi32>
    %add3A_262 = vector.broadcast %arg0 : i32 to vector<16xi32>
    %add3A_263 = arith.addi %mul3A_261, %add3A_262 : vector<16xi32>
    %swap3A_264 = arith.constant 0 : index
    %swap3A_265 = tpu.vector_load %arg15[%swap3A_264] {strides = array<i32>} : memref<80xi32, #tpu.memory_space<vmem>>, vector<16xi32>,
    %swap3A_266 = vector.shape_cast %swap3A_265 : vector<16xi32> to vector<16xi32>
    %swap3A_267 = vector.shape_cast %add3A_263 : vector<16xi32> to vector<16xi32>
    tpu.vector_store %arg15[%swap3A_264], %swap3A_267 {strides = array<i32>} : memref<80xi32, #tpu.memory_space<vmem>>, vector<16xi32>,
    %get3A_268 = arith.constant 336 : index
    %get3A_269 = tpu.vector_load %arg9[%get3A_268] {strides = array<i32>} : memref<20000xi32, #tpu.memory_space<vmem>>, vector<16xi32>,
    %get3A_270 = vector.shape_cast %get3A_269 : vector<16xi32> to vector<16xi32>
    %mul3A_271 = arith.constant 2 : i32
    %mul3A_272 = vector.broadcast %mul3A_271 : i32 to vector<16xi32>
    %mul3A_273 = arith.muli %get3A_270, %mul3A_272 : vector<16xi32>
    %add3A_274 = vector.broadcast %arg0 : i32 to vector<16xi32>
    %add3A_275 = arith.addi %mul3A_273, %add3A_274 : vector<16xi32>
    %swap3A_276 = arith.constant 16 : index
    %swap3A_277 = tpu.vector_load %arg15[%swap3A_276] {strides = array<i32>} : memref<80xi32, #tpu.memory_space<vmem>>, vector<16xi32>,
    %swap3A_278 = vector.shape_cast %swap3A_277 : vector<16xi32> to vector<16xi32>
    %swap3A_279 = vector.shape_cast %add3A_275 : vector<16xi32> to vector<16xi32>
    tpu.vector_store %arg15[%swap3A_276], %swap3A_279 {strides = array<i32>} : memref<80xi32, #tpu.memory_space<vmem>>, vector<16xi32>,
    %get3A_280 = arith.constant 352 : index
    %get3A_281 = tpu.vector_load %arg9[%get3A_280] {strides = array<i32>} : memref<20000xi32, #tpu.memory_space<vmem>>, vector<16xi32>,
    %get3A_282 = vector.shape_cast %get3A_281 : vector<16xi32> to vector<16xi32>
    %mul3A_283 = arith.constant 2 : i32
    %mul3A_284 = vector.broadcast %mul3A_283 : i32 to vector<16xi32>
    %mul3A_285 = arith.muli %get3A_282, %mul3A_284 : vector<16xi32>
    %add3A_286 = vector.broadcast %arg0 : i32 to vector<16xi32>
    %add3A_287 = arith.addi %mul3A_285, %add3A_286 : vector<16xi32>
    %swap3A_288 = arith.constant 32 : index
    %swap3A_289 = tpu.vector_load %arg15[%swap3A_288] {strides = array<i32>} : memref<80xi32, #tpu.memory_space<vmem>>, vector<16xi32>,
    %swap3A_290 = vector.shape_cast %swap3A_289 : vector<16xi32> to vector<16xi32>
    %swap3A_291 = vector.shape_cast %add3A_287 : vector<16xi32> to vector<16xi32>
    tpu.vector_store %arg15[%swap3A_288], %swap3A_291 {strides = array<i32>} : memref<80xi32, #tpu.memory_space<vmem>>, vector<16xi32>,
    %get3A_292 = arith.constant 368 : index
    %get3A_293 = tpu.vector_load %arg9[%get3A_292] {strides = array<i32>} : memref<20000xi32, #tpu.memory_space<vmem>>, vector<16xi32>,
    %get3A_294 = vector.shape_cast %get3A_293 : vector<16xi32> to vector<16xi32>
    %mul3A_295 = arith.constant 2 : i32
    %mul3A_296 = vector.broadcast %mul3A_295 : i32 to vector<16xi32>
    %mul3A_297 = arith.muli %get3A_294, %mul3A_296 : vector<16xi32>
    %add3A_298 = vector.broadcast %arg0 : i32 to vector<16xi32>
    %add3A_299 = arith.addi %mul3A_297, %add3A_298 : vector<16xi32>
    %swap3A_300 = arith.constant 48 : index
    %swap3A_301 = tpu.vector_load %arg15[%swap3A_300] {strides = array<i32>} : memref<80xi32, #tpu.memory_space<vmem>>, vector<16xi32>,
    %swap3A_302 = vector.shape_cast %swap3A_301 : vector<16xi32> to vector<16xi32>
    %swap3A_303 = vector.shape_cast %add3A_299 : vector<16xi32> to vector<16xi32>
    tpu.vector_store %arg15[%swap3A_300], %swap3A_303 {strides = array<i32>} : memref<80xi32, #tpu.memory_space<vmem>>, vector<16xi32>,
    %get3A_304 = arith.constant 384 : index
    %get3A_305 = tpu.vector_load %arg9[%get3A_304] {strides = array<i32>} : memref<20000xi32, #tpu.memory_space<vmem>>, vector<16xi32>,
    %get3A_306 = vector.shape_cast %get3A_305 : vector<16xi32> to vector<16xi32>
    %mul3A_307 = arith.constant 2 : i32
    %mul3A_308 = vector.broadcast %mul3A_307 : i32 to vector<16xi32>
    %mul3A_309 = arith.muli %get3A_306, %mul3A_308 : vector<16xi32>
    %add3A_310 = vector.broadcast %arg0 : i32 to vector<16xi32>
    %add3A_311 = arith.addi %mul3A_309, %add3A_310 : vector<16xi32>
    %swap3A_312 = arith.constant 64 : index
    %swap3A_313 = tpu.vector_load %arg15[%swap3A_312] {strides = array<i32>} : memref<80xi32, #tpu.memory_space<vmem>>, vector<16xi32>,
    %swap3A_314 = vector.shape_cast %swap3A_313 : vector<16xi32> to vector<16xi32>
    %swap3A_315 = vector.shape_cast %add3A_311 : vector<16xi32> to vector<16xi32>
    tpu.vector_store %arg15[%swap3A_312], %swap3A_315 {strides = array<i32>} : memref<80xi32, #tpu.memory_space<vmem>>, vector<16xi32>,
    %dma_start3A_316 = arith.constant 0 : i32
    %dma_start3A_317 = arith.constant 0 : i32
    %dma_start3A_318 = tpu.memref_slice %arg2[%dma_start3A_316, %dma_start3A_317] : memref<20000x64xf32, #tpu.memory_space<hbm>> -> memref<20000x64xf32, #tpu.memory_space<hbm>>
    tpu.enqueue_indirect_dma source(%dma_start3A_318 : memref<20000x64xf32, #tpu.memory_space<hbm>>) target(%arg20 : memref<80x64xf32, #tpu.memory_space<vmem>>) offsets(%arg15 : memref<80xi32, #tpu.memory_space<vmem>>) semaphore(%arg28 : memref<!tpu.dma_semaphore, #tpu.memory_space<semaphore_mem>>)
    %barrier3A = arith.constant 0 : index
    tpu.barrier barrier_id(%barrier3A)
    %scan3A = arith.constant 0 : i32
    %scan3A_319 = arith.constant 0 : i32
    %scan3A_320 = arith.constant 50 : i32
    %scan3A_321 = arith.addi %scan3A_319, %scan3A_320 : i32
    %scan3A_322 = arith.constant 1 : i32
    scf.for %scan3A_359 = %scan3A_319 to %scan3A_321 step %scan3A_322  : i32 {
      %mul3A_360 = arith.constant 5 : i32
      %mul3A_361 = arith.muli %scan3A_359, %mul3A_360 : i32
      %add3A_362 = arith.constant 0 : i32
      %add3A_363 = arith.addi %mul3A_361, %add3A_362 : i32
      %mul3A_364 = arith.constant 80 : i32
      %mul3A_365 = arith.muli %add3A_363, %mul3A_364 : i32
      %dma_wait3A_366 = arith.constant 0 : i32
      %dma_wait3A_367 = arith.constant 0 : i32
      %dma_wait3A_368 = tpu.memref_slice %arg2[%dma_wait3A_366, %dma_wait3A_367] : memref<20000x64xf32, #tpu.memory_space<hbm>> -> memref<20000x64xf32, #tpu.memory_space<hbm>>
      tpu.wait_indirect_dma semaphore(%arg24 : memref<!tpu.dma_semaphore, #tpu.memory_space<semaphore_mem>>) src(%dma_wait3A_368 : memref<20000x64xf32, #tpu.memory_space<hbm>>) dst(%arg16 : memref<80x64xf32, #tpu.memory_space<vmem>>)
      %ge3A = arith.constant 5 : i32
      %ge3A_369 = arith.cmpi sge, %add3A_363, %ge3A : i32
      %convert_element_type3A = arith.extui %ge3A_369 : i1 to i32
      %cond3A = arith.constant 0 : i32
      %cond3A_370 = arith.cmpi ne, %convert_element_type3A, %cond3A : i32
      scf.if %cond3A_370 {
        %sub3A = arith.constant 5 : i32
        %sub3A_481 = arith.subi %add3A_363, %sub3A : i32
        %mul3A_482 = arith.constant 80 : i32
        %mul3A_483 = arith.muli %sub3A_481, %mul3A_482 : i32
        %dma_wait3A_484 = tpu.memref_slice %arg10[%mul3A_483] : memref<20000xi32, #tpu.memory_space<vmem>> -> memref<80xi32, #tpu.memory_space<vmem>>
        %dma_wait3A_485 = arith.constant 0 : i32
        %dma_wait3A_486 = arith.constant 0 : i32
        %dma_wait3A_487 = tpu.memref_slice %arg23[%dma_wait3A_485, %dma_wait3A_486] : memref<10240x8xf32, #tpu.memory_space<vmem_shared>> -> memref<10240x8xf32, #tpu.memory_space<vmem_shared>>
        tpu.wait_indirect_dma semaphore(%arg29 : memref<!tpu.dma_semaphore, #tpu.memory_space<semaphore_mem>>) src(%arg21 : memref<80x8xf32, #tpu.memory_space<vmem>>) dst(%dma_wait3A_487 : memref<10240x8xf32, #tpu.memory_space<vmem_shared>>)
      } else {
      }
      %dma_start3A_371 = tpu.memref_slice %arg10[%mul3A_365] : memref<20000xi32, #tpu.memory_space<vmem>> -> memref<80xi32, #tpu.memory_space<vmem>>
      %dma_start3A_372 = arith.constant 0 : i32
      %dma_start3A_373 = arith.constant 0 : i32
      %dma_start3A_374 = tpu.memref_slice %arg23[%dma_start3A_372, %dma_start3A_373] : memref<10240x8xf32, #tpu.memory_space<vmem_shared>> -> memref<10240x8xf32, #tpu.memory_space<vmem_shared>>
      tpu.enqueue_indirect_dma source(%arg21 : memref<80x8xf32, #tpu.memory_space<vmem>>) target(%dma_start3A_374 : memref<10240x8xf32, #tpu.memory_space<vmem_shared>>) offsets(%dma_start3A_371 : memref<80xi32, #tpu.memory_space<vmem>>) semaphore(%arg29 : memref<!tpu.dma_semaphore, #tpu.memory_space<semaphore_mem>>) {add = true}
      "tpu.region"() ({
        %run_scoped3A_481 = tpu.sem_alloc : memref<!tpu.dma_semaphore, #tpu.memory_space<semaphore_mem>>
        %dma_start3A_482 = tpu.memref_slice %arg10[%mul3A_365] : memref<20000xi32, #tpu.memory_space<vmem>> -> memref<80xi32, #tpu.memory_space<vmem>>
        %dma_start3A_483 = arith.constant 0 : i32
        %dma_start3A_484 = arith.constant 0 : i32
        %dma_start3A_485 = tpu.memref_slice %arg22[%dma_start3A_483, %dma_start3A_484] : memref<10240x64xf32, #tpu.memory_space<vmem_shared>> -> memref<10240x64xf32, #tpu.memory_space<vmem_shared>>
        tpu.enqueue_indirect_dma source(%arg16 : memref<80x64xf32, #tpu.memory_space<vmem>>) target(%dma_start3A_485 : memref<10240x64xf32, #tpu.memory_space<vmem_shared>>) offsets(%dma_start3A_482 : memref<80xi32, #tpu.memory_space<vmem>>) semaphore(%run_scoped3A_481 : memref<!tpu.dma_semaphore, #tpu.memory_space<semaphore_mem>>) {add = true}
        %dma_wait3A_486 = tpu.memref_slice %arg10[%mul3A_365] : memref<20000xi32, #tpu.memory_space<vmem>> -> memref<80xi32, #tpu.memory_space<vmem>>
        %dma_wait3A_487 = arith.constant 0 : i32
        %dma_wait3A_488 = arith.constant 0 : i32
        %dma_wait3A_489 = tpu.memref_slice %arg22[%dma_wait3A_487, %dma_wait3A_488] : memref<10240x64xf32, #tpu.memory_space<vmem_shared>> -> memref<10240x64xf32, #tpu.memory_space<vmem_shared>>
        tpu.wait_indirect_dma semaphore(%run_scoped3A_481 : memref<!tpu.dma_semaphore, #tpu.memory_space<semaphore_mem>>) src(%arg16 : memref<80x64xf32, #tpu.memory_space<vmem>>) dst(%dma_wait3A_489 : memref<10240x64xf32, #tpu.memory_space<vmem_shared>>)
        tpu.yield
      }) : () -> ()
      %add3A_375 = arith.constant 5 : i32
      %add3A_376 = arith.addi %add3A_363, %add3A_375 : i32
      %lt3A = arith.constant 250 : i32
      %lt3A_377 = arith.cmpi slt, %add3A_376, %lt3A : i32
      %convert_element_type3A_378 = arith.extui %lt3A_377 : i1 to i32
      %cond3A_379 = arith.constant 0 : i32
      %cond3A_380 = arith.cmpi ne, %convert_element_type3A_378, %cond3A_379 : i32
      scf.if %cond3A_380 {
        %add3A_481 = arith.constant 5 : i32
        %add3A_482 = arith.addi %add3A_363, %add3A_481 : i32
        %mul3A_483 = arith.constant 80 : i32
        %mul3A_484 = arith.muli %add3A_482, %mul3A_483 : i32
        %add3A_485 = arith.constant 0 : i32
        %add3A_486 = arith.addi %mul3A_484, %add3A_485 : i32
        %get3A_487 = arith.index_cast %add3A_486 : i32 to index
        %get3A_488 = tpu.vector_load %arg9[%get3A_487] {strides = array<i32>} : memref<20000xi32, #tpu.memory_space<vmem>>, vector<16xi32>,
        %get3A_489 = vector.shape_cast %get3A_488 : vector<16xi32> to vector<16xi32>
        %mul3A_490 = arith.constant 2 : i32
        %mul3A_491 = vector.broadcast %mul3A_490 : i32 to vector<16xi32>
        %mul3A_492 = arith.muli %get3A_489, %mul3A_491 : vector<16xi32>
        %add3A_493 = vector.broadcast %arg0 : i32 to vector<16xi32>
        %add3A_494 = arith.addi %mul3A_492, %add3A_493 : vector<16xi32>
        %swap3A_495 = arith.constant 0 : index
        %swap3A_496 = tpu.vector_load %arg11[%swap3A_495] {strides = array<i32>} : memref<80xi32, #tpu.memory_space<vmem>>, vector<16xi32>,
        %swap3A_497 = vector.shape_cast %swap3A_496 : vector<16xi32> to vector<16xi32>
        %swap3A_498 = vector.shape_cast %add3A_494 : vector<16xi32> to vector<16xi32>
        tpu.vector_store %arg11[%swap3A_495], %swap3A_498 {strides = array<i32>} : memref<80xi32, #tpu.memory_space<vmem>>, vector<16xi32>,
        %mul3A_499 = arith.constant 80 : i32
        %mul3A_500 = arith.muli %add3A_482, %mul3A_499 : i32
        %add3A_501 = arith.constant 16 : i32
        %add3A_502 = arith.addi %mul3A_500, %add3A_501 : i32
        %get3A_503 = arith.index_cast %add3A_502 : i32 to index
        %get3A_504 = tpu.vector_load %arg9[%get3A_503] {strides = array<i32>} : memref<20000xi32, #tpu.memory_space<vmem>>, vector<16xi32>,
        %get3A_505 = vector.shape_cast %get3A_504 : vector<16xi32> to vector<16xi32>
        %mul3A_506 = arith.constant 2 : i32
        %mul3A_507 = vector.broadcast %mul3A_506 : i32 to vector<16xi32>
        %mul3A_508 = arith.muli %get3A_505, %mul3A_507 : vector<16xi32>
        %add3A_509 = vector.broadcast %arg0 : i32 to vector<16xi32>
        %add3A_510 = arith.addi %mul3A_508, %add3A_509 : vector<16xi32>
        %swap3A_511 = arith.constant 16 : index
        %swap3A_512 = tpu.vector_load %arg11[%swap3A_511] {strides = array<i32>} : memref<80xi32, #tpu.memory_space<vmem>>, vector<16xi32>,
        %swap3A_513 = vector.shape_cast %swap3A_512 : vector<16xi32> to vector<16xi32>
        %swap3A_514 = vector.shape_cast %add3A_510 : vector<16xi32> to vector<16xi32>
        tpu.vector_store %arg11[%swap3A_511], %swap3A_514 {strides = array<i32>} : memref<80xi32, #tpu.memory_space<vmem>>, vector<16xi32>,
        %mul3A_515 = arith.constant 80 : i32
        %mul3A_516 = arith.muli %add3A_482, %mul3A_515 : i32
        %add3A_517 = arith.constant 32 : i32
        %add3A_518 = arith.addi %mul3A_516, %add3A_517 : i32
        %get3A_519 = arith.index_cast %add3A_518 : i32 to index
        %get3A_520 = tpu.vector_load %arg9[%get3A_519] {strides = array<i32>} : memref<20000xi32, #tpu.memory_space<vmem>>, vector<16xi32>,
        %get3A_521 = vector.shape_cast %get3A_520 : vector<16xi32> to vector<16xi32>
        %mul3A_522 = arith.constant 2 : i32
        %mul3A_523 = vector.broadcast %mul3A_522 : i32 to vector<16xi32>
        %mul3A_524 = arith.muli %get3A_521, %mul3A_523 : vector<16xi32>
        %add3A_525 = vector.broadcast %arg0 : i32 to vector<16xi32>
        %add3A_526 = arith.addi %mul3A_524, %add3A_525 : vector<16xi32>
        %swap3A_527 = arith.constant 32 : index
        %swap3A_528 = tpu.vector_load %arg11[%swap3A_527] {strides = array<i32>} : memref<80xi32, #tpu.memory_space<vmem>>, vector<16xi32>,
        %swap3A_529 = vector.shape_cast %swap3A_528 : vector<16xi32> to vector<16xi32>
        %swap3A_530 = vector.shape_cast %add3A_526 : vector<16xi32> to vector<16xi32>
        tpu.vector_store %arg11[%swap3A_527], %swap3A_530 {strides = array<i32>} : memref<80xi32, #tpu.memory_space<vmem>>, vector<16xi32>,
        %mul3A_531 = arith.constant 80 : i32
        %mul3A_532 = arith.muli %add3A_482, %mul3A_531 : i32
        %add3A_533 = arith.constant 48 : i32
        %add3A_534 = arith.addi %mul3A_532, %add3A_533 : i32
        %get3A_535 = arith.index_cast %add3A_534 : i32 to index
        %get3A_536 = tpu.vector_load %arg9[%get3A_535] {strides = array<i32>} : memref<20000xi32, #tpu.memory_space<vmem>>, vector<16xi32>,
        %get3A_537 = vector.shape_cast %get3A_536 : vector<16xi32> to vector<16xi32>
        %mul3A_538 = arith.constant 2 : i32
        %mul3A_539 = vector.broadcast %mul3A_538 : i32 to vector<16xi32>
        %mul3A_540 = arith.muli %get3A_537, %mul3A_539 : vector<16xi32>
        %add3A_541 = vector.broadcast %arg0 : i32 to vector<16xi32>
        %add3A_542 = arith.addi %mul3A_540, %add3A_541 : vector<16xi32>
        %swap3A_543 = arith.constant 48 : index
        %swap3A_544 = tpu.vector_load %arg11[%swap3A_543] {strides = array<i32>} : memref<80xi32, #tpu.memory_space<vmem>>, vector<16xi32>,
        %swap3A_545 = vector.shape_cast %swap3A_544 : vector<16xi32> to vector<16xi32>
        %swap3A_546 = vector.shape_cast %add3A_542 : vector<16xi32> to vector<16xi32>
        tpu.vector_store %arg11[%swap3A_543], %swap3A_546 {strides = array<i32>} : memref<80xi32, #tpu.memory_space<vmem>>, vector<16xi32>,
        %mul3A_547 = arith.constant 80 : i32
        %mul3A_548 = arith.muli %add3A_482, %mul3A_547 : i32
        %add3A_549 = arith.constant 64 : i32
        %add3A_550 = arith.addi %mul3A_548, %add3A_549 : i32
        %get3A_551 = arith.index_cast %add3A_550 : i32 to index
        %get3A_552 = tpu.vector_load %arg9[%get3A_551] {strides = array<i32>} : memref<20000xi32, #tpu.memory_space<vmem>>, vector<16xi32>,
        %get3A_553 = vector.shape_cast %get3A_552 : vector<16xi32> to vector<16xi32>
        %mul3A_554 = arith.constant 2 : i32
        %mul3A_555 = vector.broadcast %mul3A_554 : i32 to vector<16xi32>
        %mul3A_556 = arith.muli %get3A_553, %mul3A_555 : vector<16xi32>
        %add3A_557 = vector.broadcast %arg0 : i32 to vector<16xi32>
        %add3A_558 = arith.addi %mul3A_556, %add3A_557 : vector<16xi32>
        %swap3A_559 = arith.constant 64 : index
        %swap3A_560 = tpu.vector_load %arg11[%swap3A_559] {strides = array<i32>} : memref<80xi32, #tpu.memory_space<vmem>>, vector<16xi32>,
        %swap3A_561 = vector.shape_cast %swap3A_560 : vector<16xi32> to vector<16xi32>
        %swap3A_562 = vector.shape_cast %add3A_558 : vector<16xi32> to vector<16xi32>
        tpu.vector_store %arg11[%swap3A_559], %swap3A_562 {strides = array<i32>} : memref<80xi32, #tpu.memory_space<vmem>>, vector<16xi32>,
        %dma_start3A_563 = arith.constant 0 : i32
        %dma_start3A_564 = arith.constant 0 : i32
        %dma_start3A_565 = tpu.memref_slice %arg2[%dma_start3A_563, %dma_start3A_564] : memref<20000x64xf32, #tpu.memory_space<hbm>> -> memref<20000x64xf32, #tpu.memory_space<hbm>>
        tpu.enqueue_indirect_dma source(%dma_start3A_565 : memref<20000x64xf32, #tpu.memory_space<hbm>>) target(%arg16 : memref<80x64xf32, #tpu.memory_space<vmem>>) offsets(%arg11 : memref<80xi32, #tpu.memory_space<vmem>>) semaphore(%arg24 : memref<!tpu.dma_semaphore, #tpu.memory_space<semaphore_mem>>)
      } else {
      }
      %mul3A_381 = arith.constant 5 : i32
      %mul3A_382 = arith.muli %scan3A_359, %mul3A_381 : i32
      %add3A_383 = arith.constant 1 : i32
      %add3A_384 = arith.addi %mul3A_382, %add3A_383 : i32
      %mul3A_385 = arith.constant 80 : i32
      %mul3A_386 = arith.muli %add3A_384, %mul3A_385 : i32
      %dma_wait3A_387 = arith.constant 0 : i32
      %dma_wait3A_388 = arith.constant 0 : i32
      %dma_wait3A_389 = tpu.memref_slice %arg2[%dma_wait3A_387, %dma_wait3A_388] : memref<20000x64xf32, #tpu.memory_space<hbm>> -> memref<20000x64xf32, #tpu.memory_space<hbm>>
      tpu.wait_indirect_dma semaphore(%arg25 : memref<!tpu.dma_semaphore, #tpu.memory_space<semaphore_mem>>) src(%dma_wait3A_389 : memref<20000x64xf32, #tpu.memory_space<hbm>>) dst(%arg17 : memref<80x64xf32, #tpu.memory_space<vmem>>)
      %ge3A_390 = arith.constant 5 : i32
      %ge3A_391 = arith.cmpi sge, %add3A_384, %ge3A_390 : i32
      %convert_element_type3A_392 = arith.extui %ge3A_391 : i1 to i32
      %cond3A_393 = arith.constant 0 : i32
      %cond3A_394 = arith.cmpi ne, %convert_element_type3A_392, %cond3A_393 : i32
      scf.if %cond3A_394 {
        %sub3A = arith.constant 5 : i32
        %sub3A_481 = arith.subi %add3A_384, %sub3A : i32
        %mul3A_482 = arith.constant 80 : i32
        %mul3A_483 = arith.muli %sub3A_481, %mul3A_482 : i32
        %dma_wait3A_484 = tpu.memref_slice %arg10[%mul3A_483] : memref<20000xi32, #tpu.memory_space<vmem>> -> memref<80xi32, #tpu.memory_space<vmem>>
        %dma_wait3A_485 = arith.constant 0 : i32
        %dma_wait3A_486 = arith.constant 0 : i32
        %dma_wait3A_487 = tpu.memref_slice %arg23[%dma_wait3A_485, %dma_wait3A_486] : memref<10240x8xf32, #tpu.memory_space<vmem_shared>> -> memref<10240x8xf32, #tpu.memory_space<vmem_shared>>
        tpu.wait_indirect_dma semaphore(%arg29 : memref<!tpu.dma_semaphore, #tpu.memory_space<semaphore_mem>>) src(%arg21 : memref<80x8xf32, #tpu.memory_space<vmem>>) dst(%dma_wait3A_487 : memref<10240x8xf32, #tpu.memory_space<vmem_shared>>)
      } else {
      }
      %dma_start3A_395 = tpu.memref_slice %arg10[%mul3A_386] : memref<20000xi32, #tpu.memory_space<vmem>> -> memref<80xi32, #tpu.memory_space<vmem>>
      %dma_start3A_396 = arith.constant 0 : i32
      %dma_start3A_397 = arith.constant 0 : i32
      %dma_start3A_398 = tpu.memref_slice %arg23[%dma_start3A_396, %dma_start3A_397] : memref<10240x8xf32, #tpu.memory_space<vmem_shared>> -> memref<10240x8xf32, #tpu.memory_space<vmem_shared>>
      tpu.enqueue_indirect_dma source(%arg21 : memref<80x8xf32, #tpu.memory_space<vmem>>) target(%dma_start3A_398 : memref<10240x8xf32, #tpu.memory_space<vmem_shared>>) offsets(%dma_start3A_395 : memref<80xi32, #tpu.memory_space<vmem>>) semaphore(%arg29 : memref<!tpu.dma_semaphore, #tpu.memory_space<semaphore_mem>>) {add = true}
      "tpu.region"() ({
        %run_scoped3A_481 = tpu.sem_alloc : memref<!tpu.dma_semaphore, #tpu.memory_space<semaphore_mem>>
        %dma_start3A_482 = tpu.memref_slice %arg10[%mul3A_386] : memref<20000xi32, #tpu.memory_space<vmem>> -> memref<80xi32, #tpu.memory_space<vmem>>
        %dma_start3A_483 = arith.constant 0 : i32
        %dma_start3A_484 = arith.constant 0 : i32
        %dma_start3A_485 = tpu.memref_slice %arg22[%dma_start3A_483, %dma_start3A_484] : memref<10240x64xf32, #tpu.memory_space<vmem_shared>> -> memref<10240x64xf32, #tpu.memory_space<vmem_shared>>
        tpu.enqueue_indirect_dma source(%arg17 : memref<80x64xf32, #tpu.memory_space<vmem>>) target(%dma_start3A_485 : memref<10240x64xf32, #tpu.memory_space<vmem_shared>>) offsets(%dma_start3A_482 : memref<80xi32, #tpu.memory_space<vmem>>) semaphore(%run_scoped3A_481 : memref<!tpu.dma_semaphore, #tpu.memory_space<semaphore_mem>>) {add = true}
        %dma_wait3A_486 = tpu.memref_slice %arg10[%mul3A_386] : memref<20000xi32, #tpu.memory_space<vmem>> -> memref<80xi32, #tpu.memory_space<vmem>>
        %dma_wait3A_487 = arith.constant 0 : i32
        %dma_wait3A_488 = arith.constant 0 : i32
        %dma_wait3A_489 = tpu.memref_slice %arg22[%dma_wait3A_487, %dma_wait3A_488] : memref<10240x64xf32, #tpu.memory_space<vmem_shared>> -> memref<10240x64xf32, #tpu.memory_space<vmem_shared>>
        tpu.wait_indirect_dma semaphore(%run_scoped3A_481 : memref<!tpu.dma_semaphore, #tpu.memory_space<semaphore_mem>>) src(%arg17 : memref<80x64xf32, #tpu.memory_space<vmem>>) dst(%dma_wait3A_489 : memref<10240x64xf32, #tpu.memory_space<vmem_shared>>)
        tpu.yield
      }) : () -> ()
      %add3A_399 = arith.constant 5 : i32
      %add3A_400 = arith.addi %add3A_384, %add3A_399 : i32
      %lt3A_401 = arith.constant 250 : i32
      %lt3A_402 = arith.cmpi slt, %add3A_400, %lt3A_401 : i32
      %convert_element_type3A_403 = arith.extui %lt3A_402 : i1 to i32
      %cond3A_404 = arith.constant 0 : i32
      %cond3A_405 = arith.cmpi ne, %convert_element_type3A_403, %cond3A_404 : i32
      scf.if %cond3A_405 {
        %add3A_481 = arith.constant 5 : i32
        %add3A_482 = arith.addi %add3A_384, %add3A_481 : i32
        %mul3A_483 = arith.constant 80 : i32
        %mul3A_484 = arith.muli %add3A_482, %mul3A_483 : i32
        %add3A_485 = arith.constant 0 : i32
        %add3A_486 = arith.addi %mul3A_484, %add3A_485 : i32
        %get3A_487 = arith.index_cast %add3A_486 : i32 to index
        %get3A_488 = tpu.vector_load %arg9[%get3A_487] {strides = array<i32>} : memref<20000xi32, #tpu.memory_space<vmem>>, vector<16xi32>,
        %get3A_489 = vector.shape_cast %get3A_488 : vector<16xi32> to vector<16xi32>
        %mul3A_490 = arith.constant 2 : i32
        %mul3A_491 = vector.broadcast %mul3A_490 : i32 to vector<16xi32>
        %mul3A_492 = arith.muli %get3A_489, %mul3A_491 : vector<16xi32>
        %add3A_493 = vector.broadcast %arg0 : i32 to vector<16xi32>
        %add3A_494 = arith.addi %mul3A_492, %add3A_493 : vector<16xi32>
        %swap3A_495 = arith.constant 0 : index
        %swap3A_496 = tpu.vector_load %arg12[%swap3A_495] {strides = array<i32>} : memref<80xi32, #tpu.memory_space<vmem>>, vector<16xi32>,
        %swap3A_497 = vector.shape_cast %swap3A_496 : vector<16xi32> to vector<16xi32>
        %swap3A_498 = vector.shape_cast %add3A_494 : vector<16xi32> to vector<16xi32>
        tpu.vector_store %arg12[%swap3A_495], %swap3A_498 {strides = array<i32>} : memref<80xi32, #tpu.memory_space<vmem>>, vector<16xi32>,
        %mul3A_499 = arith.constant 80 : i32
        %mul3A_500 = arith.muli %add3A_482, %mul3A_499 : i32
        %add3A_501 = arith.constant 16 : i32
        %add3A_502 = arith.addi %mul3A_500, %add3A_501 : i32
        %get3A_503 = arith.index_cast %add3A_502 : i32 to index
        %get3A_504 = tpu.vector_load %arg9[%get3A_503] {strides = array<i32>} : memref<20000xi32, #tpu.memory_space<vmem>>, vector<16xi32>,
        %get3A_505 = vector.shape_cast %get3A_504 : vector<16xi32> to vector<16xi32>
        %mul3A_506 = arith.constant 2 : i32
        %mul3A_507 = vector.broadcast %mul3A_506 : i32 to vector<16xi32>
        %mul3A_508 = arith.muli %get3A_505, %mul3A_507 : vector<16xi32>
        %add3A_509 = vector.broadcast %arg0 : i32 to vector<16xi32>
        %add3A_510 = arith.addi %mul3A_508, %add3A_509 : vector<16xi32>
        %swap3A_511 = arith.constant 16 : index
        %swap3A_512 = tpu.vector_load %arg12[%swap3A_511] {strides = array<i32>} : memref<80xi32, #tpu.memory_space<vmem>>, vector<16xi32>,
        %swap3A_513 = vector.shape_cast %swap3A_512 : vector<16xi32> to vector<16xi32>
        %swap3A_514 = vector.shape_cast %add3A_510 : vector<16xi32> to vector<16xi32>
        tpu.vector_store %arg12[%swap3A_511], %swap3A_514 {strides = array<i32>} : memref<80xi32, #tpu.memory_space<vmem>>, vector<16xi32>,
        %mul3A_515 = arith.constant 80 : i32
        %mul3A_516 = arith.muli %add3A_482, %mul3A_515 : i32
        %add3A_517 = arith.constant 32 : i32
        %add3A_518 = arith.addi %mul3A_516, %add3A_517 : i32
        %get3A_519 = arith.index_cast %add3A_518 : i32 to index
        %get3A_520 = tpu.vector_load %arg9[%get3A_519] {strides = array<i32>} : memref<20000xi32, #tpu.memory_space<vmem>>, vector<16xi32>,
        %get3A_521 = vector.shape_cast %get3A_520 : vector<16xi32> to vector<16xi32>
        %mul3A_522 = arith.constant 2 : i32
        %mul3A_523 = vector.broadcast %mul3A_522 : i32 to vector<16xi32>
        %mul3A_524 = arith.muli %get3A_521, %mul3A_523 : vector<16xi32>
        %add3A_525 = vector.broadcast %arg0 : i32 to vector<16xi32>
        %add3A_526 = arith.addi %mul3A_524, %add3A_525 : vector<16xi32>
        %swap3A_527 = arith.constant 32 : index
        %swap3A_528 = tpu.vector_load %arg12[%swap3A_527] {strides = array<i32>} : memref<80xi32, #tpu.memory_space<vmem>>, vector<16xi32>,
        %swap3A_529 = vector.shape_cast %swap3A_528 : vector<16xi32> to vector<16xi32>
        %swap3A_530 = vector.shape_cast %add3A_526 : vector<16xi32> to vector<16xi32>
        tpu.vector_store %arg12[%swap3A_527], %swap3A_530 {strides = array<i32>} : memref<80xi32, #tpu.memory_space<vmem>>, vector<16xi32>,
        %mul3A_531 = arith.constant 80 : i32
        %mul3A_532 = arith.muli %add3A_482, %mul3A_531 : i32
        %add3A_533 = arith.constant 48 : i32
        %add3A_534 = arith.addi %mul3A_532, %add3A_533 : i32
        %get3A_535 = arith.index_cast %add3A_534 : i32 to index
        %get3A_536 = tpu.vector_load %arg9[%get3A_535] {strides = array<i32>} : memref<20000xi32, #tpu.memory_space<vmem>>, vector<16xi32>,
        %get3A_537 = vector.shape_cast %get3A_536 : vector<16xi32> to vector<16xi32>
        %mul3A_538 = arith.constant 2 : i32
        %mul3A_539 = vector.broadcast %mul3A_538 : i32 to vector<16xi32>
        %mul3A_540 = arith.muli %get3A_537, %mul3A_539 : vector<16xi32>
        %add3A_541 = vector.broadcast %arg0 : i32 to vector<16xi32>
        %add3A_542 = arith.addi %mul3A_540, %add3A_541 : vector<16xi32>
        %swap3A_543 = arith.constant 48 : index
        %swap3A_544 = tpu.vector_load %arg12[%swap3A_543] {strides = array<i32>} : memref<80xi32, #tpu.memory_space<vmem>>, vector<16xi32>,
        %swap3A_545 = vector.shape_cast %swap3A_544 : vector<16xi32> to vector<16xi32>
        %swap3A_546 = vector.shape_cast %add3A_542 : vector<16xi32> to vector<16xi32>
        tpu.vector_store %arg12[%swap3A_543], %swap3A_546 {strides = array<i32>} : memref<80xi32, #tpu.memory_space<vmem>>, vector<16xi32>,
        %mul3A_547 = arith.constant 80 : i32
        %mul3A_548 = arith.muli %add3A_482, %mul3A_547 : i32
        %add3A_549 = arith.constant 64 : i32
        %add3A_550 = arith.addi %mul3A_548, %add3A_549 : i32
        %get3A_551 = arith.index_cast %add3A_550 : i32 to index
        %get3A_552 = tpu.vector_load %arg9[%get3A_551] {strides = array<i32>} : memref<20000xi32, #tpu.memory_space<vmem>>, vector<16xi32>,
        %get3A_553 = vector.shape_cast %get3A_552 : vector<16xi32> to vector<16xi32>
        %mul3A_554 = arith.constant 2 : i32
        %mul3A_555 = vector.broadcast %mul3A_554 : i32 to vector<16xi32>
        %mul3A_556 = arith.muli %get3A_553, %mul3A_555 : vector<16xi32>
        %add3A_557 = vector.broadcast %arg0 : i32 to vector<16xi32>
        %add3A_558 = arith.addi %mul3A_556, %add3A_557 : vector<16xi32>
        %swap3A_559 = arith.constant 64 : index
        %swap3A_560 = tpu.vector_load %arg12[%swap3A_559] {strides = array<i32>} : memref<80xi32, #tpu.memory_space<vmem>>, vector<16xi32>,
        %swap3A_561 = vector.shape_cast %swap3A_560 : vector<16xi32> to vector<16xi32>
        %swap3A_562 = vector.shape_cast %add3A_558 : vector<16xi32> to vector<16xi32>
        tpu.vector_store %arg12[%swap3A_559], %swap3A_562 {strides = array<i32>} : memref<80xi32, #tpu.memory_space<vmem>>, vector<16xi32>,
        %dma_start3A_563 = arith.constant 0 : i32
        %dma_start3A_564 = arith.constant 0 : i32
        %dma_start3A_565 = tpu.memref_slice %arg2[%dma_start3A_563, %dma_start3A_564] : memref<20000x64xf32, #tpu.memory_space<hbm>> -> memref<20000x64xf32, #tpu.memory_space<hbm>>
        tpu.enqueue_indirect_dma source(%dma_start3A_565 : memref<20000x64xf32, #tpu.memory_space<hbm>>) target(%arg17 : memref<80x64xf32, #tpu.memory_space<vmem>>) offsets(%arg12 : memref<80xi32, #tpu.memory_space<vmem>>) semaphore(%arg25 : memref<!tpu.dma_semaphore, #tpu.memory_space<semaphore_mem>>)
      } else {
      }
      %mul3A_406 = arith.constant 5 : i32
      %mul3A_407 = arith.muli %scan3A_359, %mul3A_406 : i32
      %add3A_408 = arith.constant 2 : i32
      %add3A_409 = arith.addi %mul3A_407, %add3A_408 : i32
      %mul3A_410 = arith.constant 80 : i32
      %mul3A_411 = arith.muli %add3A_409, %mul3A_410 : i32
      %dma_wait3A_412 = arith.constant 0 : i32
      %dma_wait3A_413 = arith.constant 0 : i32
      %dma_wait3A_414 = tpu.memref_slice %arg2[%dma_wait3A_412, %dma_wait3A_413] : memref<20000x64xf32, #tpu.memory_space<hbm>> -> memref<20000x64xf32, #tpu.memory_space<hbm>>
      tpu.wait_indirect_dma semaphore(%arg26 : memref<!tpu.dma_semaphore, #tpu.memory_space<semaphore_mem>>) src(%dma_wait3A_414 : memref<20000x64xf32, #tpu.memory_space<hbm>>) dst(%arg18 : memref<80x64xf32, #tpu.memory_space<vmem>>)
      %ge3A_415 = arith.constant 5 : i32
      %ge3A_416 = arith.cmpi sge, %add3A_409, %ge3A_415 : i32
      %convert_element_type3A_417 = arith.extui %ge3A_416 : i1 to i32
      %cond3A_418 = arith.constant 0 : i32
      %cond3A_419 = arith.cmpi ne, %convert_element_type3A_417, %cond3A_418 : i32
      scf.if %cond3A_419 {
        %sub3A = arith.constant 5 : i32
        %sub3A_481 = arith.subi %add3A_409, %sub3A : i32
        %mul3A_482 = arith.constant 80 : i32
        %mul3A_483 = arith.muli %sub3A_481, %mul3A_482 : i32
        %dma_wait3A_484 = tpu.memref_slice %arg10[%mul3A_483] : memref<20000xi32, #tpu.memory_space<vmem>> -> memref<80xi32, #tpu.memory_space<vmem>>
        %dma_wait3A_485 = arith.constant 0 : i32
        %dma_wait3A_486 = arith.constant 0 : i32
        %dma_wait3A_487 = tpu.memref_slice %arg23[%dma_wait3A_485, %dma_wait3A_486] : memref<10240x8xf32, #tpu.memory_space<vmem_shared>> -> memref<10240x8xf32, #tpu.memory_space<vmem_shared>>
        tpu.wait_indirect_dma semaphore(%arg29 : memref<!tpu.dma_semaphore, #tpu.memory_space<semaphore_mem>>) src(%arg21 : memref<80x8xf32, #tpu.memory_space<vmem>>) dst(%dma_wait3A_487 : memref<10240x8xf32, #tpu.memory_space<vmem_shared>>)
      } else {
      }
      %dma_start3A_420 = tpu.memref_slice %arg10[%mul3A_411] : memref<20000xi32, #tpu.memory_space<vmem>> -> memref<80xi32, #tpu.memory_space<vmem>>
      %dma_start3A_421 = arith.constant 0 : i32
      %dma_start3A_422 = arith.constant 0 : i32
      %dma_start3A_423 = tpu.memref_slice %arg23[%dma_start3A_421, %dma_start3A_422] : memref<10240x8xf32, #tpu.memory_space<vmem_shared>> -> memref<10240x8xf32, #tpu.memory_space<vmem_shared>>
      tpu.enqueue_indirect_dma source(%arg21 : memref<80x8xf32, #tpu.memory_space<vmem>>) target(%dma_start3A_423 : memref<10240x8xf32, #tpu.memory_space<vmem_shared>>) offsets(%dma_start3A_420 : memref<80xi32, #tpu.memory_space<vmem>>) semaphore(%arg29 : memref<!tpu.dma_semaphore, #tpu.memory_space<semaphore_mem>>) {add = true}
      "tpu.region"() ({
        %run_scoped3A_481 = tpu.sem_alloc : memref<!tpu.dma_semaphore, #tpu.memory_space<semaphore_mem>>
        %dma_start3A_482 = tpu.memref_slice %arg10[%mul3A_411] : memref<20000xi32, #tpu.memory_space<vmem>> -> memref<80xi32, #tpu.memory_space<vmem>>
        %dma_start3A_483 = arith.constant 0 : i32
        %dma_start3A_484 = arith.constant 0 : i32
        %dma_start3A_485 = tpu.memref_slice %arg22[%dma_start3A_483, %dma_start3A_484] : memref<10240x64xf32, #tpu.memory_space<vmem_shared>> -> memref<10240x64xf32, #tpu.memory_space<vmem_shared>>
        tpu.enqueue_indirect_dma source(%arg18 : memref<80x64xf32, #tpu.memory_space<vmem>>) target(%dma_start3A_485 : memref<10240x64xf32, #tpu.memory_space<vmem_shared>>) offsets(%dma_start3A_482 : memref<80xi32, #tpu.memory_space<vmem>>) semaphore(%run_scoped3A_481 : memref<!tpu.dma_semaphore, #tpu.memory_space<semaphore_mem>>) {add = true}
        %dma_wait3A_486 = tpu.memref_slice %arg10[%mul3A_411] : memref<20000xi32, #tpu.memory_space<vmem>> -> memref<80xi32, #tpu.memory_space<vmem>>
        %dma_wait3A_487 = arith.constant 0 : i32
        %dma_wait3A_488 = arith.constant 0 : i32
        %dma_wait3A_489 = tpu.memref_slice %arg22[%dma_wait3A_487, %dma_wait3A_488] : memref<10240x64xf32, #tpu.memory_space<vmem_shared>> -> memref<10240x64xf32, #tpu.memory_space<vmem_shared>>
        tpu.wait_indirect_dma semaphore(%run_scoped3A_481 : memref<!tpu.dma_semaphore, #tpu.memory_space<semaphore_mem>>) src(%arg18 : memref<80x64xf32, #tpu.memory_space<vmem>>) dst(%dma_wait3A_489 : memref<10240x64xf32, #tpu.memory_space<vmem_shared>>)
        tpu.yield
      }) : () -> ()
      %add3A_424 = arith.constant 5 : i32
      %add3A_425 = arith.addi %add3A_409, %add3A_424 : i32
      %lt3A_426 = arith.constant 250 : i32
      %lt3A_427 = arith.cmpi slt, %add3A_425, %lt3A_426 : i32
      %convert_element_type3A_428 = arith.extui %lt3A_427 : i1 to i32
      %cond3A_429 = arith.constant 0 : i32
      %cond3A_430 = arith.cmpi ne, %convert_element_type3A_428, %cond3A_429 : i32
      scf.if %cond3A_430 {
        %add3A_481 = arith.constant 5 : i32
        %add3A_482 = arith.addi %add3A_409, %add3A_481 : i32
        %mul3A_483 = arith.constant 80 : i32
        %mul3A_484 = arith.muli %add3A_482, %mul3A_483 : i32
        %add3A_485 = arith.constant 0 : i32
        %add3A_486 = arith.addi %mul3A_484, %add3A_485 : i32
        %get3A_487 = arith.index_cast %add3A_486 : i32 to index
        %get3A_488 = tpu.vector_load %arg9[%get3A_487] {strides = array<i32>} : memref<20000xi32, #tpu.memory_space<vmem>>, vector<16xi32>,
        %get3A_489 = vector.shape_cast %get3A_488 : vector<16xi32> to vector<16xi32>
        %mul3A_490 = arith.constant 2 : i32
        %mul3A_491 = vector.broadcast %mul3A_490 : i32 to vector<16xi32>
        %mul3A_492 = arith.muli %get3A_489, %mul3A_491 : vector<16xi32>
        %add3A_493 = vector.broadcast %arg0 : i32 to vector<16xi32>
        %add3A_494 = arith.addi %mul3A_492, %add3A_493 : vector<16xi32>
        %swap3A_495 = arith.constant 0 : index
        %swap3A_496 = tpu.vector_load %arg13[%swap3A_495] {strides = array<i32>} : memref<80xi32, #tpu.memory_space<vmem>>, vector<16xi32>,
        %swap3A_497 = vector.shape_cast %swap3A_496 : vector<16xi32> to vector<16xi32>
        %swap3A_498 = vector.shape_cast %add3A_494 : vector<16xi32> to vector<16xi32>
        tpu.vector_store %arg13[%swap3A_495], %swap3A_498 {strides = array<i32>} : memref<80xi32, #tpu.memory_space<vmem>>, vector<16xi32>,
        %mul3A_499 = arith.constant 80 : i32
        %mul3A_500 = arith.muli %add3A_482, %mul3A_499 : i32
        %add3A_501 = arith.constant 16 : i32
        %add3A_502 = arith.addi %mul3A_500, %add3A_501 : i32
        %get3A_503 = arith.index_cast %add3A_502 : i32 to index
        %get3A_504 = tpu.vector_load %arg9[%get3A_503] {strides = array<i32>} : memref<20000xi32, #tpu.memory_space<vmem>>, vector<16xi32>,
        %get3A_505 = vector.shape_cast %get3A_504 : vector<16xi32> to vector<16xi32>
        %mul3A_506 = arith.constant 2 : i32
        %mul3A_507 = vector.broadcast %mul3A_506 : i32 to vector<16xi32>
        %mul3A_508 = arith.muli %get3A_505, %mul3A_507 : vector<16xi32>
        %add3A_509 = vector.broadcast %arg0 : i32 to vector<16xi32>
        %add3A_510 = arith.addi %mul3A_508, %add3A_509 : vector<16xi32>
        %swap3A_511 = arith.constant 16 : index
        %swap3A_512 = tpu.vector_load %arg13[%swap3A_511] {strides = array<i32>} : memref<80xi32, #tpu.memory_space<vmem>>, vector<16xi32>,
        %swap3A_513 = vector.shape_cast %swap3A_512 : vector<16xi32> to vector<16xi32>
        %swap3A_514 = vector.shape_cast %add3A_510 : vector<16xi32> to vector<16xi32>
        tpu.vector_store %arg13[%swap3A_511], %swap3A_514 {strides = array<i32>} : memref<80xi32, #tpu.memory_space<vmem>>, vector<16xi32>,
        %mul3A_515 = arith.constant 80 : i32
        %mul3A_516 = arith.muli %add3A_482, %mul3A_515 : i32
        %add3A_517 = arith.constant 32 : i32
        %add3A_518 = arith.addi %mul3A_516, %add3A_517 : i32
        %get3A_519 = arith.index_cast %add3A_518 : i32 to index
        %get3A_520 = tpu.vector_load %arg9[%get3A_519] {strides = array<i32>} : memref<20000xi32, #tpu.memory_space<vmem>>, vector<16xi32>,
        %get3A_521 = vector.shape_cast %get3A_520 : vector<16xi32> to vector<16xi32>
        %mul3A_522 = arith.constant 2 : i32
        %mul3A_523 = vector.broadcast %mul3A_522 : i32 to vector<16xi32>
        %mul3A_524 = arith.muli %get3A_521, %mul3A_523 : vector<16xi32>
        %add3A_525 = vector.broadcast %arg0 : i32 to vector<16xi32>
        %add3A_526 = arith.addi %mul3A_524, %add3A_525 : vector<16xi32>
        %swap3A_527 = arith.constant 32 : index
        %swap3A_528 = tpu.vector_load %arg13[%swap3A_527] {strides = array<i32>} : memref<80xi32, #tpu.memory_space<vmem>>, vector<16xi32>,
        %swap3A_529 = vector.shape_cast %swap3A_528 : vector<16xi32> to vector<16xi32>
        %swap3A_530 = vector.shape_cast %add3A_526 : vector<16xi32> to vector<16xi32>
        tpu.vector_store %arg13[%swap3A_527], %swap3A_530 {strides = array<i32>} : memref<80xi32, #tpu.memory_space<vmem>>, vector<16xi32>,
        %mul3A_531 = arith.constant 80 : i32
        %mul3A_532 = arith.muli %add3A_482, %mul3A_531 : i32
        %add3A_533 = arith.constant 48 : i32
        %add3A_534 = arith.addi %mul3A_532, %add3A_533 : i32
        %get3A_535 = arith.index_cast %add3A_534 : i32 to index
        %get3A_536 = tpu.vector_load %arg9[%get3A_535] {strides = array<i32>} : memref<20000xi32, #tpu.memory_space<vmem>>, vector<16xi32>,
        %get3A_537 = vector.shape_cast %get3A_536 : vector<16xi32> to vector<16xi32>
        %mul3A_538 = arith.constant 2 : i32
        %mul3A_539 = vector.broadcast %mul3A_538 : i32 to vector<16xi32>
        %mul3A_540 = arith.muli %get3A_537, %mul3A_539 : vector<16xi32>
        %add3A_541 = vector.broadcast %arg0 : i32 to vector<16xi32>
        %add3A_542 = arith.addi %mul3A_540, %add3A_541 : vector<16xi32>
        %swap3A_543 = arith.constant 48 : index
        %swap3A_544 = tpu.vector_load %arg13[%swap3A_543] {strides = array<i32>} : memref<80xi32, #tpu.memory_space<vmem>>, vector<16xi32>,
        %swap3A_545 = vector.shape_cast %swap3A_544 : vector<16xi32> to vector<16xi32>
        %swap3A_546 = vector.shape_cast %add3A_542 : vector<16xi32> to vector<16xi32>
        tpu.vector_store %arg13[%swap3A_543], %swap3A_546 {strides = array<i32>} : memref<80xi32, #tpu.memory_space<vmem>>, vector<16xi32>,
        %mul3A_547 = arith.constant 80 : i32
        %mul3A_548 = arith.muli %add3A_482, %mul3A_547 : i32
        %add3A_549 = arith.constant 64 : i32
        %add3A_550 = arith.addi %mul3A_548, %add3A_549 : i32
        %get3A_551 = arith.index_cast %add3A_550 : i32 to index
        %get3A_552 = tpu.vector_load %arg9[%get3A_551] {strides = array<i32>} : memref<20000xi32, #tpu.memory_space<vmem>>, vector<16xi32>,
        %get3A_553 = vector.shape_cast %get3A_552 : vector<16xi32> to vector<16xi32>
        %mul3A_554 = arith.constant 2 : i32
        %mul3A_555 = vector.broadcast %mul3A_554 : i32 to vector<16xi32>
        %mul3A_556 = arith.muli %get3A_553, %mul3A_555 : vector<16xi32>
        %add3A_557 = vector.broadcast %arg0 : i32 to vector<16xi32>
        %add3A_558 = arith.addi %mul3A_556, %add3A_557 : vector<16xi32>
        %swap3A_559 = arith.constant 64 : index
        %swap3A_560 = tpu.vector_load %arg13[%swap3A_559] {strides = array<i32>} : memref<80xi32, #tpu.memory_space<vmem>>, vector<16xi32>,
        %swap3A_561 = vector.shape_cast %swap3A_560 : vector<16xi32> to vector<16xi32>
        %swap3A_562 = vector.shape_cast %add3A_558 : vector<16xi32> to vector<16xi32>
        tpu.vector_store %arg13[%swap3A_559], %swap3A_562 {strides = array<i32>} : memref<80xi32, #tpu.memory_space<vmem>>, vector<16xi32>,
        %dma_start3A_563 = arith.constant 0 : i32
        %dma_start3A_564 = arith.constant 0 : i32
        %dma_start3A_565 = tpu.memref_slice %arg2[%dma_start3A_563, %dma_start3A_564] : memref<20000x64xf32, #tpu.memory_space<hbm>> -> memref<20000x64xf32, #tpu.memory_space<hbm>>
        tpu.enqueue_indirect_dma source(%dma_start3A_565 : memref<20000x64xf32, #tpu.memory_space<hbm>>) target(%arg18 : memref<80x64xf32, #tpu.memory_space<vmem>>) offsets(%arg13 : memref<80xi32, #tpu.memory_space<vmem>>) semaphore(%arg26 : memref<!tpu.dma_semaphore, #tpu.memory_space<semaphore_mem>>)
      } else {
      }
      %mul3A_431 = arith.constant 5 : i32
      %mul3A_432 = arith.muli %scan3A_359, %mul3A_431 : i32
      %add3A_433 = arith.constant 3 : i32
      %add3A_434 = arith.addi %mul3A_432, %add3A_433 : i32
      %mul3A_435 = arith.constant 80 : i32
      %mul3A_436 = arith.muli %add3A_434, %mul3A_435 : i32
      %dma_wait3A_437 = arith.constant 0 : i32
      %dma_wait3A_438 = arith.constant 0 : i32
      %dma_wait3A_439 = tpu.memref_slice %arg2[%dma_wait3A_437, %dma_wait3A_438] : memref<20000x64xf32, #tpu.memory_space<hbm>> -> memref<20000x64xf32, #tpu.memory_space<hbm>>
      tpu.wait_indirect_dma semaphore(%arg27 : memref<!tpu.dma_semaphore, #tpu.memory_space<semaphore_mem>>) src(%dma_wait3A_439 : memref<20000x64xf32, #tpu.memory_space<hbm>>) dst(%arg19 : memref<80x64xf32, #tpu.memory_space<vmem>>)
      %ge3A_440 = arith.constant 5 : i32
      %ge3A_441 = arith.cmpi sge, %add3A_434, %ge3A_440 : i32
      %convert_element_type3A_442 = arith.extui %ge3A_441 : i1 to i32
      %cond3A_443 = arith.constant 0 : i32
      %cond3A_444 = arith.cmpi ne, %convert_element_type3A_442, %cond3A_443 : i32
      scf.if %cond3A_444 {
        %sub3A = arith.constant 5 : i32
        %sub3A_481 = arith.subi %add3A_434, %sub3A : i32
        %mul3A_482 = arith.constant 80 : i32
        %mul3A_483 = arith.muli %sub3A_481, %mul3A_482 : i32
        %dma_wait3A_484 = tpu.memref_slice %arg10[%mul3A_483] : memref<20000xi32, #tpu.memory_space<vmem>> -> memref<80xi32, #tpu.memory_space<vmem>>
        %dma_wait3A_485 = arith.constant 0 : i32
        %dma_wait3A_486 = arith.constant 0 : i32
        %dma_wait3A_487 = tpu.memref_slice %arg23[%dma_wait3A_485, %dma_wait3A_486] : memref<10240x8xf32, #tpu.memory_space<vmem_shared>> -> memref<10240x8xf32, #tpu.memory_space<vmem_shared>>
        tpu.wait_indirect_dma semaphore(%arg29 : memref<!tpu.dma_semaphore, #tpu.memory_space<semaphore_mem>>) src(%arg21 : memref<80x8xf32, #tpu.memory_space<vmem>>) dst(%dma_wait3A_487 : memref<10240x8xf32, #tpu.memory_space<vmem_shared>>)
      } else {
      }
      %dma_start3A_445 = tpu.memref_slice %arg10[%mul3A_436] : memref<20000xi32, #tpu.memory_space<vmem>> -> memref<80xi32, #tpu.memory_space<vmem>>
      %dma_start3A_446 = arith.constant 0 : i32
      %dma_start3A_447 = arith.constant 0 : i32
      %dma_start3A_448 = tpu.memref_slice %arg23[%dma_start3A_446, %dma_start3A_447] : memref<10240x8xf32, #tpu.memory_space<vmem_shared>> -> memref<10240x8xf32, #tpu.memory_space<vmem_shared>>
      tpu.enqueue_indirect_dma source(%arg21 : memref<80x8xf32, #tpu.memory_space<vmem>>) target(%dma_start3A_448 : memref<10240x8xf32, #tpu.memory_space<vmem_shared>>) offsets(%dma_start3A_445 : memref<80xi32, #tpu.memory_space<vmem>>) semaphore(%arg29 : memref<!tpu.dma_semaphore, #tpu.memory_space<semaphore_mem>>) {add = true}
      "tpu.region"() ({
        %run_scoped3A_481 = tpu.sem_alloc : memref<!tpu.dma_semaphore, #tpu.memory_space<semaphore_mem>>
        %dma_start3A_482 = tpu.memref_slice %arg10[%mul3A_436] : memref<20000xi32, #tpu.memory_space<vmem>> -> memref<80xi32, #tpu.memory_space<vmem>>
        %dma_start3A_483 = arith.constant 0 : i32
        %dma_start3A_484 = arith.constant 0 : i32
        %dma_start3A_485 = tpu.memref_slice %arg22[%dma_start3A_483, %dma_start3A_484] : memref<10240x64xf32, #tpu.memory_space<vmem_shared>> -> memref<10240x64xf32, #tpu.memory_space<vmem_shared>>
        tpu.enqueue_indirect_dma source(%arg19 : memref<80x64xf32, #tpu.memory_space<vmem>>) target(%dma_start3A_485 : memref<10240x64xf32, #tpu.memory_space<vmem_shared>>) offsets(%dma_start3A_482 : memref<80xi32, #tpu.memory_space<vmem>>) semaphore(%run_scoped3A_481 : memref<!tpu.dma_semaphore, #tpu.memory_space<semaphore_mem>>) {add = true}
        %dma_wait3A_486 = tpu.memref_slice %arg10[%mul3A_436] : memref<20000xi32, #tpu.memory_space<vmem>> -> memref<80xi32, #tpu.memory_space<vmem>>
        %dma_wait3A_487 = arith.constant 0 : i32
        %dma_wait3A_488 = arith.constant 0 : i32
        %dma_wait3A_489 = tpu.memref_slice %arg22[%dma_wait3A_487, %dma_wait3A_488] : memref<10240x64xf32, #tpu.memory_space<vmem_shared>> -> memref<10240x64xf32, #tpu.memory_space<vmem_shared>>
        tpu.wait_indirect_dma semaphore(%run_scoped3A_481 : memref<!tpu.dma_semaphore, #tpu.memory_space<semaphore_mem>>) src(%arg19 : memref<80x64xf32, #tpu.memory_space<vmem>>) dst(%dma_wait3A_489 : memref<10240x64xf32, #tpu.memory_space<vmem_shared>>)
        tpu.yield
      }) : () -> ()
      %add3A_449 = arith.constant 5 : i32
      %add3A_450 = arith.addi %add3A_434, %add3A_449 : i32
      %lt3A_451 = arith.constant 250 : i32
      %lt3A_452 = arith.cmpi slt, %add3A_450, %lt3A_451 : i32
      %convert_element_type3A_453 = arith.extui %lt3A_452 : i1 to i32
      %cond3A_454 = arith.constant 0 : i32
      %cond3A_455 = arith.cmpi ne, %convert_element_type3A_453, %cond3A_454 : i32
      scf.if %cond3A_455 {
        %add3A_481 = arith.constant 5 : i32
        %add3A_482 = arith.addi %add3A_434, %add3A_481 : i32
        %mul3A_483 = arith.constant 80 : i32
        %mul3A_484 = arith.muli %add3A_482, %mul3A_483 : i32
        %add3A_485 = arith.constant 0 : i32
        %add3A_486 = arith.addi %mul3A_484, %add3A_485 : i32
        %get3A_487 = arith.index_cast %add3A_486 : i32 to index
        %get3A_488 = tpu.vector_load %arg9[%get3A_487] {strides = array<i32>} : memref<20000xi32, #tpu.memory_space<vmem>>, vector<16xi32>,
        %get3A_489 = vector.shape_cast %get3A_488 : vector<16xi32> to vector<16xi32>
        %mul3A_490 = arith.constant 2 : i32
        %mul3A_491 = vector.broadcast %mul3A_490 : i32 to vector<16xi32>
        %mul3A_492 = arith.muli %get3A_489, %mul3A_491 : vector<16xi32>
        %add3A_493 = vector.broadcast %arg0 : i32 to vector<16xi32>
        %add3A_494 = arith.addi %mul3A_492, %add3A_493 : vector<16xi32>
        %swap3A_495 = arith.constant 0 : index
        %swap3A_496 = tpu.vector_load %arg14[%swap3A_495] {strides = array<i32>} : memref<80xi32, #tpu.memory_space<vmem>>, vector<16xi32>,
        %swap3A_497 = vector.shape_cast %swap3A_496 : vector<16xi32> to vector<16xi32>
        %swap3A_498 = vector.shape_cast %add3A_494 : vector<16xi32> to vector<16xi32>
        tpu.vector_store %arg14[%swap3A_495], %swap3A_498 {strides = array<i32>} : memref<80xi32, #tpu.memory_space<vmem>>, vector<16xi32>,
        %mul3A_499 = arith.constant 80 : i32
        %mul3A_500 = arith.muli %add3A_482, %mul3A_499 : i32
        %add3A_501 = arith.constant 16 : i32
        %add3A_502 = arith.addi %mul3A_500, %add3A_501 : i32
        %get3A_503 = arith.index_cast %add3A_502 : i32 to index
        %get3A_504 = tpu.vector_load %arg9[%get3A_503] {strides = array<i32>} : memref<20000xi32, #tpu.memory_space<vmem>>, vector<16xi32>,
        %get3A_505 = vector.shape_cast %get3A_504 : vector<16xi32> to vector<16xi32>
        %mul3A_506 = arith.constant 2 : i32
        %mul3A_507 = vector.broadcast %mul3A_506 : i32 to vector<16xi32>
        %mul3A_508 = arith.muli %get3A_505, %mul3A_507 : vector<16xi32>
        %add3A_509 = vector.broadcast %arg0 : i32 to vector<16xi32>
        %add3A_510 = arith.addi %mul3A_508, %add3A_509 : vector<16xi32>
        %swap3A_511 = arith.constant 16 : index
        %swap3A_512 = tpu.vector_load %arg14[%swap3A_511] {strides = array<i32>} : memref<80xi32, #tpu.memory_space<vmem>>, vector<16xi32>,
        %swap3A_513 = vector.shape_cast %swap3A_512 : vector<16xi32> to vector<16xi32>
        %swap3A_514 = vector.shape_cast %add3A_510 : vector<16xi32> to vector<16xi32>
        tpu.vector_store %arg14[%swap3A_511], %swap3A_514 {strides = array<i32>} : memref<80xi32, #tpu.memory_space<vmem>>, vector<16xi32>,
        %mul3A_515 = arith.constant 80 : i32
        %mul3A_516 = arith.muli %add3A_482, %mul3A_515 : i32
        %add3A_517 = arith.constant 32 : i32
        %add3A_518 = arith.addi %mul3A_516, %add3A_517 : i32
        %get3A_519 = arith.index_cast %add3A_518 : i32 to index
        %get3A_520 = tpu.vector_load %arg9[%get3A_519] {strides = array<i32>} : memref<20000xi32, #tpu.memory_space<vmem>>, vector<16xi32>,
        %get3A_521 = vector.shape_cast %get3A_520 : vector<16xi32> to vector<16xi32>
        %mul3A_522 = arith.constant 2 : i32
        %mul3A_523 = vector.broadcast %mul3A_522 : i32 to vector<16xi32>
        %mul3A_524 = arith.muli %get3A_521, %mul3A_523 : vector<16xi32>
        %add3A_525 = vector.broadcast %arg0 : i32 to vector<16xi32>
        %add3A_526 = arith.addi %mul3A_524, %add3A_525 : vector<16xi32>
        %swap3A_527 = arith.constant 32 : index
        %swap3A_528 = tpu.vector_load %arg14[%swap3A_527] {strides = array<i32>} : memref<80xi32, #tpu.memory_space<vmem>>, vector<16xi32>,
        %swap3A_529 = vector.shape_cast %swap3A_528 : vector<16xi32> to vector<16xi32>
        %swap3A_530 = vector.shape_cast %add3A_526 : vector<16xi32> to vector<16xi32>
        tpu.vector_store %arg14[%swap3A_527], %swap3A_530 {strides = array<i32>} : memref<80xi32, #tpu.memory_space<vmem>>, vector<16xi32>,
        %mul3A_531 = arith.constant 80 : i32
        %mul3A_532 = arith.muli %add3A_482, %mul3A_531 : i32
        %add3A_533 = arith.constant 48 : i32
        %add3A_534 = arith.addi %mul3A_532, %add3A_533 : i32
        %get3A_535 = arith.index_cast %add3A_534 : i32 to index
        %get3A_536 = tpu.vector_load %arg9[%get3A_535] {strides = array<i32>} : memref<20000xi32, #tpu.memory_space<vmem>>, vector<16xi32>,
        %get3A_537 = vector.shape_cast %get3A_536 : vector<16xi32> to vector<16xi32>
        %mul3A_538 = arith.constant 2 : i32
        %mul3A_539 = vector.broadcast %mul3A_538 : i32 to vector<16xi32>
        %mul3A_540 = arith.muli %get3A_537, %mul3A_539 : vector<16xi32>
        %add3A_541 = vector.broadcast %arg0 : i32 to vector<16xi32>
        %add3A_542 = arith.addi %mul3A_540, %add3A_541 : vector<16xi32>
        %swap3A_543 = arith.constant 48 : index
        %swap3A_544 = tpu.vector_load %arg14[%swap3A_543] {strides = array<i32>} : memref<80xi32, #tpu.memory_space<vmem>>, vector<16xi32>,
        %swap3A_545 = vector.shape_cast %swap3A_544 : vector<16xi32> to vector<16xi32>
        %swap3A_546 = vector.shape_cast %add3A_542 : vector<16xi32> to vector<16xi32>
        tpu.vector_store %arg14[%swap3A_543], %swap3A_546 {strides = array<i32>} : memref<80xi32, #tpu.memory_space<vmem>>, vector<16xi32>,
        %mul3A_547 = arith.constant 80 : i32
        %mul3A_548 = arith.muli %add3A_482, %mul3A_547 : i32
        %add3A_549 = arith.constant 64 : i32
        %add3A_550 = arith.addi %mul3A_548, %add3A_549 : i32
        %get3A_551 = arith.index_cast %add3A_550 : i32 to index
        %get3A_552 = tpu.vector_load %arg9[%get3A_551] {strides = array<i32>} : memref<20000xi32, #tpu.memory_space<vmem>>, vector<16xi32>,
        %get3A_553 = vector.shape_cast %get3A_552 : vector<16xi32> to vector<16xi32>
        %mul3A_554 = arith.constant 2 : i32
        %mul3A_555 = vector.broadcast %mul3A_554 : i32 to vector<16xi32>
        %mul3A_556 = arith.muli %get3A_553, %mul3A_555 : vector<16xi32>
        %add3A_557 = vector.broadcast %arg0 : i32 to vector<16xi32>
        %add3A_558 = arith.addi %mul3A_556, %add3A_557 : vector<16xi32>
        %swap3A_559 = arith.constant 64 : index
        %swap3A_560 = tpu.vector_load %arg14[%swap3A_559] {strides = array<i32>} : memref<80xi32, #tpu.memory_space<vmem>>, vector<16xi32>,
        %swap3A_561 = vector.shape_cast %swap3A_560 : vector<16xi32> to vector<16xi32>
        %swap3A_562 = vector.shape_cast %add3A_558 : vector<16xi32> to vector<16xi32>
        tpu.vector_store %arg14[%swap3A_559], %swap3A_562 {strides = array<i32>} : memref<80xi32, #tpu.memory_space<vmem>>, vector<16xi32>,
        %dma_start3A_563 = arith.constant 0 : i32
        %dma_start3A_564 = arith.constant 0 : i32
        %dma_start3A_565 = tpu.memref_slice %arg2[%dma_start3A_563, %dma_start3A_564] : memref<20000x64xf32, #tpu.memory_space<hbm>> -> memref<20000x64xf32, #tpu.memory_space<hbm>>
        tpu.enqueue_indirect_dma source(%dma_start3A_565 : memref<20000x64xf32, #tpu.memory_space<hbm>>) target(%arg19 : memref<80x64xf32, #tpu.memory_space<vmem>>) offsets(%arg14 : memref<80xi32, #tpu.memory_space<vmem>>) semaphore(%arg27 : memref<!tpu.dma_semaphore, #tpu.memory_space<semaphore_mem>>)
      } else {
      }
      %mul3A_456 = arith.constant 5 : i32
      %mul3A_457 = arith.muli %scan3A_359, %mul3A_456 : i32
      %add3A_458 = arith.constant 4 : i32
      %add3A_459 = arith.addi %mul3A_457, %add3A_458 : i32
      %mul3A_460 = arith.constant 80 : i32
      %mul3A_461 = arith.muli %add3A_459, %mul3A_460 : i32
      %dma_wait3A_462 = arith.constant 0 : i32
      %dma_wait3A_463 = arith.constant 0 : i32
      %dma_wait3A_464 = tpu.memref_slice %arg2[%dma_wait3A_462, %dma_wait3A_463] : memref<20000x64xf32, #tpu.memory_space<hbm>> -> memref<20000x64xf32, #tpu.memory_space<hbm>>
      tpu.wait_indirect_dma semaphore(%arg28 : memref<!tpu.dma_semaphore, #tpu.memory_space<semaphore_mem>>) src(%dma_wait3A_464 : memref<20000x64xf32, #tpu.memory_space<hbm>>) dst(%arg20 : memref<80x64xf32, #tpu.memory_space<vmem>>)
      %ge3A_465 = arith.constant 5 : i32
      %ge3A_466 = arith.cmpi sge, %add3A_459, %ge3A_465 : i32
      %convert_element_type3A_467 = arith.extui %ge3A_466 : i1 to i32
      %cond3A_468 = arith.constant 0 : i32
      %cond3A_469 = arith.cmpi ne, %convert_element_type3A_467, %cond3A_468 : i32
      scf.if %cond3A_469 {
        %sub3A = arith.constant 5 : i32
        %sub3A_481 = arith.subi %add3A_459, %sub3A : i32
        %mul3A_482 = arith.constant 80 : i32
        %mul3A_483 = arith.muli %sub3A_481, %mul3A_482 : i32
        %dma_wait3A_484 = tpu.memref_slice %arg10[%mul3A_483] : memref<20000xi32, #tpu.memory_space<vmem>> -> memref<80xi32, #tpu.memory_space<vmem>>
        %dma_wait3A_485 = arith.constant 0 : i32
        %dma_wait3A_486 = arith.constant 0 : i32
        %dma_wait3A_487 = tpu.memref_slice %arg23[%dma_wait3A_485, %dma_wait3A_486] : memref<10240x8xf32, #tpu.memory_space<vmem_shared>> -> memref<10240x8xf32, #tpu.memory_space<vmem_shared>>
        tpu.wait_indirect_dma semaphore(%arg29 : memref<!tpu.dma_semaphore, #tpu.memory_space<semaphore_mem>>) src(%arg21 : memref<80x8xf32, #tpu.memory_space<vmem>>) dst(%dma_wait3A_487 : memref<10240x8xf32, #tpu.memory_space<vmem_shared>>)
      } else {
      }
      %dma_start3A_470 = tpu.memref_slice %arg10[%mul3A_461] : memref<20000xi32, #tpu.memory_space<vmem>> -> memref<80xi32, #tpu.memory_space<vmem>>
      %dma_start3A_471 = arith.constant 0 : i32
      %dma_start3A_472 = arith.constant 0 : i32
      %dma_start3A_473 = tpu.memref_slice %arg23[%dma_start3A_471, %dma_start3A_472] : memref<10240x8xf32, #tpu.memory_space<vmem_shared>> -> memref<10240x8xf32, #tpu.memory_space<vmem_shared>>
      tpu.enqueue_indirect_dma source(%arg21 : memref<80x8xf32, #tpu.memory_space<vmem>>) target(%dma_start3A_473 : memref<10240x8xf32, #tpu.memory_space<vmem_shared>>) offsets(%dma_start3A_470 : memref<80xi32, #tpu.memory_space<vmem>>) semaphore(%arg29 : memref<!tpu.dma_semaphore, #tpu.memory_space<semaphore_mem>>) {add = true}
      "tpu.region"() ({
        %run_scoped3A_481 = tpu.sem_alloc : memref<!tpu.dma_semaphore, #tpu.memory_space<semaphore_mem>>
        %dma_start3A_482 = tpu.memref_slice %arg10[%mul3A_461] : memref<20000xi32, #tpu.memory_space<vmem>> -> memref<80xi32, #tpu.memory_space<vmem>>
        %dma_start3A_483 = arith.constant 0 : i32
        %dma_start3A_484 = arith.constant 0 : i32
        %dma_start3A_485 = tpu.memref_slice %arg22[%dma_start3A_483, %dma_start3A_484] : memref<10240x64xf32, #tpu.memory_space<vmem_shared>> -> memref<10240x64xf32, #tpu.memory_space<vmem_shared>>
        tpu.enqueue_indirect_dma source(%arg20 : memref<80x64xf32, #tpu.memory_space<vmem>>) target(%dma_start3A_485 : memref<10240x64xf32, #tpu.memory_space<vmem_shared>>) offsets(%dma_start3A_482 : memref<80xi32, #tpu.memory_space<vmem>>) semaphore(%run_scoped3A_481 : memref<!tpu.dma_semaphore, #tpu.memory_space<semaphore_mem>>) {add = true}
        %dma_wait3A_486 = tpu.memref_slice %arg10[%mul3A_461] : memref<20000xi32, #tpu.memory_space<vmem>> -> memref<80xi32, #tpu.memory_space<vmem>>
        %dma_wait3A_487 = arith.constant 0 : i32
        %dma_wait3A_488 = arith.constant 0 : i32
        %dma_wait3A_489 = tpu.memref_slice %arg22[%dma_wait3A_487, %dma_wait3A_488] : memref<10240x64xf32, #tpu.memory_space<vmem_shared>> -> memref<10240x64xf32, #tpu.memory_space<vmem_shared>>
        tpu.wait_indirect_dma semaphore(%run_scoped3A_481 : memref<!tpu.dma_semaphore, #tpu.memory_space<semaphore_mem>>) src(%arg20 : memref<80x64xf32, #tpu.memory_space<vmem>>) dst(%dma_wait3A_489 : memref<10240x64xf32, #tpu.memory_space<vmem_shared>>)
        tpu.yield
      }) : () -> ()
      %add3A_474 = arith.constant 5 : i32
      %add3A_475 = arith.addi %add3A_459, %add3A_474 : i32
      %lt3A_476 = arith.constant 250 : i32
      %lt3A_477 = arith.cmpi slt, %add3A_475, %lt3A_476 : i32
      %convert_element_type3A_478 = arith.extui %lt3A_477 : i1 to i32
      %cond3A_479 = arith.constant 0 : i32
      %cond3A_480 = arith.cmpi ne, %convert_element_type3A_478, %cond3A_479 : i32
      scf.if %cond3A_480 {
        %add3A_481 = arith.constant 5 : i32
        %add3A_482 = arith.addi %add3A_459, %add3A_481 : i32
        %mul3A_483 = arith.constant 80 : i32
        %mul3A_484 = arith.muli %add3A_482, %mul3A_483 : i32
        %add3A_485 = arith.constant 0 : i32
        %add3A_486 = arith.addi %mul3A_484, %add3A_485 : i32
        %get3A_487 = arith.index_cast %add3A_486 : i32 to index
        %get3A_488 = tpu.vector_load %arg9[%get3A_487] {strides = array<i32>} : memref<20000xi32, #tpu.memory_space<vmem>>, vector<16xi32>,
        %get3A_489 = vector.shape_cast %get3A_488 : vector<16xi32> to vector<16xi32>
        %mul3A_490 = arith.constant 2 : i32
        %mul3A_491 = vector.broadcast %mul3A_490 : i32 to vector<16xi32>
        %mul3A_492 = arith.muli %get3A_489, %mul3A_491 : vector<16xi32>
        %add3A_493 = vector.broadcast %arg0 : i32 to vector<16xi32>
        %add3A_494 = arith.addi %mul3A_492, %add3A_493 : vector<16xi32>
        %swap3A_495 = arith.constant 0 : index
        %swap3A_496 = tpu.vector_load %arg15[%swap3A_495] {strides = array<i32>} : memref<80xi32, #tpu.memory_space<vmem>>, vector<16xi32>,
        %swap3A_497 = vector.shape_cast %swap3A_496 : vector<16xi32> to vector<16xi32>
        %swap3A_498 = vector.shape_cast %add3A_494 : vector<16xi32> to vector<16xi32>
        tpu.vector_store %arg15[%swap3A_495], %swap3A_498 {strides = array<i32>} : memref<80xi32, #tpu.memory_space<vmem>>, vector<16xi32>,
        %mul3A_499 = arith.constant 80 : i32
        %mul3A_500 = arith.muli %add3A_482, %mul3A_499 : i32
        %add3A_501 = arith.constant 16 : i32
        %add3A_502 = arith.addi %mul3A_500, %add3A_501 : i32
        %get3A_503 = arith.index_cast %add3A_502 : i32 to index
        %get3A_504 = tpu.vector_load %arg9[%get3A_503] {strides = array<i32>} : memref<20000xi32, #tpu.memory_space<vmem>>, vector<16xi32>,
        %get3A_505 = vector.shape_cast %get3A_504 : vector<16xi32> to vector<16xi32>
        %mul3A_506 = arith.constant 2 : i32
        %mul3A_507 = vector.broadcast %mul3A_506 : i32 to vector<16xi32>
        %mul3A_508 = arith.muli %get3A_505, %mul3A_507 : vector<16xi32>
        %add3A_509 = vector.broadcast %arg0 : i32 to vector<16xi32>
        %add3A_510 = arith.addi %mul3A_508, %add3A_509 : vector<16xi32>
        %swap3A_511 = arith.constant 16 : index
        %swap3A_512 = tpu.vector_load %arg15[%swap3A_511] {strides = array<i32>} : memref<80xi32, #tpu.memory_space<vmem>>, vector<16xi32>,
        %swap3A_513 = vector.shape_cast %swap3A_512 : vector<16xi32> to vector<16xi32>
        %swap3A_514 = vector.shape_cast %add3A_510 : vector<16xi32> to vector<16xi32>
        tpu.vector_store %arg15[%swap3A_511], %swap3A_514 {strides = array<i32>} : memref<80xi32, #tpu.memory_space<vmem>>, vector<16xi32>,
        %mul3A_515 = arith.constant 80 : i32
        %mul3A_516 = arith.muli %add3A_482, %mul3A_515 : i32
        %add3A_517 = arith.constant 32 : i32
        %add3A_518 = arith.addi %mul3A_516, %add3A_517 : i32
        %get3A_519 = arith.index_cast %add3A_518 : i32 to index
        %get3A_520 = tpu.vector_load %arg9[%get3A_519] {strides = array<i32>} : memref<20000xi32, #tpu.memory_space<vmem>>, vector<16xi32>,
        %get3A_521 = vector.shape_cast %get3A_520 : vector<16xi32> to vector<16xi32>
        %mul3A_522 = arith.constant 2 : i32
        %mul3A_523 = vector.broadcast %mul3A_522 : i32 to vector<16xi32>
        %mul3A_524 = arith.muli %get3A_521, %mul3A_523 : vector<16xi32>
        %add3A_525 = vector.broadcast %arg0 : i32 to vector<16xi32>
        %add3A_526 = arith.addi %mul3A_524, %add3A_525 : vector<16xi32>
        %swap3A_527 = arith.constant 32 : index
        %swap3A_528 = tpu.vector_load %arg15[%swap3A_527] {strides = array<i32>} : memref<80xi32, #tpu.memory_space<vmem>>, vector<16xi32>,
        %swap3A_529 = vector.shape_cast %swap3A_528 : vector<16xi32> to vector<16xi32>
        %swap3A_530 = vector.shape_cast %add3A_526 : vector<16xi32> to vector<16xi32>
        tpu.vector_store %arg15[%swap3A_527], %swap3A_530 {strides = array<i32>} : memref<80xi32, #tpu.memory_space<vmem>>, vector<16xi32>,
        %mul3A_531 = arith.constant 80 : i32
        %mul3A_532 = arith.muli %add3A_482, %mul3A_531 : i32
        %add3A_533 = arith.constant 48 : i32
        %add3A_534 = arith.addi %mul3A_532, %add3A_533 : i32
        %get3A_535 = arith.index_cast %add3A_534 : i32 to index
        %get3A_536 = tpu.vector_load %arg9[%get3A_535] {strides = array<i32>} : memref<20000xi32, #tpu.memory_space<vmem>>, vector<16xi32>,
        %get3A_537 = vector.shape_cast %get3A_536 : vector<16xi32> to vector<16xi32>
        %mul3A_538 = arith.constant 2 : i32
        %mul3A_539 = vector.broadcast %mul3A_538 : i32 to vector<16xi32>
        %mul3A_540 = arith.muli %get3A_537, %mul3A_539 : vector<16xi32>
        %add3A_541 = vector.broadcast %arg0 : i32 to vector<16xi32>
        %add3A_542 = arith.addi %mul3A_540, %add3A_541 : vector<16xi32>
        %swap3A_543 = arith.constant 48 : index
        %swap3A_544 = tpu.vector_load %arg15[%swap3A_543] {strides = array<i32>} : memref<80xi32, #tpu.memory_space<vmem>>, vector<16xi32>,
        %swap3A_545 = vector.shape_cast %swap3A_544 : vector<16xi32> to vector<16xi32>
        %swap3A_546 = vector.shape_cast %add3A_542 : vector<16xi32> to vector<16xi32>
        tpu.vector_store %arg15[%swap3A_543], %swap3A_546 {strides = array<i32>} : memref<80xi32, #tpu.memory_space<vmem>>, vector<16xi32>,
        %mul3A_547 = arith.constant 80 : i32
        %mul3A_548 = arith.muli %add3A_482, %mul3A_547 : i32
        %add3A_549 = arith.constant 64 : i32
        %add3A_550 = arith.addi %mul3A_548, %add3A_549 : i32
        %get3A_551 = arith.index_cast %add3A_550 : i32 to index
        %get3A_552 = tpu.vector_load %arg9[%get3A_551] {strides = array<i32>} : memref<20000xi32, #tpu.memory_space<vmem>>, vector<16xi32>,
        %get3A_553 = vector.shape_cast %get3A_552 : vector<16xi32> to vector<16xi32>
        %mul3A_554 = arith.constant 2 : i32
        %mul3A_555 = vector.broadcast %mul3A_554 : i32 to vector<16xi32>
        %mul3A_556 = arith.muli %get3A_553, %mul3A_555 : vector<16xi32>
        %add3A_557 = vector.broadcast %arg0 : i32 to vector<16xi32>
        %add3A_558 = arith.addi %mul3A_556, %add3A_557 : vector<16xi32>
        %swap3A_559 = arith.constant 64 : index
        %swap3A_560 = tpu.vector_load %arg15[%swap3A_559] {strides = array<i32>} : memref<80xi32, #tpu.memory_space<vmem>>, vector<16xi32>,
        %swap3A_561 = vector.shape_cast %swap3A_560 : vector<16xi32> to vector<16xi32>
        %swap3A_562 = vector.shape_cast %add3A_558 : vector<16xi32> to vector<16xi32>
        tpu.vector_store %arg15[%swap3A_559], %swap3A_562 {strides = array<i32>} : memref<80xi32, #tpu.memory_space<vmem>>, vector<16xi32>,
        %dma_start3A_563 = arith.constant 0 : i32
        %dma_start3A_564 = arith.constant 0 : i32
        %dma_start3A_565 = tpu.memref_slice %arg2[%dma_start3A_563, %dma_start3A_564] : memref<20000x64xf32, #tpu.memory_space<hbm>> -> memref<20000x64xf32, #tpu.memory_space<hbm>>
        tpu.enqueue_indirect_dma source(%dma_start3A_565 : memref<20000x64xf32, #tpu.memory_space<hbm>>) target(%arg20 : memref<80x64xf32, #tpu.memory_space<vmem>>) offsets(%arg15 : memref<80xi32, #tpu.memory_space<vmem>>) semaphore(%arg28 : memref<!tpu.dma_semaphore, #tpu.memory_space<semaphore_mem>>)
      } else {
      }
    }
    %scan3A_323 = arith.constant 50 : i32
    %dma_wait3A = arith.constant 19600 : i32
    %dma_wait3A_324 = tpu.memref_slice %arg10[%dma_wait3A] : memref<20000xi32, #tpu.memory_space<vmem>> -> memref<80xi32, #tpu.memory_space<vmem>>
    %dma_wait3A_325 = arith.constant 0 : i32
    %dma_wait3A_326 = arith.constant 0 : i32
    %dma_wait3A_327 = tpu.memref_slice %arg23[%dma_wait3A_325, %dma_wait3A_326] : memref<10240x8xf32, #tpu.memory_space<vmem_shared>> -> memref<10240x8xf32, #tpu.memory_space<vmem_shared>>
    tpu.wait_indirect_dma semaphore(%arg29 : memref<!tpu.dma_semaphore, #tpu.memory_space<semaphore_mem>>) src(%arg21 : memref<80x8xf32, #tpu.memory_space<vmem>>) dst(%dma_wait3A_327 : memref<10240x8xf32, #tpu.memory_space<vmem_shared>>)
    %dma_wait3A_328 = arith.constant 19680 : i32
    %dma_wait3A_329 = tpu.memref_slice %arg10[%dma_wait3A_328] : memref<20000xi32, #tpu.memory_space<vmem>> -> memref<80xi32, #tpu.memory_space<vmem>>
    %dma_wait3A_330 = arith.constant 0 : i32
    %dma_wait3A_331 = arith.constant 0 : i32
    %dma_wait3A_332 = tpu.memref_slice %arg23[%dma_wait3A_330, %dma_wait3A_331] : memref<10240x8xf32, #tpu.memory_space<vmem_shared>> -> memref<10240x8xf32, #tpu.memory_space<vmem_shared>>
    tpu.wait_indirect_dma semaphore(%arg29 : memref<!tpu.dma_semaphore, #tpu.memory_space<semaphore_mem>>) src(%arg21 : memref<80x8xf32, #tpu.memory_space<vmem>>) dst(%dma_wait3A_332 : memref<10240x8xf32, #tpu.memory_space<vmem_shared>>)
    %dma_wait3A_333 = arith.constant 19760 : i32
    %dma_wait3A_334 = tpu.memref_slice %arg10[%dma_wait3A_333] : memref<20000xi32, #tpu.memory_space<vmem>> -> memref<80xi32, #tpu.memory_space<vmem>>
    %dma_wait3A_335 = arith.constant 0 : i32
    %dma_wait3A_336 = arith.constant 0 : i32
    %dma_wait3A_337 = tpu.memref_slice %arg23[%dma_wait3A_335, %dma_wait3A_336] : memref<10240x8xf32, #tpu.memory_space<vmem_shared>> -> memref<10240x8xf32, #tpu.memory_space<vmem_shared>>
    tpu.wait_indirect_dma semaphore(%arg29 : memref<!tpu.dma_semaphore, #tpu.memory_space<semaphore_mem>>) src(%arg21 : memref<80x8xf32, #tpu.memory_space<vmem>>) dst(%dma_wait3A_337 : memref<10240x8xf32, #tpu.memory_space<vmem_shared>>)
    %dma_wait3A_338 = arith.constant 19840 : i32
    %dma_wait3A_339 = tpu.memref_slice %arg10[%dma_wait3A_338] : memref<20000xi32, #tpu.memory_space<vmem>> -> memref<80xi32, #tpu.memory_space<vmem>>
    %dma_wait3A_340 = arith.constant 0 : i32
    %dma_wait3A_341 = arith.constant 0 : i32
    %dma_wait3A_342 = tpu.memref_slice %arg23[%dma_wait3A_340, %dma_wait3A_341] : memref<10240x8xf32, #tpu.memory_space<vmem_shared>> -> memref<10240x8xf32, #tpu.memory_space<vmem_shared>>
    tpu.wait_indirect_dma semaphore(%arg29 : memref<!tpu.dma_semaphore, #tpu.memory_space<semaphore_mem>>) src(%arg21 : memref<80x8xf32, #tpu.memory_space<vmem>>) dst(%dma_wait3A_342 : memref<10240x8xf32, #tpu.memory_space<vmem_shared>>)
    %dma_wait3A_343 = arith.constant 19920 : i32
    %dma_wait3A_344 = tpu.memref_slice %arg10[%dma_wait3A_343] : memref<20000xi32, #tpu.memory_space<vmem>> -> memref<80xi32, #tpu.memory_space<vmem>>
    %dma_wait3A_345 = arith.constant 0 : i32
    %dma_wait3A_346 = arith.constant 0 : i32
    %dma_wait3A_347 = tpu.memref_slice %arg23[%dma_wait3A_345, %dma_wait3A_346] : memref<10240x8xf32, #tpu.memory_space<vmem_shared>> -> memref<10240x8xf32, #tpu.memory_space<vmem_shared>>
    tpu.wait_indirect_dma semaphore(%arg29 : memref<!tpu.dma_semaphore, #tpu.memory_space<semaphore_mem>>) src(%arg21 : memref<80x8xf32, #tpu.memory_space<vmem>>) dst(%dma_wait3A_347 : memref<10240x8xf32, #tpu.memory_space<vmem_shared>>)
    %barrier3A_348 = arith.constant 0 : index
    tpu.barrier barrier_id(%barrier3A_348)
    %mul3A_349 = arith.constant 640 : i32
    %mul3A_350 = arith.muli %arg1, %mul3A_349 : i32
    %mul3A_351 = arith.constant 640 : i32
    %mul3A_352 = arith.muli %arg1, %mul3A_351 : i32
    %mul3A_353 = arith.constant 64 : i32
    %mul3A_354 = arith.muli %arg0, %mul3A_353 : i32
    "tpu.region"() ({
      %run_scoped3A_359 = tpu.sem_alloc : memref<!tpu.dma_semaphore, #tpu.memory_space<semaphore_mem>>
      %dma_start3A_360 = tpu.memref_slice %arg7[%mul3A_352, %mul3A_354] : memref<10240x128xf32, #tpu.memory_space<hbm>> -> memref<640x64xf32, #tpu.memory_space<hbm>>
      %dma_start3A_361 = arith.constant 0 : i32
      %dma_start3A_362 = tpu.memref_slice %arg22[%mul3A_350, %dma_start3A_361] : memref<10240x64xf32, #tpu.memory_space<vmem_shared>> -> memref<640x64xf32, #tpu.memory_space<vmem_shared>>
      tpu.enqueue_dma source(%dma_start3A_362 : memref<640x64xf32, #tpu.memory_space<vmem_shared>>) target(%dma_start3A_360 : memref<640x64xf32, #tpu.memory_space<hbm>>) target_semaphore(%run_scoped3A_359 : memref<!tpu.dma_semaphore, #tpu.memory_space<semaphore_mem>>)
      %dma_wait3A_363 = tpu.memref_slice %arg7[%mul3A_352, %mul3A_354] : memref<10240x128xf32, #tpu.memory_space<hbm>> -> memref<640x64xf32, #tpu.memory_space<hbm>>
      %dma_wait3A_364 = arith.constant 0 : i32
      %dma_wait3A_365 = tpu.memref_slice %arg22[%mul3A_350, %dma_wait3A_364] : memref<10240x64xf32, #tpu.memory_space<vmem_shared>> -> memref<640x64xf32, #tpu.memory_space<vmem_shared>>
      tpu.wait_dma2 semaphore(%run_scoped3A_359 : memref<!tpu.dma_semaphore, #tpu.memory_space<semaphore_mem>>) src(%dma_wait3A_365 : memref<640x64xf32, #tpu.memory_space<vmem_shared>>) dst(%dma_wait3A_363 : memref<640x64xf32, #tpu.memory_space<hbm>>)
      tpu.yield
    }) : () -> ()
    %mul3A_355 = arith.constant 640 : i32
    %mul3A_356 = arith.muli %arg1, %mul3A_355 : i32
    %mul3A_357 = arith.constant 640 : i32
    %mul3A_358 = arith.muli %arg1, %mul3A_357 : i32
    "tpu.region"() ({
      %run_scoped3A_359 = tpu.sem_alloc : memref<!tpu.dma_semaphore, #tpu.memory_space<semaphore_mem>>
      %dma_start3A_360 = arith.constant 0 : i32
      %dma_start3A_361 = tpu.memref_slice %arg8[%arg0, %mul3A_358, %dma_start3A_360] : memref<2x10240x8xf32, #tpu.memory_space<hbm>> -> memref<1x640x8xf32, #tpu.memory_space<hbm>>
      %dma_start3A_362 = tpu.memref_squeeze %dma_start3A_361 : memref<1x640x8xf32, #tpu.memory_space<hbm>> -> memref<640x8xf32, #tpu.memory_space<hbm>>
      %dma_start3A_363 = arith.constant 0 : i32
      %dma_start3A_364 = tpu.memref_slice %arg23[%mul3A_356, %dma_start3A_363] : memref<10240x8xf32, #tpu.memory_space<vmem_shared>> -> memref<640x8xf32, #tpu.memory_space<vmem_shared>>
      tpu.enqueue_dma source(%dma_start3A_364 : memref<640x8xf32, #tpu.memory_space<vmem_shared>>) target(%dma_start3A_362 : memref<640x8xf32, #tpu.memory_space<hbm>>) target_semaphore(%run_scoped3A_359 : memref<!tpu.dma_semaphore, #tpu.memory_space<semaphore_mem>>)
      %dma_wait3A_365 = arith.constant 0 : i32
      %dma_wait3A_366 = tpu.memref_slice %arg8[%arg0, %mul3A_358, %dma_wait3A_365] : memref<2x10240x8xf32, #tpu.memory_space<hbm>> -> memref<1x640x8xf32, #tpu.memory_space<hbm>>
      %dma_wait3A_367 = tpu.memref_squeeze %dma_wait3A_366 : memref<1x640x8xf32, #tpu.memory_space<hbm>> -> memref<640x8xf32, #tpu.memory_space<hbm>>
      %dma_wait3A_368 = arith.constant 0 : i32
      %dma_wait3A_369 = tpu.memref_slice %arg23[%mul3A_356, %dma_wait3A_368] : memref<10240x8xf32, #tpu.memory_space<vmem_shared>> -> memref<640x8xf32, #tpu.memory_space<vmem_shared>>
      tpu.wait_dma2 semaphore(%run_scoped3A_359 : memref<!tpu.dma_semaphore, #tpu.memory_space<semaphore_mem>>) src(%dma_wait3A_369 : memref<640x8xf32, #tpu.memory_space<vmem_shared>>) dst(%dma_wait3A_367 : memref<640x8xf32, #tpu.memory_space<hbm>>)
      tpu.yield
    }) : () -> ()
    return
  }
}

module attributes {stable_mosaic.version = 14 : i64} {
  func.func @_tc1_body(%arg0: i32, %arg1: memref<1000x128xf32, #tpu.memory_space<vmem>>, %arg2: memref<2x1000x8xf32, #tpu.memory_space<vmem>>, %arg3: memref<1000x128xf32, #tpu.memory_space<vmem>>, %arg4: memref<128x128xf32, #tpu.memory_space<vmem>>, %arg5: memref<1x128xf32, #tpu.memory_space<vmem>>, %arg6: memref<128x128xf32, #tpu.memory_space<vmem>>, %arg7: memref<1000x128xf32, #tpu.memory_space<vmem>>, %arg8: memref<1000x128xf32, #tpu.memory_space<vmem>>) attributes {dimension_semantics = [#tpu.dimension_semantics<arbitrary>], iteration_bounds = array<i64: 10>, scalar_prefetch = 0 : i64, scratch_operands = 0 : i64, tpu.core_type = #tpu.core_type<tc>, window_params = [{transform_indices = @transform_0, window_bounds = array<i64: 1000, 128>}, {transform_indices = @transform_1, window_bounds = array<i64: 2, 1000, 8>}, {transform_indices = @transform_2, window_bounds = array<i64: 1000, 128>}, {pipeline_mode = #tpu.pipeline_mode<synchronous>, transform_indices = @transform_3, window_bounds = array<i64: 128, 128>}, {pipeline_mode = #tpu.pipeline_mode<synchronous>, transform_indices = @transform_4, window_bounds = array<i64: 1, 128>}, {pipeline_mode = #tpu.pipeline_mode<synchronous>, transform_indices = @transform_5, window_bounds = array<i64: 128, 128>}, {transform_indices = @transform_6, window_bounds = array<i64: 1000, 128>}, {transform_indices = @transform_7, window_bounds = array<i64: 1000, 128>}]} {
    %get3A = arith.constant 0 : index
    %get3A_0 = arith.constant 0 : index
    %get3A_1 = arith.constant 0 : index
    %get3A_2 = vector.load %arg2[%get3A, %get3A_0, %get3A_1] : memref<2x1000x8xf32, #tpu.memory_space<vmem>>, vector<1x1000x8xf32>
    %get3A_3 = vector.shape_cast %get3A_2 : vector<1x1000x8xf32> to vector<1000x8xf32>
    %slice3A = vector.extract_strided_slice %get3A_3 {offsets = [0, 0], sizes = [1000, 1], strides = [1, 1]} : vector<1000x8xf32> to vector<1000x1xf32>
    %get3A_4 = arith.constant 0 : index
    %get3A_5 = arith.constant 0 : index
    %get3A_6 = vector.load %arg1[%get3A_4, %get3A_5] : memref<1000x128xf32, #tpu.memory_space<vmem>>, vector<1000x128xf32>
    %max3A = arith.constant 1.000000e+00 : f32
    %max3A_7 = vector.broadcast %max3A : f32 to vector<1000x1xf32>
    %max3A_8 = arith.maximumf %slice3A, %max3A_7 : vector<1000x1xf32>
    %div3A = vector.broadcast %max3A_8 : vector<1000x1xf32> to vector<1000x128xf32>
    %div3A_9 = arith.divf %get3A_6, %div3A : vector<1000x128xf32>
    %get3A_10 = arith.constant 0 : index
    %get3A_11 = arith.constant 0 : index
    %get3A_12 = vector.load %arg4[%get3A_10, %get3A_11] : memref<128x128xf32, #tpu.memory_space<vmem>>, vector<128x128xf32>
    %dot_general3A = arith.constant dense<0.000000e+00> : vector<1000x128xf32>
    %dot_general3A_13 = tpu.matmul %div3A_9, %get3A_12, %dot_general3A {dimension_numbers = #tpu.dot_dimension_numbers<[1], [0], [0], [1], [0, 0, 1, 1], [], []>, transpose_lhs_hint = false} : vector<1000x128xf32>, vector<128x128xf32>, vector<1000x128xf32> -> vector<1000x128xf32>
    %get3A_14 = arith.constant 0 : index
    %get3A_15 = arith.constant 0 : index
    %get3A_16 = vector.load %arg5[%get3A_14, %get3A_15] : memref<1x128xf32, #tpu.memory_space<vmem>>, vector<1x128xf32>
    %add3A = vector.broadcast %get3A_16 : vector<1x128xf32> to vector<1000x128xf32>
    %add3A_17 = arith.addf %dot_general3A_13, %add3A : vector<1000x128xf32>
    %get3A_18 = arith.constant 0 : index
    %get3A_19 = arith.constant 0 : index
    %get3A_20 = vector.load %arg3[%get3A_18, %get3A_19] : memref<1000x128xf32, #tpu.memory_space<vmem>>, vector<1000x128xf32>
    %get3A_21 = arith.constant 0 : index
    %get3A_22 = arith.constant 0 : index
    %get3A_23 = vector.load %arg6[%get3A_21, %get3A_22] : memref<128x128xf32, #tpu.memory_space<vmem>>, vector<128x128xf32>
    %dot_general3A_24 = arith.constant dense<0.000000e+00> : vector<1000x128xf32>
    %dot_general3A_25 = tpu.matmul %get3A_20, %get3A_23, %dot_general3A_24 {dimension_numbers = #tpu.dot_dimension_numbers<[1], [0], [0], [1], [0, 0, 1, 1], [], []>, transpose_lhs_hint = false} : vector<1000x128xf32>, vector<128x128xf32>, vector<1000x128xf32> -> vector<1000x128xf32>
    %add3A_26 = arith.addf %add3A_17, %dot_general3A_25 : vector<1000x128xf32>
    %swap3A = arith.constant 0 : index
    %swap3A_27 = arith.constant 0 : index
    %swap3A_28 = vector.load %arg7[%swap3A, %swap3A_27] : memref<1000x128xf32, #tpu.memory_space<vmem>>, vector<1000x128xf32>
    tpu.vector_store %arg7[%swap3A, %swap3A_27], %add3A_26 {strides = array<i32>} : memref<1000x128xf32, #tpu.memory_space<vmem>>, vector<1000x128xf32>,
    %max3A_29 = arith.constant 0.000000e+00 : f32
    %max3A_30 = vector.broadcast %max3A_29 : f32 to vector<1000x128xf32>
    %max3A_31 = arith.maximumf %add3A_26, %max3A_30 : vector<1000x128xf32>
    %swap3A_32 = arith.constant 0 : index
    %swap3A_33 = arith.constant 0 : index
    %swap3A_34 = vector.load %arg8[%swap3A_32, %swap3A_33] : memref<1000x128xf32, #tpu.memory_space<vmem>>, vector<1000x128xf32>
    tpu.vector_store %arg8[%swap3A_32, %swap3A_33], %max3A_31 {strides = array<i32>} : memref<1000x128xf32, #tpu.memory_space<vmem>>, vector<1000x128xf32>,
    return
  }
  func.func @transform_0(%arg0: i32) -> (i32, i32) {
    %c0_i32 = arith.constant 0 : i32
    %c0_i32_0 = arith.constant 0 : i32
    return %arg0, %c0_i32 : i32, i32
  }
  func.func @transform_1(%arg0: i32) -> (i32, i32, i32) {
    %c0_i32 = arith.constant 0 : i32
    %c0_i32_0 = arith.constant 0 : i32
    %c0_i32_1 = arith.constant 0 : i32
    return %c0_i32, %arg0, %c0_i32_0 : i32, i32, i32
  }
  func.func @transform_2(%arg0: i32) -> (i32, i32) {
    %c0_i32 = arith.constant 0 : i32
    %c0_i32_0 = arith.constant 0 : i32
    return %arg0, %c0_i32 : i32, i32
  }
  func.func @transform_3(%arg0: i32) -> (i32, i32) {
    %c0_i32 = arith.constant 0 : i32
    %c0_i32_0 = arith.constant 0 : i32
    %c0_i32_1 = arith.constant 0 : i32
    return %c0_i32, %c0_i32_0 : i32, i32
  }
  func.func @transform_4(%arg0: i32) -> (i32, i32) {
    %c0_i32 = arith.constant 0 : i32
    %c0_i32_0 = arith.constant 0 : i32
    %c0_i32_1 = arith.constant 0 : i32
    return %c0_i32, %c0_i32_0 : i32, i32
  }
  func.func @transform_5(%arg0: i32) -> (i32, i32) {
    %c0_i32 = arith.constant 0 : i32
    %c0_i32_0 = arith.constant 0 : i32
    %c0_i32_1 = arith.constant 0 : i32
    return %c0_i32, %c0_i32_0 : i32, i32
  }
  func.func @transform_6(%arg0: i32) -> (i32, i32) {
    %c0_i32 = arith.constant 0 : i32
    %c0_i32_0 = arith.constant 0 : i32
    return %arg0, %c0_i32 : i32, i32
  }
  func.func @transform_7(%arg0: i32) -> (i32, i32) {
    %c0_i32 = arith.constant 0 : i32
    %c0_i32_0 = arith.constant 0 : i32
    return %arg0, %c0_i32 : i32, i32
  }
}

module attributes {stable_mosaic.version = 14 : i64} {
  func.func @_tc2_body(%arg0: i32, %arg1: memref<1000x128xf32, #tpu.memory_space<vmem>>, %arg2: memref<2x1000x8xf32, #tpu.memory_space<vmem>>, %arg3: memref<1000x128xf32, #tpu.memory_space<vmem>>, %arg4: memref<128x300xf32, #tpu.memory_space<vmem>>, %arg5: memref<1x300xf32, #tpu.memory_space<vmem>>, %arg6: memref<128x300xf32, #tpu.memory_space<vmem>>, %arg7: memref<1000x300xf32, #tpu.memory_space<vmem>>) attributes {dimension_semantics = [#tpu.dimension_semantics<arbitrary>], iteration_bounds = array<i64: 10>, scalar_prefetch = 0 : i64, scratch_operands = 0 : i64, tpu.core_type = #tpu.core_type<tc>, window_params = [{transform_indices = @transform_0, window_bounds = array<i64: 1000, 128>}, {transform_indices = @transform_1, window_bounds = array<i64: 2, 1000, 8>}, {transform_indices = @transform_2, window_bounds = array<i64: 1000, 128>}, {pipeline_mode = #tpu.pipeline_mode<synchronous>, transform_indices = @transform_3, window_bounds = array<i64: 128, 300>}, {pipeline_mode = #tpu.pipeline_mode<synchronous>, transform_indices = @transform_4, window_bounds = array<i64: 1, 300>}, {pipeline_mode = #tpu.pipeline_mode<synchronous>, transform_indices = @transform_5, window_bounds = array<i64: 128, 300>}, {transform_indices = @transform_6, window_bounds = array<i64: 1000, 300>}]} {
    %get3A = arith.constant 0 : index
    %get3A_0 = arith.constant 0 : index
    %get3A_1 = arith.constant 0 : index
    %get3A_2 = vector.load %arg2[%get3A, %get3A_0, %get3A_1] : memref<2x1000x8xf32, #tpu.memory_space<vmem>>, vector<1x1000x8xf32>
    %get3A_3 = vector.shape_cast %get3A_2 : vector<1x1000x8xf32> to vector<1000x8xf32>
    %slice3A = vector.extract_strided_slice %get3A_3 {offsets = [0, 0], sizes = [1000, 1], strides = [1, 1]} : vector<1000x8xf32> to vector<1000x1xf32>
    %get3A_4 = arith.constant 0 : index
    %get3A_5 = arith.constant 0 : index
    %get3A_6 = vector.load %arg1[%get3A_4, %get3A_5] : memref<1000x128xf32, #tpu.memory_space<vmem>>, vector<1000x128xf32>
    %max3A = arith.constant 1.000000e+00 : f32
    %max3A_7 = vector.broadcast %max3A : f32 to vector<1000x1xf32>
    %max3A_8 = arith.maximumf %slice3A, %max3A_7 : vector<1000x1xf32>
    %div3A = vector.broadcast %max3A_8 : vector<1000x1xf32> to vector<1000x128xf32>
    %div3A_9 = arith.divf %get3A_6, %div3A : vector<1000x128xf32>
    %get3A_10 = arith.constant 0 : index
    %get3A_11 = arith.constant 0 : index
    %get3A_12 = vector.load %arg3[%get3A_10, %get3A_11] : memref<1000x128xf32, #tpu.memory_space<vmem>>, vector<1000x128xf32>
    %max3A_13 = arith.constant 0.000000e+00 : f32
    %max3A_14 = vector.broadcast %max3A_13 : f32 to vector<1000x128xf32>
    %max3A_15 = arith.maximumf %get3A_12, %max3A_14 : vector<1000x128xf32>
    %get3A_16 = arith.constant 0 : index
    %get3A_17 = arith.constant 0 : index
    %get3A_18 = vector.load %arg4[%get3A_16, %get3A_17] : memref<128x300xf32, #tpu.memory_space<vmem>>, vector<128x300xf32>
    %dot_general3A = arith.constant dense<0.000000e+00> : vector<1000x300xf32>
    %dot_general3A_19 = tpu.matmul %div3A_9, %get3A_18, %dot_general3A {dimension_numbers = #tpu.dot_dimension_numbers<[1], [0], [0], [1], [0, 0, 1, 1], [], []>, transpose_lhs_hint = false} : vector<1000x128xf32>, vector<128x300xf32>, vector<1000x300xf32> -> vector<1000x300xf32>
    %get3A_20 = arith.constant 0 : index
    %get3A_21 = arith.constant 0 : index
    %get3A_22 = vector.load %arg5[%get3A_20, %get3A_21] : memref<1x300xf32, #tpu.memory_space<vmem>>, vector<1x300xf32>
    %add3A = vector.broadcast %get3A_22 : vector<1x300xf32> to vector<1000x300xf32>
    %add3A_23 = arith.addf %dot_general3A_19, %add3A : vector<1000x300xf32>
    %get3A_24 = arith.constant 0 : index
    %get3A_25 = arith.constant 0 : index
    %get3A_26 = vector.load %arg6[%get3A_24, %get3A_25] : memref<128x300xf32, #tpu.memory_space<vmem>>, vector<128x300xf32>
    %dot_general3A_27 = arith.constant dense<0.000000e+00> : vector<1000x300xf32>
    %dot_general3A_28 = tpu.matmul %max3A_15, %get3A_26, %dot_general3A_27 {dimension_numbers = #tpu.dot_dimension_numbers<[1], [0], [0], [1], [0, 0, 1, 1], [], []>, transpose_lhs_hint = false} : vector<1000x128xf32>, vector<128x300xf32>, vector<1000x300xf32> -> vector<1000x300xf32>
    %add3A_29 = arith.addf %add3A_23, %dot_general3A_28 : vector<1000x300xf32>
    %reduce_max3A = arith.constant dense<0xFF800000> : vector<1000xf32>
    %reduce_max3A_30 = vector.multi_reduction <maximumf>, %add3A_29, %reduce_max3A [1] : vector<1000x300xf32> to vector<1000xf32>
    %broadcast_in_dim3A = vector.shape_cast %reduce_max3A_30 : vector<1000xf32> to vector<1000x1xf32>
    %sub3A = vector.broadcast %broadcast_in_dim3A : vector<1000x1xf32> to vector<1000x300xf32>
    %sub3A_31 = arith.subf %add3A_29, %sub3A : vector<1000x300xf32>
    %exp3A = math.exp %sub3A_31 : vector<1000x300xf32>
    %reduce_sum3A = arith.constant dense<0.000000e+00> : vector<1000xf32>
    %reduce_sum3A_32 = vector.multi_reduction <add>, %exp3A, %reduce_sum3A [1] : vector<1000x300xf32> to vector<1000xf32>
    %broadcast_in_dim3A_33 = vector.shape_cast %reduce_sum3A_32 : vector<1000xf32> to vector<1000x1xf32>
    %log3A = math.log %broadcast_in_dim3A_33 : vector<1000x1xf32>
    %add3A_34 = arith.addf %broadcast_in_dim3A, %log3A : vector<1000x1xf32>
    %sub3A_35 = vector.broadcast %add3A_34 : vector<1000x1xf32> to vector<1000x300xf32>
    %sub3A_36 = arith.subf %add3A_29, %sub3A_35 : vector<1000x300xf32>
    %swap3A = arith.constant 0 : index
    %swap3A_37 = arith.constant 0 : index
    %swap3A_38 = vector.load %arg7[%swap3A, %swap3A_37] : memref<1000x300xf32, #tpu.memory_space<vmem>>, vector<1000x300xf32>
    tpu.vector_store %arg7[%swap3A, %swap3A_37], %sub3A_36 {strides = array<i32>} : memref<1000x300xf32, #tpu.memory_space<vmem>>, vector<1000x300xf32>,
    return
  }
  func.func @transform_0(%arg0: i32) -> (i32, i32) {
    %c0_i32 = arith.constant 0 : i32
    %c0_i32_0 = arith.constant 0 : i32
    return %arg0, %c0_i32 : i32, i32
  }
  func.func @transform_1(%arg0: i32) -> (i32, i32, i32) {
    %c0_i32 = arith.constant 0 : i32
    %c0_i32_0 = arith.constant 0 : i32
    %c0_i32_1 = arith.constant 0 : i32
    return %c0_i32, %arg0, %c0_i32_0 : i32, i32, i32
  }
  func.func @transform_2(%arg0: i32) -> (i32, i32) {
    %c0_i32 = arith.constant 0 : i32
    %c0_i32_0 = arith.constant 0 : i32
    return %arg0, %c0_i32 : i32, i32
  }
  func.func @transform_3(%arg0: i32) -> (i32, i32) {
    %c0_i32 = arith.constant 0 : i32
    %c0_i32_0 = arith.constant 0 : i32
    %c0_i32_1 = arith.constant 0 : i32
    return %c0_i32, %c0_i32_0 : i32, i32
  }
  func.func @transform_4(%arg0: i32) -> (i32, i32) {
    %c0_i32 = arith.constant 0 : i32
    %c0_i32_0 = arith.constant 0 : i32
    %c0_i32_1 = arith.constant 0 : i32
    return %c0_i32, %c0_i32_0 : i32, i32
  }
  func.func @transform_5(%arg0: i32) -> (i32, i32) {
    %c0_i32 = arith.constant 0 : i32
    %c0_i32_0 = arith.constant 0 : i32
    %c0_i32_1 = arith.constant 0 : i32
    return %c0_i32, %c0_i32_0 : i32, i32
  }
  func.func @transform_6(%arg0: i32) -> (i32, i32) {
    %c0_i32 = arith.constant 0 : i32
    %c0_i32_0 = arith.constant 0 : i32
    return %arg0, %c0_i32 : i32, i32
  }
}

</mosaic_0001>

<sc_bundles>
// kernel: kernel.6.cloned.1.call-start
scs
__scs_entry_jumppad:
0x0: {  	(pc) =	sbr.rel $0x88, $3  }
0x1: {  	(tag) =	ssettag $0x0;
	lr =	simm.s32 $0x1  }
0x2: {  	[smem:$0x3F99] =	sst lr;
	_ =	strace $0xD0000000  }
0x3: {  	_ = 	snop  }
0x4: {  	_ = 	snop  }
0x5: {  	_ = 	snop  }
0x6: {  	_ = 	snop  }
0x7: {  	_ = 	snop  }
__scs_overlays_trampoline_lowered:
0x8: {  	[smem:$0x3FA8] =	sst s0  }
0x9: {  	[smem:$0x3FA9] =	sst s1  }
0xa: {  	[smem:$0x3FAA] =	sst s2  }
0xb: {  	[smem:$0x3FAB] =	sst s3  }
0xc: {  	[smem:$0x3FAC] =	sst s4  }
0xd: {  	[smem:$0x3FAD] =	sst s5  }
0xe: {  	[smem:$0x3FAE] =	sst s6  }
0xf: {  	[smem:$0x3FAF] =	sst s7  }
0x10: {  	[smem:$0x3FB0] =	sst s8  }
0x11: {  	[smem:$0x3FB1] =	sst s9;
	s0 =	simm.s32 @!p0 $0x0  }
0x12: {  	s1 =	sld [smem:$0x3F97];
	s0 =	simm.s32 @p0 $0x1  }
0x13: {  	[smem:$0x3FB2] =	sst s0;
	s0 =	simm.s32 @!p1 $0x0  }
0x14: {  	s2 =	sld [smem:$0x3F96];
	s0 =	simm.s32 @p1 $0x1  }
0x15: {  	[smem:$0x3FB3] =	sst s0;
	s0 =	simm.s32 @!p2 $0x0  }
0x16: {  	s3 =	sld [smem:$0x3FDB];
	s0 =	simm.s32 @p2 $0x1  }
0x17: {  	s4 =	simm.s32 $0x1BF5;
	[smem:$0x3FB5] =	sst s0  }
0x18: {  	s0 =	sld [smem:$0x3F98];
	_ =	swait.ge [sflag:s4], $0x0  }
0x19: {  	s7 =	sld [smem:$0x3F99]  }
0x1a: {  	s8 =	sadd.s32 $0xFFFFE003, lr  }
0x1b: {  	s9 =	sadd.s32 $0xFFFFFEF7, lr;
	s5 =	simm.s32 $0xFFFFFFFF;
	p2 =	slt.u32 s8, $0xFFFFF086  }
0x1c: {  	p1 =	slt.u32 s9, $0xF7A;
	s5 =	simm.s32 @!p2 $0x0  }
0x1d: {  	s5 =	simm.s32 @p1 $0x1;
	p0 =	seq.s32 s7, s2  }
0x1e: {  	s7 =	smul.u32 @!p0 $0xF7A, s2;
	p2 =	seq.s32 @!p0 s5, $0x0  }
0x1f: {  	s9 =	smul.u32 $0xF7A, s1;
	s8 =	simm.s32 @!p0 $0x1BF5;
	p2 =	por !p2, p0  }
0x20: {  	[sflag:s8] =	ssyncset.s32 @!p0 $0xFFFFF086;
	s6 =	sadd.s32 @!p0 s3, s7;
	s7 =	simm.s32 @!p0 $0x108  }
0x21: {  	s3 =	sadd.s32 s3, s9;
	s6 =	sadd.s32 @!p0 $0x88, s6;
	s7 =	simm.s32 @p2 $0x1082  }
0x22: {  	[simem:s7], [sflag:s8] =	dma.local @!p0 [hbm:s6], $0xF7A  }
0x23: {  	s9 =	sor.u32 $0xD0000000, s2;
	s6 =	simm.s32 $0x108;
	_ =	swait.ge @!p0 [sflag:s8], $0x0  }
0x24: {  	s3 =	sadd.s32 $0x88, s3;
	s6 =	simm.s32 @!p1 $0x1082;
	[sflag:s4] =	ssyncset.s32 $0xFFFFF086  }
0x25: {  	[simem:s6], [sflag:s4] =	dma.local [hbm:s3], $0xF7A  }
0x26: {  	[smem:$0x3F99] =	sst s1;
	(tag) =	ssettag s2;
	_ =	strace s9  }
0x27: {  	s1 =	sld [smem:$0x3FA9]  }
0x28: {  	s2 =	sld [smem:$0x3FAA]  }
0x29: {  	s4 =	sld [smem:$0x3FAC]  }
0x2a: {  	p0 =	seq.s32 s5, $0x0;
	s5 =	sld [smem:$0x3FAD]  }
0x2b: {  	s6 =	sld [smem:$0x3FAE]  }
0x2c: {  	s7 =	sld [smem:$0x3FAF]  }
0x2d: {  	s3 =	simm.s32 $0x108;
	s8 =	sld [smem:$0x3FB0]  }
0x2e: {  	s3 =	simm.s32 @!p0 $0x1082;
	s9 =	sld [smem:$0x3FB1]  }
0x2f: {  	lr =	sadd.s32 s0, s3;
	s0 =	sld [smem:$0x3FA8]  }
0x30: {  	s3 =	sld [smem:$0x3FAB]  }
0x31: {  	[smem:$0x3FB4] =	sst s10  }
0x32: {  	s10 =	sld [smem:$0x3FB2];
	_ =	sdelay $0x3  }
0x33: {  	p0 =	seq.s32 s10, $0x1;
	s10 =	sld [smem:$0x3FB4];
	_ =	sdelay $0x3  }
0x34: {  	[smem:$0x3FB4] =	sst s10  }
0x35: {  	s10 =	sld [smem:$0x3FB3];
	_ =	sdelay $0x3  }
0x36: {  	p1 =	seq.s32 s10, $0x1;
	s10 =	sld [smem:$0x3FB4];
	_ =	sdelay $0x3  }
0x37: {  	[smem:$0x3FB4] =	sst s10  }
0x38: {  	s10 =	sld [smem:$0x3FB5]  }
0x39: {  	_ = 	snop;
	(pc) =	sbr.ind lr, $3  }
0x3a: {  	_ = 	snop  }
0x3b: {  	_ = 	snop  }
0x3c: {  	p2 =	seq.s32 s10, $0x1;
	s10 =	sld [smem:$0x3FB4]  }
0x3d: {  	_ =	shalt  }
0x3e: {  	_ =	shalt  }
0x3f: {  	_ =	shalt  }
0x40: {  	_ =	shalt  }
0x41: {  	_ =	shalt  }
0x42: {  	_ =	shalt  }
0x43: {  	_ =	shalt  }
0x44: {  	_ =	shalt  }
0x45: {  	_ =	shalt  }
0x46: {  	_ =	shalt  }
0x47: {  	_ =	shalt  }
0x48: {  	_ =	shalt  }
0x49: {  	_ =	shalt  }
0x4a: {  	_ =	shalt  }
0x4b: {  	_ =	shalt  }
0x4c: {  	_ =	shalt  }
0x4d: {  	_ =	shalt  }
0x4e: {  	_ =	shalt  }
0x4f: {  	_ =	shalt  }
0x50: {  	_ =	shalt  }
0x51: {  	_ =	shalt  }
0x52: {  	_ =	shalt  }
0x53: {  	_ =	shalt  }
0x54: {  	_ =	shalt  }
0x55: {  	_ =	shalt  }
0x56: {  	_ =	shalt  }
0x57: {  	_ =	shalt  }
0x58: {  	_ =	shalt  }
0x59: {  	_ =	shalt  }
0x5a: {  	_ =	shalt  }
0x5b: {  	_ =	shalt  }
0x5c: {  	_ =	shalt  }
0x5d: {  	_ =	shalt  }
0x5e: {  	_ =	shalt  }
0x5f: {  	_ =	shalt  }
0x60: {  	_ =	shalt  }
0x61: {  	_ =	shalt  }
0x62: {  	_ =	shalt  }
0x63: {  	_ =	shalt  }
0x64: {  	_ =	shalt  }
0x65: {  	_ =	shalt  }
0x66: {  	_ =	shalt  }
0x67: {  	_ =	shalt  }
0x68: {  	_ =	shalt  }
0x69: {  	_ =	shalt  }
0x6a: {  	_ =	shalt  }
0x6b: {  	_ =	shalt  }
0x6c: {  	_ =	shalt  }
0x6d: {  	_ =	shalt  }
0x6e: {  	_ =	shalt  }
0x6f: {  	_ =	shalt  }
0x70: {  	_ =	shalt  }
0x71: {  	_ =	shalt  }
0x72: {  	_ =	shalt  }
0x73: {  	_ =	shalt  }
0x74: {  	_ =	shalt  }
0x75: {  	_ =	shalt  }
0x76: {  	_ =	shalt  }
0x77: {  	_ =	shalt  }
0x78: {  	_ =	shalt  }
0x79: {  	_ =	shalt  }
0x7a: {  	_ =	shalt  }
0x7b: {  	_ =	shalt  }
0x7c: {  	_ =	shalt  }
0x7d: {  	_ =	shalt  }
0x7e: {  	_ =	shalt  }
0x7f: {  	_ =	shalt  }
0x80: {  	_ =	shalt  }
0x81: {  	_ =	shalt  }
0x82: {  	_ =	shalt  }
0x83: {  	_ =	shalt  }
0x84: {  	_ =	shalt  }
0x85: {  	_ =	shalt  }
0x86: {  	_ =	shalt  }
0x87: {  	_ =	shalt  }
.Lfunc_end0:
.L_simem_size_0:
called_computation_lowered:
.L_overlay_start_0:
0x88: {  	s2 =	sld [smem:$0x3FD9]  }
0x89: {  	s3 =	sld [smem:$0x3FFE];
	_ =	sdelay $0x1  }
0x8a: {  	s1 =	srdreg.scid  }
0x8b: {  	s0 =	sand.u32 $0x1, s1  }
0x8c: {  	s14 =	sshll.u32 s0, $0xA;
	s2 =	sadd.s32 s3, s2  }
0x8d: {  	s2 =	sadd.s32 s2, s14  }
0x8e: {  	[smem:$0x3FC0] =	sst s2  }
0x8f: {  	_ = 	snop  }
0x90: {  	s2 =	sld [smem:$0x3FD0];
	_ =	sdelay $0x2  }
0x91: {  	s4 =	simm.s32 $0xA;
	s5 =	simm.s32 $0x10;
	s15 =	sld [smem:$0x3FC9]  }
0x92: {  	[smem:s5], [sflag:s4] =	dma.local [hbm:s2], $0x1  }
0x93: {  	_ =	swait.eq [sflag:s4], $0x1  }
0x94: {  	[sflag:s4] =	ssyncset.done $0x0  }
0x95: {  	[sflag:s4] =	ssyncadd.s32 $0xFFFFFFFF  }
0x96: {  	s16 =	sld [smem:$0x10];
	(tm) =	ssettm $0x1  }
0x97: {  	s17 =	sld [smem:$0x3FFB];
	_ =	sdelay $0x3  }
0x98: {  	_ =	strace s17  }
0x99: {  	s4 =	sld [smem:$0x3FFC];
	_ =	sdelay $0x3  }
0x9a: {  	_ =	strace s4  }
0x9b: {  	s4 =	sld [smem:$0x3FFD];
	_ =	sdelay $0x3  }
0x9c: {  	_ =	strace s4  }
0x9d: {  	_ =	strace $0x8FFFFFFF  }
0x9e: {  	s18 =	sld [smem:$0x3FDB];
	_ =	sdelay $0x1  }
0x9f: {  	s19 =	simm.s32 $_scs_section_size  }
0xa0: {  	s6 =	simm.s32 $_size__tile_overlayer_lowered;
	s7 =	simm.s32 $_tile_overlayer_lowered  }
0xa1: {  	s22 =	simm.s32 $0x1BFF;
	s21 =	sshll.u32 s7, $0x1;
	s4 =	sadd.s32 s19, s18  }
0xa2: {  	s8 =	simm.s32 $0x0;
	s20 =	sshll.u32 s6, $0x1;
	s6 =	sadd.s32 s21, s4  }
0xa3: {  	[timem:s8], [sflag:s22] =	dma.local [hbm:s6], s20  }
0xa4: {  	_ =	swait.ge [sflag:s22], s20  }
0xa5: {  	s5 =	ssub.s32 $0x0, s20;
	[sflag:s22] =	ssyncset.done $0x0  }
0xa6: {  	[sflag:s22] =	ssyncadd.s32 s5;
	_ =	sdelay $0x1  }
0xa7: {  	s23 =	simm.s32 $0x1B8B  }
0xa8: {  	_ =	swait.ge [sflag:s23], $0x1  }
0xa9: {  	[sflag:s23] =	ssyncset.done $0x0  }
0xaa: {  	s25 =	simm.s32 $0x1B8E;
	s24 =	sld [smem:$0x3FFE];
	[sflag:s23] =	ssyncadd.s32 $0xFFFFFFFF  }
0xab: {  	s26 =	simm.s32 $execute0_lowered;
	[smem:$0x3FD2] =	sst s25  }
0xac: {  	s6 =	sshll.u32 s26, $0x1;
	_ =	strace $0x80000046;
	[dreg:$0x1] =	wrdreg $0xFFFFFFFF  }
0xad: {  	s28 =	simm.s32 $_size_execute0_lowered;
	s4 =	sadd.s32 s4, s6;
	[dreg:$0x0] =	wrdreg $0x0  }
0xae: {  	s6 =	sshll.u32 s28, $0x1;
	[dreg:$0x2] =	wrdreg s4  }
0xaf: {  	[dreg:$0x3] =	wrdreg s6  }
0xb0: {  	[dreg:$0x4] =	wrdreg $0xC0  }
0xb1: {  	_ =	task [dreg:s8], $0x5FFFF  }
0xb2: {  	[dreg:$0x1] =	wrdreg $0xFFFFFFFF  }
0xb3: {  	[dreg:$0x0] =	wrdreg $0x60  }
0xb4: {  	[dreg:$0x2] =	wrdreg s15  }
0xb5: {  	[dreg:$0x3] =	wrdreg s24  }
0xb6: {  	[dreg:$0x4] =	wrdreg s16  }
0xb7: {  	[dreg:$0x5] =	wrdreg $0x104500  }
0xb8: {  	[dreg:$0x6] =	wrdreg $0x1A4500  }
0xb9: {  	[dreg:$0x7] =	wrdreg $0x9  }
0xba: {  	_ =	task.clear_ibuf [dreg:s8], $0x8FFFF;
	_ =	strace $0x90000046  }
0xbb: {  	s29 =	simm.s32 $0x9;
	_ =	strace $0x80000048  }
0xbc: {  	_ =	swait.ge [sflag:s29], $0x1  }
0xbd: {  	[sflag:s29] =	ssyncadd.s32 $0xFFFFFFFF  }
0xbe: {  	_ =	strace $0x90000048  }
0xbf: {  	_ =	sfence  }
0xc0: {  	s30 =	sld [smem:$0x0];
	_ =	sdelay $0x2  }
0xc1: {  	s31 =	sshll.u32 s1, $0xD;
	s1 =	sshrl.u32 s1, $0x2  }
0xc2: {  	s3 =	sand.u32 $0x4000, s31;
	s1 =	sadd.s32 s1, s30  }
0xc3: {  	s0 =	sor.u32 s3, s0;
	s1 =	sshll.u32 s1, $0x11  }
0xc4: {  	s0 =	sor.u32 s1, s0  }
0xc5: {  	s0 =	sadd.s32 $0x8F2B, s0  }
0xc6: {  	[sflag:s0] =	ssyncadd.remote.s32 $0x1  }
0xc7: {  	_ =	sfence.sel $0xFFFF  }
0xc8: {  	[dreg:$0x0] =	wrdreg $0xFFFFFFFF;
	(pc) =	sbr.abs _section_cstart, $3  }
0xc9: {  	[dreg:$0x1] =	wrdreg $0xFFFFFFFF  }
0xca: {  	_ =	task.clear_ibuf [dreg:s8], $0x2FFFF;
	_ =	strace $0x9FFFFFFF  }
0xcb: {  	(tm) =	ssettm $0x7FFFFFFF  }
tec
execute0_lowered:
.L_overlay_start_1:
0x0: {  	(tag) =	ssettag $0x1  }
0x1: {  	s1 =	rddreg [dreg:$0x0]  }
0x2: {  	s0 =	rddreg [dreg:$0x1]  }
0x3: {  	s2 =	rddreg [dreg:$0x2]  }
0x4: {  	s3 =	rddreg [dreg:$0x3]  }
0x5: {  	s4 =	rddreg [dreg:$0x4];
	s15 =	stileid.u32;
	s5 =	simm.s32 $0x0  }
0x6: {  	s14 =	srdreg.scid;
	s28 =	simm.s32 $0x9D30;
	s29 =	simm.s32 $0xD9D0  }
0x7: {  	s30 =	simm.s32 $0x9D80;
	s31 =	simm.s32 $0xEDD0;
	s6 =	smul.u32 $0x4E20, s15  }
0x8: {  	[smem:$0x7FF] =	sst s5;
	s7 =	sadd.s32 $0x17600, s0;
	s8 =	sadd.s32 $0x17200, s0  }
0x9: {  	s9 =	sand.u32 $0x1, s14;
	s16 =	smul.u32 $0x14000, s15;
	s17 =	sadd.s32 $0x17000, s0  }
0xa: {  	s10 =	smul.u32 $0x28000, s15;
	_ =	strace $0x80000047;
	[dreg:$0x6] =	wrdreg s7  }
0xb: {  	s11 =	smul.u32 $0x1400, s15;
	s14 =	simm.s32 $0x7;
	[dreg:$0x7] =	wrdreg s8  }
0xc: {  	s26 =	sshll.u32 s15, $0x6;
	s15 =	simm.s32 $0x6;
	[dreg:$0x8] =	wrdreg s17  }
0xd: {  	s18 =	sshll.u32 s9, $0x6;
	s19 =	ssub.s32 $0x2, s9;
	s13 =	smul.u32 $0x14000, s9  }
0xe: {  	s17 =	sor.u32 $0x1C07, s26;
	s26 =	simm.s32 $0xC5D0;
	v0 =	vmov s9;
	s9 =	simm.s32 $0x0  }
0xf: {  	s6 =	sshrl.u32 s6, $0x3;
	s7 =	sor.u32 s18, s16;
	s12 =	sshrl.u32 s19, $0x1  }
0x10: {  	s22 =	sshrl.u32 s10, $0x2;
	s24 =	sadd.s32 s11, s4;
	s16 =	simm.s32 $0x101D0  }
0x11: {  	s6 =	sadd.s32 s6, s0;
	s7 =	sshrl.u32 s7, $0x3;
	s20 =	ssub.s32 s19, s12  }
0x12: {  	s23 =	sadd.s32 s11, s13;
	s19 =	sshrl.u32 s24, $0x3;
	s24 =	simm.s32 $0xB1D0  }
0x13: {  	s0 =	sadd.s32 s7, s0;
	s21 =	sadd.s32 $0x3600, s6;
	s6 =	sadd.s32 $0xD240, s6  }
0x14: {  	s8 =	sshrl.u32 s23, $0x3;
	s13 =	smax.u32 s20, $0x1;
	s20 =	simm.s32 $0x50  }
0x15: {  	s23 =	simm.s32 $0x9C90;
	s7 =	simm.s32 $0x4;
	[dreg:$0x9] =	wrdreg s21  }
.Ltmp0:
0x16: {  	[dreg:$0xa] =	wrdreg s6;
	s6 =	sadd.s32 s22, s3;
	(pc) =	sbr.rel .LBB2_1-.Ltmp0, $4  }
0x17: {  	s0 =	sadd.s32 $0x18A00, s0;
	s25 =	sadd.s32 s2, s8;
	s21 =	simm.s32 $0x9C40  }
0x18: {  	s22 =	simm.s32 $0x9DD0;
	s2 =	simm.s32 $0x2;
	[dreg:$0xb] =	wrdreg s0  }
0x19: {  	s8 =	simm.s32 $0x5;
	[dreg:$0xc] =	wrdreg s25;
	s18 =	sshrl.u32 s6, $0x3  }
0x1a: {  	s25 =	simm.s32 $0x9CE0;
	s0 =	simm.s32 $0x1;
	s6 =	simm.s32 $0x3  }
.LBB2_20:
0x1b: {  	_ =	swait.ge [sflag:s15], $0x280  }
0x1c: {  	[sflag:s15] =	ssyncset.done $0x0  }
0x1d: {  	[sflag:s15] =	ssyncadd.s32 $0xFFFFFD80  }
0x1e: {  	_ =	swait.ge [sflag:s15], $0x280  }
0x1f: {  	[sflag:s15] =	ssyncset.done $0x0  }
0x20: {  	[sflag:s15] =	ssyncadd.s32 $0xFFFFFD80  }
0x21: {  	_ =	swait.ge [sflag:s15], $0x280  }
0x22: {  	[sflag:s15] =	ssyncset.done $0x0  }
0x23: {  	[sflag:s15] =	ssyncadd.s32 $0xFFFFFD80  }
0x24: {  	_ =	swait.ge [sflag:s15], $0x280  }
0x25: {  	[sflag:s15] =	ssyncset.done $0x0  }
0x26: {  	[sflag:s15] =	ssyncadd.s32 $0xFFFFFD80  }
0x27: {  	_ =	swait.ge [sflag:s15], $0x280  }
0x28: {  	[sflag:s15] =	ssyncset.done $0x0  }
0x29: {  	[sflag:s15] =	ssyncadd.s32 $0xFFFFFD80  }
0x2a: {  	[bflag:$0x0] =	sbarrier.arrive $0xFFFF  }
0x2b: {  	s11 =	simm.s32 $0x10;
	s12 =	simm.s32 $0x8;
	s10 =	rddreg [dreg:$0xb]  }
0x2c: {  	[hbm:s10@s11], [sflag:s17] =	dma.strided [spmem:s18@s12], $0x1400, s0, $0x8   }
0x2d: {  	s9 =	sadd.s32 $0x1, s9;
	_ =	swait.ge [sflag:s14], $0x1400  }
0x2e: {  	p0 =	sne.s32 s9, s13;
	[sflag:s14] =	ssyncset.done $0x0  }
.Ltmp1:
0x2f: {  	s12 =	rddreg [dreg:$0xc];
	[sflag:s14] =	ssyncadd.s32 $0xFFFFEC00;
	(pc) =	sbr.rel @!p0 .LBB2_21-.Ltmp1, $4  }
0x30: {  	[hbm:s12], [sflag:s17] =	dma.local [spmem:s19], $0x280  }
0x31: {  	_ =	swait.ge [sflag:s14], $0x280  }
0x32: {  	[sflag:s14] =	ssyncset.done $0x0  }
0x33: {  	[sflag:s14] =	ssyncadd.s32 $0xFFFFFD80  }
.LBB2_1:
0x34: {  	s10 =	rddreg [dreg:$0x9]  }
0x35: {  	[tilespmem:s5], [sflag:$0x7] =	stream.linear.gather [hbm4b:s10+s5], $0x4E20, $0x38;
	[tilespmem:$0x1B850] =	vst v63  }
0x36: {  	_ =	swait.ge [sflag:s14], $0x4E20  }
0x37: {  	[sflag:s14] =	ssyncset.done $0x0  }
0x38: {  	s11 =	simm.s32 $0x4E20;
	s12 =	rddreg [dreg:$0xa];
	[sflag:s14] =	ssyncadd.s32 $0xFFFFB1E0  }
0x39: {  	[tilespmem:s11], [sflag:$0x7] =	stream.linear.gather [hbm4b:s12+s5], $0x4E20, $0x38;
	[tilespmem:$0x1B850] =	vst v63  }
0x3a: {  	_ =	swait.ge [sflag:s14], $0x4E20  }
0x3b: {  	[sflag:s14] =	ssyncset.done $0x0  }
0x3c: {  	s12 =	rddreg [dreg:$0x8];
	[sflag:s14] =	ssyncadd.s32 $0xFFFFB1E0  }
0x3d: {  	[tilespmem:s16], [sflag:$0x7] =	stream.linear.gather [hbm4b:s12+s5], $0x280, $0x38;
	[tilespmem:$0x1B850] =	vst v63  }
0x3e: {  	_ =	swait.ge [sflag:s14], $0x280  }
0x3f: {  	[sflag:s14] =	ssyncset.done $0x0  }
0x40: {  	s11 =	rddreg [dreg:$0x6];
	[sflag:s14] =	ssyncadd.s32 $0xFFFFFD80  }
0x41: {  	[spmem:s18], [sflag:s17] =	dma.local [hbm:s11], $0x1400  }
0x42: {  	_ =	swait.ge [sflag:s14], $0x1400  }
0x43: {  	[sflag:s14] =	ssyncset.done $0x0  }
0x44: {  	s12 =	rddreg [dreg:$0x7];
	[sflag:s14] =	ssyncadd.s32 $0xFFFFEC00  }
0x45: {  	[spmem:s19], [sflag:s17] =	dma.local [hbm:s12], $0x280  }
0x46: {  	_ =	swait.ge [sflag:s14], $0x280  }
0x47: {  	[sflag:s14] =	ssyncset.done $0x0  }
0x48: {  	[sflag:s14] =	ssyncadd.s32 $0xFFFFFD80  }
0x49: {  	v1 =	vld [tilespmem:$0x0]  }
0x4a: {  	v2 =	vld [tilespmem:$0x10]  }
0x4b: {  	v3 =	vld [tilespmem:$0x20]  }
0x4c: {  	v4 =	vld [tilespmem:$0x30]  }
0x4d: {  	v5 =	vld [tilespmem:$0x40]  }
0x4e: {  	v1 =	vshll.u32 v1, $0x1  }
0x4f: {  	v2 =	vshll.u32 v2, $0x1;
	v1 =	vor.u32 v0, v1  }
0x50: {  	[tilespmem:$0x9C40] =	vst v1;
	v1 =	vor.u32 v0, v2;
	v2 =	vshll.u32 v3, $0x1  }
0x51: {  	[tilespmem:$0x9C50] =	vst v1;
	v1 =	vor.u32 v0, v2;
	v2 =	vshll.u32 v4, $0x1  }
0x52: {  	[tilespmem:$0x9C60] =	vst v1;
	v1 =	vor.u32 v0, v2;
	v2 =	vshll.u32 v5, $0x1  }
0x53: {  	[tilespmem:$0x9C70] =	vst v1;
	v1 =	vor.u32 v0, v2  }
0x54: {  	[tilespmem:$0x9C80] =	vst v1  }
0x55: {  	[tilespmem:s22], [sflag:$0x1] =	stream.indirect.gather [hbm4b:s1+s20], $0x40, s21, s20, $0xb8;
	[tilespmem:$0x1B850] =	vst v63  }
0x56: {  	v1 =	vld [tilespmem:$0x50]  }
0x57: {  	v2 =	vld [tilespmem:$0x60]  }
0x58: {  	v3 =	vld [tilespmem:$0x70]  }
0x59: {  	v56 =	vld [tilespmem:$0x80]  }
0x5a: {  	v57 =	vld [tilespmem:$0x90]  }
0x5b: {  	v1 =	vshll.u32 v1, $0x1  }
0x5c: {  	v2 =	vshll.u32 v2, $0x1;
	v1 =	vor.u32 v0, v1  }
0x5d: {  	[tilespmem:$0x9C90] =	vst v1;
	v1 =	vor.u32 v0, v2;
	v2 =	vshll.u32 v3, $0x1  }
0x5e: {  	[tilespmem:$0x9CA0] =	vst v1;
	v1 =	vor.u32 v0, v2;
	v2 =	vshll.u32 v56, $0x1  }
0x5f: {  	[tilespmem:$0x9CB0] =	vst v1;
	v1 =	vor.u32 v0, v2;
	v2 =	vshll.u32 v57, $0x1  }
0x60: {  	[tilespmem:$0x9CC0] =	vst v1;
	v1 =	vor.u32 v0, v2  }
0x61: {  	[tilespmem:$0x9CD0] =	vst v1  }
0x62: {  	[tilespmem:s24], [sflag:$0x2] =	stream.indirect.gather [hbm4b:s1+s20], $0x40, s23, s20, $0xb8;
	[tilespmem:$0x1B850] =	vst v63  }
0x63: {  	v1 =	vld [tilespmem:$0xA0]  }
0x64: {  	v2 =	vld [tilespmem:$0xB0]  }
0x65: {  	v3 =	vld [tilespmem:$0xC0]  }
0x66: {  	v58 =	vld [tilespmem:$0xD0]  }
0x67: {  	v59 =	vld [tilespmem:$0xE0]  }
0x68: {  	v1 =	vshll.u32 v1, $0x1  }
0x69: {  	v2 =	vshll.u32 v2, $0x1;
	v1 =	vor.u32 v0, v1  }
0x6a: {  	[tilespmem:$0x9CE0] =	vst v1;
	v1 =	vor.u32 v0, v2;
	v2 =	vshll.u32 v3, $0x1  }
0x6b: {  	[tilespmem:$0x9CF0] =	vst v1;
	v1 =	vor.u32 v0, v2;
	v2 =	vshll.u32 v58, $0x1  }
0x6c: {  	[tilespmem:$0x9D00] =	vst v1;
	v1 =	vor.u32 v0, v2;
	v2 =	vshll.u32 v59, $0x1  }
0x6d: {  	[tilespmem:$0x9D10] =	vst v1;
	v1 =	vor.u32 v0, v2  }
0x6e: {  	[tilespmem:$0x9D20] =	vst v1  }
0x6f: {  	[tilespmem:s26], [sflag:$0x3] =	stream.indirect.gather [hbm4b:s1+s20], $0x40, s25, s20, $0xb8;
	[tilespmem:$0x1B850] =	vst v63  }
0x70: {  	v1 =	vld [tilespmem:$0xF0]  }
0x71: {  	v2 =	vld [tilespmem:$0x100]  }
0x72: {  	v3 =	vld [tilespmem:$0x110]  }
0x73: {  	v60 =	vld [tilespmem:$0x120]  }
0x74: {  	v61 =	vld [tilespmem:$0x130]  }
0x75: {  	v1 =	vshll.u32 v1, $0x1  }
0x76: {  	v2 =	vshll.u32 v2, $0x1;
	v1 =	vor.u32 v0, v1  }
0x77: {  	[tilespmem:$0x9D30] =	vst v1;
	v1 =	vor.u32 v0, v2;
	v2 =	vshll.u32 v3, $0x1  }
0x78: {  	[tilespmem:$0x9D40] =	vst v1;
	v1 =	vor.u32 v0, v2;
	v2 =	vshll.u32 v60, $0x1  }
0x79: {  	[tilespmem:$0x9D50] =	vst v1;
	v1 =	vor.u32 v0, v2;
	v2 =	vshll.u32 v61, $0x1  }
0x7a: {  	[tilespmem:$0x9D60] =	vst v1;
	v1 =	vor.u32 v0, v2  }
0x7b: {  	[tilespmem:$0x9D70] =	vst v1  }
0x7c: {  	[tilespmem:s29], [sflag:$0x4] =	stream.indirect.gather [hbm4b:s1+s20], $0x40, s28, s20, $0xb8;
	[tilespmem:$0x1B850] =	vst v63  }
0x7d: {  	v1 =	vld [tilespmem:$0x140]  }
0x7e: {  	v2 =	vld [tilespmem:$0x150]  }
0x7f: {  	v3 =	vld [tilespmem:$0x160]  }
0x80: {  	v62 =	vld [tilespmem:$0x170]  }
0x81: {  	v63 =	vld [tilespmem:$0x180]  }
0x82: {  	v1 =	vshll.u32 v1, $0x1  }
0x83: {  	v2 =	vshll.u32 v2, $0x1;
	v1 =	vor.u32 v0, v1  }
0x84: {  	[tilespmem:$0x9D80] =	vst v1;
	v1 =	vor.u32 v0, v2;
	v2 =	vshll.u32 v3, $0x1  }
0x85: {  	[tilespmem:$0x9D90] =	vst v1;
	v1 =	vor.u32 v0, v2;
	v2 =	vshll.u32 v62, $0x1  }
0x86: {  	[tilespmem:$0x9DA0] =	vst v1;
	v1 =	vor.u32 v0, v2;
	v2 =	vshll.u32 v63, $0x1  }
0x87: {  	[tilespmem:$0x9DB0] =	vst v1;
	v1 =	vor.u32 v0, v2  }
0x88: {  	[tilespmem:$0x9DC0] =	vst v1  }
0x89: {  	[tilespmem:s31], [sflag:$0x5] =	stream.indirect.gather [hbm4b:s1+s20], $0x40, s30, s20, $0xb8;
	[tilespmem:$0x1B850] =	vst v63  }
0x8a: {  	s10 =	simm.s32 $0x0;
	[bflag:$0x0] =	sbarrier.arrive $0xFFFF  }
.LBB2_2:
0x8b: {  	_ =	swait.ge [sflag:s0], $0x1400  }
0x8c: {  	p0 =	seq.s32 s10, $0x0;
	[sflag:s0] =	ssyncset.done $0x0  }
0x8d: {  	s12 =	simm.s32 @!p0 $0x6;
	[sflag:s0] =	ssyncadd.s32 $0xFFFFEC00  }
0x8e: {  	_ =	swait.ge @!p0 [sflag:s12], $0x280  }
0x8f: {  	s11 =	sshra.s32 s10, $0x2;
	[sflag:s12] =	ssyncset.done @!p0 $0x0  }
0x90: {  	p1 =	sne.s32 s10, $0x13240;
	[sflag:s12] =	ssyncadd.s32 @!p0 $0xFFFFFD80;
	s12 =	sadd.s32 $0x4E20, s11  }
0x91: {  	[spmem:s4] =	stream.indirect.scatter.add.f32 [tilespmem:s16], [sflag:$0x6], $0x8, s12, s20, $0xb8;
	[tilespmem:$0x1B850] =	vst v63  }
.Ltmp2:
0x92: {  	_ = 	snop;
	(pc) =	sbr.rel @p1 .LBB2_4-.Ltmp2, $4  }
0x93: {  	[spmem:s3] =	stream.indirect.scatter.add.f32 [tilespmem:s22], [sflag:$0x7], $0x40, s12, s20, $0xb8;
	[tilespmem:$0x1B850] =	vst v63  }
0x94: {  	_ =	swait.ge [sflag:s14], $0x1400  }
0x95: {  	[sflag:s14] =	ssyncset.done $0x0  }
0x96: {  	[sflag:s14] =	ssyncadd.s32 $0xFFFFEC00  }
.Ltmp3:
0x97: {  	(pc) =	sbr.rel .LBB2_5-.Ltmp3, $4  }
0x98: {  	_ = 	snop  }
0x99: {  	_ =	swait.ge [sflag:s2], $0x1400  }
0x9a: {  	[sflag:s2] =	ssyncset.done $0x0  }
0x9b: {  	[sflag:s2] =	ssyncadd.s32 $0xFFFFEC00  }
.LBB2_4:
0x9c: {  	v1 =	vld [tilespmem:s11+$0x190];
	_ =	sdelay $0x4  }
0x9d: {  	v1 =	vshll.u32 v1, $0x1  }
0x9e: {  	v1 =	vor.u32 v0, v1  }
0x9f: {  	[tilespmem:$0x9C40] =	vst v1  }
0xa0: {  	v1 =	vld [tilespmem:s11+$0x1A0];
	_ =	sdelay $0x4  }
0xa1: {  	v1 =	vshll.u32 v1, $0x1  }
0xa2: {  	v1 =	vor.u32 v0, v1  }
0xa3: {  	[tilespmem:$0x9C50] =	vst v1  }
0xa4: {  	v1 =	vld [tilespmem:s11+$0x1B0];
	_ =	sdelay $0x4  }
0xa5: {  	v1 =	vshll.u32 v1, $0x1  }
0xa6: {  	v1 =	vor.u32 v0, v1  }
0xa7: {  	[tilespmem:$0x9C60] =	vst v1  }
0xa8: {  	v1 =	vld [tilespmem:s11+$0x1C0];
	_ =	sdelay $0x4  }
0xa9: {  	v1 =	vshll.u32 v1, $0x1  }
0xaa: {  	v1 =	vor.u32 v0, v1  }
0xab: {  	[tilespmem:$0x9C70] =	vst v1  }
0xac: {  	v1 =	vld [tilespmem:s11+$0x1D0];
	_ =	sdelay $0x4  }
0xad: {  	v1 =	vshll.u32 v1, $0x1  }
0xae: {  	v1 =	vor.u32 v0, v1  }
.Ltmp4:
0xaf: {  	[tilespmem:$0x9C80] =	vst v1;
	(pc) =	sbr.rel @p0 .LBB2_6-.Ltmp4, $4  }
0xb0: {  	[tilespmem:s22], [sflag:$0x1] =	stream.indirect.gather [hbm4b:s1+s20], $0x40, s21, s20, $0xb8;
	[tilespmem:$0x1B850] =	vst v63  }
0xb1: {  	_ =	swait.ge [sflag:s2], $0x1400  }
0xb2: {  	[sflag:s2] =	ssyncset.done $0x0  }
0xb3: {  	[sflag:s2] =	ssyncadd.s32 $0xFFFFEC00  }
.LBB2_5:
0xb4: {  	_ =	swait.ge [sflag:s15], $0x280  }
0xb5: {  	[sflag:s15] =	ssyncset.done $0x0  }
0xb6: {  	[sflag:s15] =	ssyncadd.s32 $0xFFFFFD80  }
.LBB2_6:
0xb7: {  	s12 =	sadd.s32 $0x4E70, s11  }
0xb8: {  	[spmem:s4] =	stream.indirect.scatter.add.f32 [tilespmem:s16], [sflag:$0x6], $0x8, s12, s20, $0xb8;
	[tilespmem:$0x1B850] =	vst v63  }
.Ltmp5:
0xb9: {  	_ = 	snop;
	(pc) =	sbr.rel @p1 .LBB2_8-.Ltmp5, $4  }
0xba: {  	[spmem:s3] =	stream.indirect.scatter.add.f32 [tilespmem:s24], [sflag:$0x7], $0x40, s12, s20, $0xb8;
	[tilespmem:$0x1B850] =	vst v63  }
0xbb: {  	_ =	swait.ge [sflag:s14], $0x1400  }
0xbc: {  	[sflag:s14] =	ssyncset.done $0x0  }
0xbd: {  	[sflag:s14] =	ssyncadd.s32 $0xFFFFEC00  }
.Ltmp6:
0xbe: {  	(pc) =	sbr.rel .LBB2_9-.Ltmp6, $4  }
0xbf: {  	_ = 	snop  }
0xc0: {  	_ =	swait.ge [sflag:s6], $0x1400  }
0xc1: {  	[sflag:s6] =	ssyncset.done $0x0  }
0xc2: {  	[sflag:s6] =	ssyncadd.s32 $0xFFFFEC00  }
.LBB2_8:
0xc3: {  	v1 =	vld [tilespmem:s11+$0x1E0];
	_ =	sdelay $0x4  }
0xc4: {  	v1 =	vshll.u32 v1, $0x1  }
0xc5: {  	v1 =	vor.u32 v0, v1  }
0xc6: {  	[tilespmem:$0x9C90] =	vst v1  }
0xc7: {  	v1 =	vld [tilespmem:s11+$0x1F0];
	_ =	sdelay $0x4  }
0xc8: {  	v1 =	vshll.u32 v1, $0x1  }
0xc9: {  	v1 =	vor.u32 v0, v1  }
0xca: {  	[tilespmem:$0x9CA0] =	vst v1  }
0xcb: {  	v1 =	vld [tilespmem:s11+$0x200];
	_ =	sdelay $0x4  }
0xcc: {  	v1 =	vshll.u32 v1, $0x1  }
0xcd: {  	v1 =	vor.u32 v0, v1  }
0xce: {  	[tilespmem:$0x9CB0] =	vst v1  }
0xcf: {  	v1 =	vld [tilespmem:s11+$0x210];
	_ =	sdelay $0x4  }
0xd0: {  	v1 =	vshll.u32 v1, $0x1  }
0xd1: {  	v1 =	vor.u32 v0, v1  }
0xd2: {  	[tilespmem:$0x9CC0] =	vst v1  }
0xd3: {  	v1 =	vld [tilespmem:s11+$0x220];
	_ =	sdelay $0x4  }
0xd4: {  	v1 =	vshll.u32 v1, $0x1  }
0xd5: {  	v1 =	vor.u32 v0, v1  }
.Ltmp7:
0xd6: {  	[tilespmem:$0x9CD0] =	vst v1;
	(pc) =	sbr.rel @p0 .LBB2_10-.Ltmp7, $4  }
0xd7: {  	[tilespmem:s24], [sflag:$0x2] =	stream.indirect.gather [hbm4b:s1+s20], $0x40, s23, s20, $0xb8;
	[tilespmem:$0x1B850] =	vst v63  }
0xd8: {  	_ =	swait.ge [sflag:s6], $0x1400  }
0xd9: {  	[sflag:s6] =	ssyncset.done $0x0  }
0xda: {  	[sflag:s6] =	ssyncadd.s32 $0xFFFFEC00  }
.LBB2_9:
0xdb: {  	_ =	swait.ge [sflag:s15], $0x280  }
0xdc: {  	[sflag:s15] =	ssyncset.done $0x0  }
0xdd: {  	[sflag:s15] =	ssyncadd.s32 $0xFFFFFD80  }
.LBB2_10:
0xde: {  	s12 =	sadd.s32 $0x4EC0, s11  }
0xdf: {  	[spmem:s4] =	stream.indirect.scatter.add.f32 [tilespmem:s16], [sflag:$0x6], $0x8, s12, s20, $0xb8;
	[tilespmem:$0x1B850] =	vst v63  }
.Ltmp8:
0xe0: {  	_ = 	snop;
	(pc) =	sbr.rel @p1 .LBB2_12-.Ltmp8, $4  }
0xe1: {  	[spmem:s3] =	stream.indirect.scatter.add.f32 [tilespmem:s26], [sflag:$0x7], $0x40, s12, s20, $0xb8;
	[tilespmem:$0x1B850] =	vst v63  }
0xe2: {  	_ =	swait.ge [sflag:s14], $0x1400  }
0xe3: {  	[sflag:s14] =	ssyncset.done $0x0  }
0xe4: {  	[sflag:s14] =	ssyncadd.s32 $0xFFFFEC00  }
.Ltmp9:
0xe5: {  	(pc) =	sbr.rel .LBB2_13-.Ltmp9, $4  }
0xe6: {  	_ = 	snop  }
0xe7: {  	_ =	swait.ge [sflag:s7], $0x1400  }
0xe8: {  	[sflag:s7] =	ssyncset.done $0x0  }
0xe9: {  	[sflag:s7] =	ssyncadd.s32 $0xFFFFEC00  }
.LBB2_12:
0xea: {  	v1 =	vld [tilespmem:s11+$0x230];
	_ =	sdelay $0x4  }
0xeb: {  	v1 =	vshll.u32 v1, $0x1  }
0xec: {  	v1 =	vor.u32 v0, v1  }
0xed: {  	[tilespmem:$0x9CE0] =	vst v1  }
0xee: {  	v1 =	vld [tilespmem:s11+$0x240];
	_ =	sdelay $0x4  }
0xef: {  	v1 =	vshll.u32 v1, $0x1  }
0xf0: {  	v1 =	vor.u32 v0, v1  }
0xf1: {  	[tilespmem:$0x9CF0] =	vst v1  }
0xf2: {  	v1 =	vld [tilespmem:s11+$0x250];
	_ =	sdelay $0x4  }
0xf3: {  	v1 =	vshll.u32 v1, $0x1  }
0xf4: {  	v1 =	vor.u32 v0, v1  }
0xf5: {  	[tilespmem:$0x9D00] =	vst v1  }
0xf6: {  	v1 =	vld [tilespmem:s11+$0x260];
	_ =	sdelay $0x4  }
0xf7: {  	v1 =	vshll.u32 v1, $0x1  }
0xf8: {  	v1 =	vor.u32 v0, v1  }
0xf9: {  	[tilespmem:$0x9D10] =	vst v1  }
0xfa: {  	v1 =	vld [tilespmem:s11+$0x270];
	_ =	sdelay $0x4  }
0xfb: {  	v1 =	vshll.u32 v1, $0x1  }
0xfc: {  	v1 =	vor.u32 v0, v1  }
.Ltmp10:
0xfd: {  	[tilespmem:$0x9D20] =	vst v1;
	(pc) =	sbr.rel @p0 .LBB2_14-.Ltmp10, $4  }
0xfe: {  	[tilespmem:s26], [sflag:$0x3] =	stream.indirect.gather [hbm4b:s1+s20], $0x40, s25, s20, $0xb8;
	[tilespmem:$0x1B850] =	vst v63  }
0xff: {  	_ =	swait.ge [sflag:s7], $0x1400  }
0x100: {  	[sflag:s7] =	ssyncset.done $0x0  }
0x101: {  	[sflag:s7] =	ssyncadd.s32 $0xFFFFEC00  }
.LBB2_13:
0x102: {  	_ =	swait.ge [sflag:s15], $0x280  }
0x103: {  	[sflag:s15] =	ssyncset.done $0x0  }
0x104: {  	[sflag:s15] =	ssyncadd.s32 $0xFFFFFD80  }
.LBB2_14:
0x105: {  	s12 =	sadd.s32 $0x4F10, s11  }
0x106: {  	[spmem:s4] =	stream.indirect.scatter.add.f32 [tilespmem:s16], [sflag:$0x6], $0x8, s12, s20, $0xb8;
	[tilespmem:$0x1B850] =	vst v63  }
.Ltmp11:
0x107: {  	_ = 	snop;
	(pc) =	sbr.rel @p1 .LBB2_16-.Ltmp11, $4  }
0x108: {  	[spmem:s3] =	stream.indirect.scatter.add.f32 [tilespmem:s29], [sflag:$0x7], $0x40, s12, s20, $0xb8;
	[tilespmem:$0x1B850] =	vst v63  }
0x109: {  	_ =	swait.ge [sflag:s14], $0x1400  }
0x10a: {  	[sflag:s14] =	ssyncset.done $0x0  }
0x10b: {  	[sflag:s14] =	ssyncadd.s32 $0xFFFFEC00  }
.Ltmp12:
0x10c: {  	(pc) =	sbr.rel .LBB2_17-.Ltmp12, $4  }
0x10d: {  	_ = 	snop  }
0x10e: {  	_ =	swait.ge [sflag:s8], $0x1400  }
0x10f: {  	[sflag:s8] =	ssyncset.done $0x0  }
0x110: {  	[sflag:s8] =	ssyncadd.s32 $0xFFFFEC00  }
.LBB2_16:
0x111: {  	v1 =	vld [tilespmem:s11+$0x280];
	_ =	sdelay $0x4  }
0x112: {  	v1 =	vshll.u32 v1, $0x1  }
0x113: {  	v1 =	vor.u32 v0, v1  }
0x114: {  	[tilespmem:$0x9D30] =	vst v1  }
0x115: {  	v1 =	vld [tilespmem:s11+$0x290];
	_ =	sdelay $0x4  }
0x116: {  	v1 =	vshll.u32 v1, $0x1  }
0x117: {  	v1 =	vor.u32 v0, v1  }
0x118: {  	[tilespmem:$0x9D40] =	vst v1  }
0x119: {  	v1 =	vld [tilespmem:s11+$0x2A0];
	_ =	sdelay $0x4  }
0x11a: {  	v1 =	vshll.u32 v1, $0x1  }
0x11b: {  	v1 =	vor.u32 v0, v1  }
0x11c: {  	[tilespmem:$0x9D50] =	vst v1  }
0x11d: {  	v1 =	vld [tilespmem:s11+$0x2B0];
	_ =	sdelay $0x4  }
0x11e: {  	v1 =	vshll.u32 v1, $0x1  }
0x11f: {  	v1 =	vor.u32 v0, v1  }
0x120: {  	[tilespmem:$0x9D60] =	vst v1  }
0x121: {  	v1 =	vld [tilespmem:s11+$0x2C0];
	_ =	sdelay $0x4  }
0x122: {  	v1 =	vshll.u32 v1, $0x1  }
0x123: {  	v1 =	vor.u32 v0, v1  }
.Ltmp13:
0x124: {  	[tilespmem:$0x9D70] =	vst v1;
	(pc) =	sbr.rel @p0 .LBB2_18-.Ltmp13, $4  }
0x125: {  	[tilespmem:s29], [sflag:$0x4] =	stream.indirect.gather [hbm4b:s1+s20], $0x40, s28, s20, $0xb8;
	[tilespmem:$0x1B850] =	vst v63  }
0x126: {  	_ =	swait.ge [sflag:s8], $0x1400  }
0x127: {  	[sflag:s8] =	ssyncset.done $0x0  }
0x128: {  	[sflag:s8] =	ssyncadd.s32 $0xFFFFEC00  }
.LBB2_17:
0x129: {  	_ =	swait.ge [sflag:s15], $0x280  }
0x12a: {  	[sflag:s15] =	ssyncset.done $0x0  }
0x12b: {  	[sflag:s15] =	ssyncadd.s32 $0xFFFFFD80  }
.LBB2_18:
0x12c: {  	s12 =	sadd.s32 $0x4F60, s11;
	p0 =	seq.s32 s10, $0x13240  }
0x12d: {  	[spmem:s4] =	stream.indirect.scatter.add.f32 [tilespmem:s16], [sflag:$0x6], $0x8, s12, s20, $0xb8;
	[tilespmem:$0x1B850] =	vst v63  }
.Ltmp14:
0x12e: {  	_ = 	snop;
	(pc) =	sbr.rel @p0 .LBB2_20-.Ltmp14, $4  }
0x12f: {  	[spmem:s3] =	stream.indirect.scatter.add.f32 [tilespmem:s31], [sflag:$0x7], $0x40, s12, s20, $0xb8;
	[tilespmem:$0x1B850] =	vst v63  }
0x130: {  	_ =	swait.ge [sflag:s14], $0x1400  }
0x131: {  	[sflag:s14] =	ssyncset.done $0x0  }
0x132: {  	[sflag:s14] =	ssyncadd.s32 $0xFFFFEC00  }
0x133: {  	v1 =	vld [tilespmem:s11+$0x2D0];
	_ =	sdelay $0x4  }
0x134: {  	v1 =	vshll.u32 v1, $0x1  }
0x135: {  	v1 =	vor.u32 v0, v1  }
0x136: {  	[tilespmem:$0x9D80] =	vst v1  }
0x137: {  	v1 =	vld [tilespmem:s11+$0x2E0];
	_ =	sdelay $0x4  }
0x138: {  	v1 =	vshll.u32 v1, $0x1  }
0x139: {  	v1 =	vor.u32 v0, v1  }
0x13a: {  	[tilespmem:$0x9D90] =	vst v1  }
0x13b: {  	v1 =	vld [tilespmem:s11+$0x2F0];
	_ =	sdelay $0x4  }
0x13c: {  	v1 =	vshll.u32 v1, $0x1  }
0x13d: {  	v1 =	vor.u32 v0, v1  }
0x13e: {  	[tilespmem:$0x9DA0] =	vst v1  }
0x13f: {  	v1 =	vld [tilespmem:s11+$0x300];
	_ =	sdelay $0x4  }
0x140: {  	v1 =	vshll.u32 v1, $0x1  }
0x141: {  	v1 =	vor.u32 v0, v1  }
0x142: {  	[tilespmem:$0x9DB0] =	vst v1  }
0x143: {  	v1 =	vld [tilespmem:s11+$0x310];
	_ =	sdelay $0x3  }
.Ltmp15:
0x144: {  	_ = 	snop;
	(pc) =	sbr.rel .LBB2_2-.Ltmp15, $4  }
0x145: {  	v1 =	vshll.u32 v1, $0x1  }
0x146: {  	v1 =	vor.u32 v0, v1  }
0x147: {  	s10 =	sadd.s32 $0x640, s10;
	[tilespmem:$0x9DC0] =	vst v1  }
0x148: {  	[tilespmem:s31], [sflag:$0x5] =	stream.indirect.gather [hbm4b:s1+s20], $0x40, s30, s20, $0xb8;
	[tilespmem:$0x1B850] =	vst v63  }
.LBB2_21:
0x149: {  	_ =	sfence.sel $0x180000  }
0x14a: {  	[bflag:$0x0] =	sbarrier.arrive $0xFFFF  }
0x14b: {  	_ =	strace $0x90000047  }
0x14c: {  	s0 =	stileid.u32;
	[bflag:$0x2] =	sbarrier.arrive $0xFFFF  }
0x14d: {  	p0 =	sne.s32 s0, $0x0;
	s0 =	rddreg [dreg:$0x5]  }
0x14e: {  	s0 =	sadd.s32 @!p0 $0x100000, s0  }
0x14f: {  	[sflag:s0] =	ssyncadd.tile.s32 @!p0 $0x1;
	_ =	shalt  }
.Lfunc_end2:
_tile_overlayer_lowered:
.L_overlay_start_2:
0x150: {  	(tag) =	ssettag $0x2  }
0x151: {  	s0 =	rddreg [dreg:$0x0];
	s2 =	stileid.u32  }
0x152: {  	s1 =	rddreg [dreg:$0x1];
	p0 =	sne.s32 s2, $0x0  }
0x153: {  	s3 =	rddreg [dreg:$0x2];
	[bflag:$0x3] =	sbarrier.arrive $0xFFFF;
	s2 =	simm.s32 @!p0 $0x1C07  }
0x154: {  	[timem:s3], [sflag:s2] =	dma.local @!p0 [hbm:s0], s1  }
0x155: {  	s0 =	simm.s32 @!p0 $0x7  }
0x156: {  	_ =	swait.ge @!p0 [sflag:s0], s1  }
0x157: {  	s1 =	ssub.s32 @!p0 $0x0, s1;
	[sflag:s0] =	ssyncset.done @!p0 $0x0  }
0x158: {  	[sflag:s0] =	ssyncadd.s32 @!p0 s1  }
0x159: {  	[bflag:$0x3] =	sbarrier.arrive $0xFFFF  }
0x15a: {  	_ =	shalt  }

// kernel: kernel.9.cloned.1.call-start
scs
__scs_entry_jumppad:
0x0: {  	(pc) =	sbr.rel $0x88, $3  }
0x1: {  	(tag) =	ssettag $0x0;
	lr =	simm.s32 $0x1  }
0x2: {  	[smem:$0x3F99] =	sst lr;
	_ =	strace $0xD0000000  }
0x3: {  	_ = 	snop  }
0x4: {  	_ = 	snop  }
0x5: {  	_ = 	snop  }
0x6: {  	_ = 	snop  }
0x7: {  	_ = 	snop  }
__scs_overlays_trampoline_lowered:
0x8: {  	[smem:$0x3FA8] =	sst s0  }
0x9: {  	[smem:$0x3FA9] =	sst s1  }
0xa: {  	[smem:$0x3FAA] =	sst s2  }
0xb: {  	[smem:$0x3FAB] =	sst s3  }
0xc: {  	[smem:$0x3FAC] =	sst s4  }
0xd: {  	[smem:$0x3FAD] =	sst s5  }
0xe: {  	[smem:$0x3FAE] =	sst s6  }
0xf: {  	[smem:$0x3FAF] =	sst s7  }
0x10: {  	[smem:$0x3FB0] =	sst s8  }
0x11: {  	[smem:$0x3FB1] =	sst s9;
	s0 =	simm.s32 @!p0 $0x0  }
0x12: {  	s1 =	sld [smem:$0x3F97];
	s0 =	simm.s32 @p0 $0x1  }
0x13: {  	[smem:$0x3FB2] =	sst s0;
	s0 =	simm.s32 @!p1 $0x0  }
0x14: {  	s2 =	sld [smem:$0x3F96];
	s0 =	simm.s32 @p1 $0x1  }
0x15: {  	[smem:$0x3FB3] =	sst s0;
	s0 =	simm.s32 @!p2 $0x0  }
0x16: {  	s3 =	sld [smem:$0x3FDB];
	s0 =	simm.s32 @p2 $0x1  }
0x17: {  	s4 =	simm.s32 $0x1BF5;
	[smem:$0x3FB5] =	sst s0  }
0x18: {  	s0 =	sld [smem:$0x3F98];
	_ =	swait.ge [sflag:s4], $0x0  }
0x19: {  	s7 =	sld [smem:$0x3F99]  }
0x1a: {  	s8 =	sadd.s32 $0xFFFFE003, lr  }
0x1b: {  	s9 =	sadd.s32 $0xFFFFFEF7, lr;
	s5 =	simm.s32 $0xFFFFFFFF;
	p2 =	slt.u32 s8, $0xFFFFF086  }
0x1c: {  	p1 =	slt.u32 s9, $0xF7A;
	s5 =	simm.s32 @!p2 $0x0  }
0x1d: {  	s5 =	simm.s32 @p1 $0x1;
	p0 =	seq.s32 s7, s2  }
0x1e: {  	s7 =	smul.u32 @!p0 $0xF7A, s2;
	p2 =	seq.s32 @!p0 s5, $0x0  }
0x1f: {  	s9 =	smul.u32 $0xF7A, s1;
	s8 =	simm.s32 @!p0 $0x1BF5;
	p2 =	por !p2, p0  }
0x20: {  	[sflag:s8] =	ssyncset.s32 @!p0 $0xFFFFF086;
	s6 =	sadd.s32 @!p0 s3, s7;
	s7 =	simm.s32 @!p0 $0x108  }
0x21: {  	s3 =	sadd.s32 s3, s9;
	s6 =	sadd.s32 @!p0 $0x88, s6;
	s7 =	simm.s32 @p2 $0x1082  }
0x22: {  	[simem:s7], [sflag:s8] =	dma.local @!p0 [hbm:s6], $0xF7A  }
0x23: {  	s9 =	sor.u32 $0xD0000000, s2;
	s6 =	simm.s32 $0x108;
	_ =	swait.ge @!p0 [sflag:s8], $0x0  }
0x24: {  	s3 =	sadd.s32 $0x88, s3;
	s6 =	simm.s32 @!p1 $0x1082;
	[sflag:s4] =	ssyncset.s32 $0xFFFFF086  }
0x25: {  	[simem:s6], [sflag:s4] =	dma.local [hbm:s3], $0xF7A  }
0x26: {  	[smem:$0x3F99] =	sst s1;
	(tag) =	ssettag s2;
	_ =	strace s9  }
0x27: {  	s1 =	sld [smem:$0x3FA9]  }
0x28: {  	s2 =	sld [smem:$0x3FAA]  }
0x29: {  	s4 =	sld [smem:$0x3FAC]  }
0x2a: {  	p0 =	seq.s32 s5, $0x0;
	s5 =	sld [smem:$0x3FAD]  }
0x2b: {  	s6 =	sld [smem:$0x3FAE]  }
0x2c: {  	s7 =	sld [smem:$0x3FAF]  }
0x2d: {  	s3 =	simm.s32 $0x108;
	s8 =	sld [smem:$0x3FB0]  }
0x2e: {  	s3 =	simm.s32 @!p0 $0x1082;
	s9 =	sld [smem:$0x3FB1]  }
0x2f: {  	lr =	sadd.s32 s0, s3;
	s0 =	sld [smem:$0x3FA8]  }
0x30: {  	s3 =	sld [smem:$0x3FAB]  }
0x31: {  	[smem:$0x3FB4] =	sst s10  }
0x32: {  	s10 =	sld [smem:$0x3FB2];
	_ =	sdelay $0x3  }
0x33: {  	p0 =	seq.s32 s10, $0x1;
	s10 =	sld [smem:$0x3FB4];
	_ =	sdelay $0x3  }
0x34: {  	[smem:$0x3FB4] =	sst s10  }
0x35: {  	s10 =	sld [smem:$0x3FB3];
	_ =	sdelay $0x3  }
0x36: {  	p1 =	seq.s32 s10, $0x1;
	s10 =	sld [smem:$0x3FB4];
	_ =	sdelay $0x3  }
0x37: {  	[smem:$0x3FB4] =	sst s10  }
0x38: {  	s10 =	sld [smem:$0x3FB5]  }
0x39: {  	_ = 	snop;
	(pc) =	sbr.ind lr, $3  }
0x3a: {  	_ = 	snop  }
0x3b: {  	_ = 	snop  }
0x3c: {  	p2 =	seq.s32 s10, $0x1;
	s10 =	sld [smem:$0x3FB4]  }
0x3d: {  	_ =	shalt  }
0x3e: {  	_ =	shalt  }
0x3f: {  	_ =	shalt  }
0x40: {  	_ =	shalt  }
0x41: {  	_ =	shalt  }
0x42: {  	_ =	shalt  }
0x43: {  	_ =	shalt  }
0x44: {  	_ =	shalt  }
0x45: {  	_ =	shalt  }
0x46: {  	_ =	shalt  }
0x47: {  	_ =	shalt  }
0x48: {  	_ =	shalt  }
0x49: {  	_ =	shalt  }
0x4a: {  	_ =	shalt  }
0x4b: {  	_ =	shalt  }
0x4c: {  	_ =	shalt  }
0x4d: {  	_ =	shalt  }
0x4e: {  	_ =	shalt  }
0x4f: {  	_ =	shalt  }
0x50: {  	_ =	shalt  }
0x51: {  	_ =	shalt  }
0x52: {  	_ =	shalt  }
0x53: {  	_ =	shalt  }
0x54: {  	_ =	shalt  }
0x55: {  	_ =	shalt  }
0x56: {  	_ =	shalt  }
0x57: {  	_ =	shalt  }
0x58: {  	_ =	shalt  }
0x59: {  	_ =	shalt  }
0x5a: {  	_ =	shalt  }
0x5b: {  	_ =	shalt  }
0x5c: {  	_ =	shalt  }
0x5d: {  	_ =	shalt  }
0x5e: {  	_ =	shalt  }
0x5f: {  	_ =	shalt  }
0x60: {  	_ =	shalt  }
0x61: {  	_ =	shalt  }
0x62: {  	_ =	shalt  }
0x63: {  	_ =	shalt  }
0x64: {  	_ =	shalt  }
0x65: {  	_ =	shalt  }
0x66: {  	_ =	shalt  }
0x67: {  	_ =	shalt  }
0x68: {  	_ =	shalt  }
0x69: {  	_ =	shalt  }
0x6a: {  	_ =	shalt  }
0x6b: {  	_ =	shalt  }
0x6c: {  	_ =	shalt  }
0x6d: {  	_ =	shalt  }
0x6e: {  	_ =	shalt  }
0x6f: {  	_ =	shalt  }
0x70: {  	_ =	shalt  }
0x71: {  	_ =	shalt  }
0x72: {  	_ =	shalt  }
0x73: {  	_ =	shalt  }
0x74: {  	_ =	shalt  }
0x75: {  	_ =	shalt  }
0x76: {  	_ =	shalt  }
0x77: {  	_ =	shalt  }
0x78: {  	_ =	shalt  }
0x79: {  	_ =	shalt  }
0x7a: {  	_ =	shalt  }
0x7b: {  	_ =	shalt  }
0x7c: {  	_ =	shalt  }
0x7d: {  	_ =	shalt  }
0x7e: {  	_ =	shalt  }
0x7f: {  	_ =	shalt  }
0x80: {  	_ =	shalt  }
0x81: {  	_ =	shalt  }
0x82: {  	_ =	shalt  }
0x83: {  	_ =	shalt  }
0x84: {  	_ =	shalt  }
0x85: {  	_ =	shalt  }
0x86: {  	_ =	shalt  }
0x87: {  	_ =	shalt  }
.Lfunc_end0:
.L_simem_size_0:
called_computation.1_lowered:
.L_overlay_start_0:
0x88: {  	s2 =	sld [smem:$0x3FD9]  }
0x89: {  	s3 =	sld [smem:$0x3FFE];
	_ =	sdelay $0x1  }
0x8a: {  	s1 =	srdreg.scid  }
0x8b: {  	s0 =	sand.u32 $0x1, s1  }
0x8c: {  	s16 =	sshll.u32 s0, $0xA;
	s2 =	sadd.s32 s3, s2  }
0x8d: {  	s2 =	sadd.s32 s2, s16  }
0x8e: {  	[smem:$0x3FC0] =	sst s2  }
0x8f: {  	_ = 	snop  }
0x90: {  	(tm) =	ssettm $0x1  }
0x91: {  	s17 =	sld [smem:$0x3FFB];
	_ =	sdelay $0x3  }
0x92: {  	_ =	strace s17  }
0x93: {  	s2 =	sld [smem:$0x3FFC];
	_ =	sdelay $0x3  }
0x94: {  	_ =	strace s2  }
0x95: {  	s2 =	sld [smem:$0x3FFD];
	_ =	sdelay $0x3  }
0x96: {  	_ =	strace s2  }
0x97: {  	_ =	strace $0x8FFFFFFF  }
0x98: {  	s18 =	sld [smem:$0x3FDB];
	_ =	sdelay $0x1  }
0x99: {  	s19 =	simm.s32 $_scs_section_size  }
0x9a: {  	s4 =	simm.s32 $_size__tile_overlayer_lowered;
	s5 =	simm.s32 $_tile_overlayer_lowered  }
0x9b: {  	s22 =	simm.s32 $0x1BFF;
	s21 =	sshll.u32 s5, $0x1;
	s2 =	sadd.s32 s19, s18  }
0x9c: {  	s6 =	simm.s32 $0x0;
	s20 =	sshll.u32 s4, $0x1;
	s4 =	sadd.s32 s21, s2  }
0x9d: {  	[timem:s6], [sflag:s22] =	dma.local [hbm:s4], s20  }
0x9e: {  	_ =	swait.ge [sflag:s22], s20  }
0x9f: {  	s3 =	ssub.s32 $0x0, s20;
	[sflag:s22] =	ssyncset.done $0x0  }
0xa0: {  	[sflag:s22] =	ssyncadd.s32 s3;
	_ =	sdelay $0x1  }
0xa1: {  	s23 =	simm.s32 $0x1B8B  }
0xa2: {  	_ =	swait.ge [sflag:s23], $0x1  }
0xa3: {  	[sflag:s23] =	ssyncset.done $0x0  }
0xa4: {  	s25 =	simm.s32 $0x1B8E;
	s24 =	sld [smem:$0x3FFE];
	[sflag:s23] =	ssyncadd.s32 $0xFFFFFFFF  }
0xa5: {  	s26 =	simm.s32 $execute0_lowered;
	[smem:$0x3FD2] =	sst s25  }
0xa6: {  	s4 =	sshll.u32 s26, $0x1;
	_ =	strace $0x80000049;
	[dreg:$0x1] =	wrdreg $0xFFFFFFFF  }
0xa7: {  	s28 =	simm.s32 $_size_execute0_lowered;
	s2 =	sadd.s32 s2, s4;
	[dreg:$0x0] =	wrdreg $0x0  }
0xa8: {  	s4 =	sshll.u32 s28, $0x1;
	[dreg:$0x2] =	wrdreg s2  }
0xa9: {  	[dreg:$0x3] =	wrdreg s4  }
0xaa: {  	[dreg:$0x4] =	wrdreg $0xC0  }
0xab: {  	_ =	task [dreg:s6], $0x5FFFF  }
0xac: {  	[dreg:$0x1] =	wrdreg $0xFFFFFFFF  }
0xad: {  	[dreg:$0x0] =	wrdreg $0x60  }
0xae: {  	[dreg:$0x2] =	wrdreg s24  }
0xaf: {  	[dreg:$0x3] =	wrdreg $0x104500  }
0xb0: {  	[dreg:$0x4] =	wrdreg $0x9  }
0xb1: {  	_ =	task.clear_ibuf [dreg:s6], $0x5FFFF;
	_ =	strace $0x90000049  }
0xb2: {  	s29 =	simm.s32 $0x9;
	_ =	strace $0x8000004B  }
0xb3: {  	_ =	swait.ge [sflag:s29], $0x1  }
0xb4: {  	[sflag:s29] =	ssyncadd.s32 $0xFFFFFFFF  }
0xb5: {  	_ =	strace $0x9000004B  }
0xb6: {  	_ =	sfence  }
0xb7: {  	s30 =	sld [smem:$0x0];
	_ =	sdelay $0x2  }
0xb8: {  	s31 =	sshll.u32 s1, $0xD;
	s1 =	sshrl.u32 s1, $0x2  }
0xb9: {  	s3 =	sand.u32 $0x4000, s31;
	s1 =	sadd.s32 s1, s30  }
0xba: {  	s0 =	sor.u32 s3, s0;
	s1 =	sshll.u32 s1, $0x11  }
0xbb: {  	s0 =	sor.u32 s1, s0  }
0xbc: {  	s0 =	sadd.s32 $0x8F2B, s0  }
0xbd: {  	[sflag:s0] =	ssyncadd.remote.s32 $0x1  }
0xbe: {  	_ =	sfence.sel $0xFFFF  }
0xbf: {  	[dreg:$0x0] =	wrdreg $0xFFFFFFFF;
	(pc) =	sbr.abs _section_cstart, $3  }
0xc0: {  	[dreg:$0x1] =	wrdreg $0xFFFFFFFF  }
0xc1: {  	_ =	task.clear_ibuf [dreg:s6], $0x2FFFF;
	_ =	strace $0x9FFFFFFF  }
0xc2: {  	(tm) =	ssettm $0x7FFFFFFF  }
0xc3: {  	_ =	shalt  }
tec
execute0_lowered:
.L_overlay_start_1:
0x0: {  	(tag) =	ssettag $0x1  }
0x1: {  	s0 =	rddreg [dreg:$0x0]  }
0x2: {  	s2 =	rddreg [dreg:$0x1];
	s3 =	simm.s32 $0x0;
	s13 =	stileid.u32  }
0x3: {  	s4 =	srdreg.scid;
	s11 =	simm.s32 $0x6;
	s16 =	simm.s32 $0x50  }
0x4: {  	s18 =	simm.s32 $0x9DD0;
	s22 =	simm.s32 $0xC5D0;
	s28 =	simm.s32 $0x1  }
0x5: {  	s29 =	simm.s32 $0x3;
	s30 =	simm.s32 $0x5;
	s1 =	smul.u32 $0x4E20, s13  }
0x6: {  	[smem:$0x7FF] =	sst s3;
	s12 =	sand.u32 $0x1, s4;
	s6 =	smul.u32 $0x14000, s13  }
0x7: {  	s4 =	sadd.s32 $0x18A00, s0;
	s5 =	sadd.s32 $0x17600, s0;
	s9 =	smul.u32 $0x28000, s13  }
0x8: {  	s31 =	sshll.u32 s13, $0x6;
	_ =	strace $0x8000004A;
	s7 =	sshll.u32 s12, $0x6  }
0x9: {  	s8 =	ssub.s32 $0x2, s12;
	s14 =	sor.u32 $0x1C06, s31;
	s1 =	sshrl.u32 s1, $0x3  }
0xa: {  	s6 =	sor.u32 s7, s6;
	s25 =	sshrl.u32 s8, $0x1;
	s9 =	sshrl.u32 s9, $0x2  }
.Ltmp0:
0xb: {  	s1 =	sadd.s32 s1, s0;
	s7 =	sshrl.u32 s6, $0x3;
	(pc) =	sbr.rel .LBB2_1-.Ltmp0, $4  }
0xc: {  	s6 =	sadd.s32 $0x17000, s0;
	s10 =	ssub.s32 s8, s25;
	s26 =	sadd.s32 s9, s2  }
0xd: {  	s25 =	simm.s32 $0x9D80;
	s0 =	sadd.s32 s7, s0;
	s7 =	sadd.s32 $0x3600, s1  }
0xe: {  	s8 =	sadd.s32 $0xD240, s1;
	s10 =	smax.u32 s10, $0x1;
	s15 =	sshrl.u32 s26, $0x3  }
0xf: {  	v0 =	vmov s12;
	s26 =	simm.s32 $0xEDD0;
	s1 =	simm.s32 $0x0;
	s9 =	sadd.s32 $0x3FC00, s0  }
.LBB2_4:
0x10: {  	s1 =	sadd.s32 $0x1, s1  }
0x11: {  	[bflag:$0x0] =	sbarrier.arrive $0xFFFF;
	p0 =	sne.s32 s1, s10  }
.Ltmp1:
0x12: {  	s0 =	simm.s32 $0x10;
	s12 =	simm.s32 $0x8;
	(pc) =	sbr.rel @!p0 .LBB2_5-.Ltmp1, $4  }
0x13: {  	[hbm:s9@s0], [sflag:s14] =	dma.strided [spmem:s15@s12], $0x1400, s28, $0x8   }
0x14: {  	_ =	swait.ge [sflag:s11], $0x1400  }
0x15: {  	[sflag:s11] =	ssyncset.done $0x0  }
0x16: {  	[sflag:s11] =	ssyncadd.s32 $0xFFFFEC00  }
.LBB2_1:
0x17: {  	[tilespmem:s3], [sflag:$0x6] =	stream.linear.gather [hbm4b:s7+s3], $0x4E20, $0x38;
	[tilespmem:$0x1A450] =	vst v63  }
0x18: {  	_ =	swait.ge [sflag:s11], $0x4E20  }
0x19: {  	[sflag:s11] =	ssyncset.done $0x0  }
0x1a: {  	s0 =	simm.s32 $0x4E20;
	[sflag:s11] =	ssyncadd.s32 $0xFFFFB1E0  }
0x1b: {  	[tilespmem:s0], [sflag:$0x6] =	stream.linear.gather [hbm4b:s8+s3], $0x4E20, $0x38;
	[tilespmem:$0x1A450] =	vst v63  }
0x1c: {  	_ =	swait.ge [sflag:s11], $0x4E20  }
0x1d: {  	[sflag:s11] =	ssyncset.done $0x0  }
0x1e: {  	s19 =	simm.s32 $0x101D0;
	[sflag:s11] =	ssyncadd.s32 $0xFFFFB1E0  }
0x1f: {  	[tilespmem:s19], [sflag:$0x6] =	stream.linear.gather [hbm4b:s6+s3], $0x280, $0x38;
	[tilespmem:$0x1A450] =	vst v63  }
0x20: {  	_ =	swait.ge [sflag:s11], $0x280  }
0x21: {  	[sflag:s11] =	ssyncset.done $0x0  }
0x22: {  	[sflag:s11] =	ssyncadd.s32 $0xFFFFFD80  }
0x23: {  	[spmem:s15], [sflag:s14] =	dma.local [hbm:s5], $0x1400  }
0x24: {  	_ =	swait.ge [sflag:s11], $0x1400  }
0x25: {  	[sflag:s11] =	ssyncset.done $0x0  }
0x26: {  	[sflag:s11] =	ssyncadd.s32 $0xFFFFEC00  }
0x27: {  	v1 =	vld [tilespmem:$0x0]  }
0x28: {  	v2 =	vld [tilespmem:$0x10]  }
0x29: {  	v3 =	vld [tilespmem:$0x20]  }
0x2a: {  	v4 =	vld [tilespmem:$0x30]  }
0x2b: {  	v5 =	vld [tilespmem:$0x40]  }
0x2c: {  	v1 =	vshll.u32 v1, $0x1  }
0x2d: {  	v2 =	vshll.u32 v2, $0x1;
	v1 =	vor.u32 v0, v1  }
0x2e: {  	[tilespmem:$0x9C40] =	vst v1;
	v1 =	vor.u32 v0, v2;
	v2 =	vshll.u32 v3, $0x1  }
0x2f: {  	[tilespmem:$0x9C50] =	vst v1;
	v1 =	vor.u32 v0, v2;
	v2 =	vshll.u32 v4, $0x1  }
0x30: {  	[tilespmem:$0x9C60] =	vst v1;
	v1 =	vor.u32 v0, v2;
	v2 =	vshll.u32 v5, $0x1  }
0x31: {  	[tilespmem:$0x9C70] =	vst v1;
	v1 =	vor.u32 v0, v2  }
0x32: {  	s20 =	simm.s32 $0x9C40;
	[tilespmem:$0x9C80] =	vst v1  }
0x33: {  	[tilespmem:s18], [sflag:$0x1] =	stream.indirect.gather [hbm4b:s4+s16], $0x40, s20, s16, $0xb8;
	[tilespmem:$0x1A450] =	vst v63  }
0x34: {  	v1 =	vld [tilespmem:$0x50]  }
0x35: {  	v2 =	vld [tilespmem:$0x60]  }
0x36: {  	v3 =	vld [tilespmem:$0x70]  }
0x37: {  	v56 =	vld [tilespmem:$0x80]  }
0x38: {  	v57 =	vld [tilespmem:$0x90]  }
0x39: {  	v1 =	vshll.u32 v1, $0x1  }
0x3a: {  	v2 =	vshll.u32 v2, $0x1;
	v1 =	vor.u32 v0, v1  }
0x3b: {  	[tilespmem:$0x9C90] =	vst v1;
	v1 =	vor.u32 v0, v2;
	v2 =	vshll.u32 v3, $0x1  }
0x3c: {  	[tilespmem:$0x9CA0] =	vst v1;
	v1 =	vor.u32 v0, v2;
	v2 =	vshll.u32 v56, $0x1  }
0x3d: {  	[tilespmem:$0x9CB0] =	vst v1;
	v1 =	vor.u32 v0, v2;
	v2 =	vshll.u32 v57, $0x1  }
0x3e: {  	[tilespmem:$0x9CC0] =	vst v1;
	v1 =	vor.u32 v0, v2  }
0x3f: {  	s21 =	simm.s32 $0x9C90;
	s12 =	simm.s32 $0xB1D0;
	[tilespmem:$0x9CD0] =	vst v1  }
0x40: {  	[tilespmem:s12], [sflag:$0x2] =	stream.indirect.gather [hbm4b:s4+s16], $0x40, s21, s16, $0xb8;
	[tilespmem:$0x1A450] =	vst v63  }
0x41: {  	v1 =	vld [tilespmem:$0xA0]  }
0x42: {  	v2 =	vld [tilespmem:$0xB0]  }
0x43: {  	v3 =	vld [tilespmem:$0xC0]  }
0x44: {  	v58 =	vld [tilespmem:$0xD0]  }
0x45: {  	v59 =	vld [tilespmem:$0xE0]  }
0x46: {  	v1 =	vshll.u32 v1, $0x1  }
0x47: {  	v2 =	vshll.u32 v2, $0x1;
	v1 =	vor.u32 v0, v1  }
0x48: {  	[tilespmem:$0x9CE0] =	vst v1;
	v1 =	vor.u32 v0, v2;
	v2 =	vshll.u32 v3, $0x1  }
0x49: {  	[tilespmem:$0x9CF0] =	vst v1;
	v1 =	vor.u32 v0, v2;
	v2 =	vshll.u32 v58, $0x1  }
0x4a: {  	[tilespmem:$0x9D00] =	vst v1;
	v1 =	vor.u32 v0, v2;
	v2 =	vshll.u32 v59, $0x1  }
0x4b: {  	[tilespmem:$0x9D10] =	vst v1;
	v1 =	vor.u32 v0, v2  }
0x4c: {  	s23 =	simm.s32 $0x9CE0;
	[tilespmem:$0x9D20] =	vst v1  }
0x4d: {  	[tilespmem:s22], [sflag:$0x3] =	stream.indirect.gather [hbm4b:s4+s16], $0x40, s23, s16, $0xb8;
	[tilespmem:$0x1A450] =	vst v63  }
0x4e: {  	v1 =	vld [tilespmem:$0xF0]  }
0x4f: {  	v2 =	vld [tilespmem:$0x100]  }
0x50: {  	v3 =	vld [tilespmem:$0x110]  }
0x51: {  	v60 =	vld [tilespmem:$0x120]  }
0x52: {  	v61 =	vld [tilespmem:$0x130]  }
0x53: {  	v1 =	vshll.u32 v1, $0x1  }
0x54: {  	v2 =	vshll.u32 v2, $0x1;
	v1 =	vor.u32 v0, v1  }
0x55: {  	[tilespmem:$0x9D30] =	vst v1;
	v1 =	vor.u32 v0, v2;
	v2 =	vshll.u32 v3, $0x1  }
0x56: {  	[tilespmem:$0x9D40] =	vst v1;
	v1 =	vor.u32 v0, v2;
	v2 =	vshll.u32 v60, $0x1  }
0x57: {  	[tilespmem:$0x9D50] =	vst v1;
	v1 =	vor.u32 v0, v2;
	v2 =	vshll.u32 v61, $0x1  }
0x58: {  	[tilespmem:$0x9D60] =	vst v1;
	v1 =	vor.u32 v0, v2  }
0x59: {  	s24 =	simm.s32 $0x9D30;
	s31 =	simm.s32 $0xD9D0;
	[tilespmem:$0x9D70] =	vst v1  }
0x5a: {  	[tilespmem:s31], [sflag:$0x4] =	stream.indirect.gather [hbm4b:s4+s16], $0x40, s24, s16, $0xb8;
	[tilespmem:$0x1A450] =	vst v63  }
0x5b: {  	v1 =	vld [tilespmem:$0x140]  }
0x5c: {  	v2 =	vld [tilespmem:$0x150]  }
0x5d: {  	v3 =	vld [tilespmem:$0x160]  }
0x5e: {  	v62 =	vld [tilespmem:$0x170]  }
0x5f: {  	v63 =	vld [tilespmem:$0x180]  }
0x60: {  	v1 =	vshll.u32 v1, $0x1  }
0x61: {  	v2 =	vshll.u32 v2, $0x1;
	v1 =	vor.u32 v0, v1  }
0x62: {  	[tilespmem:$0x9D80] =	vst v1;
	v1 =	vor.u32 v0, v2;
	v2 =	vshll.u32 v3, $0x1  }
0x63: {  	[tilespmem:$0x9D90] =	vst v1;
	v1 =	vor.u32 v0, v2;
	v2 =	vshll.u32 v62, $0x1  }
0x64: {  	[tilespmem:$0x9DA0] =	vst v1;
	v1 =	vor.u32 v0, v2;
	v2 =	vshll.u32 v63, $0x1  }
0x65: {  	[tilespmem:$0x9DB0] =	vst v1;
	v1 =	vor.u32 v0, v2  }
0x66: {  	[tilespmem:$0x9DC0] =	vst v1  }
0x67: {  	[tilespmem:s26], [sflag:$0x5] =	stream.indirect.gather [hbm4b:s4+s16], $0x40, s25, s16, $0xb8;
	[tilespmem:$0x1A450] =	vst v63  }
0x68: {  	s12 =	simm.s32 $0x0;
	[bflag:$0x0] =	sbarrier.arrive $0xFFFF  }
.LBB2_2:
0x69: {  	_ =	swait.ge [sflag:s28], $0x1400  }
0x6a: {  	s13 =	sshra.s32 s12, $0x2;
	[sflag:s28] =	ssyncset.done $0x0  }
0x6b: {  	s17 =	sadd.s32 $0x4E20, s13;
	[sflag:s28] =	ssyncadd.s32 $0xFFFFEC00  }
0x6c: {  	[spmem:s2] =	stream.indirect.scatter.add.f32 [tilespmem:s18], [sflag:$0x6], $0x40, s17, s16, $0xb8;
	[tilespmem:$0x1A450] =	vst v63  }
0x6d: {  	_ =	swait.ge [sflag:s11], $0x1400  }
0x6e: {  	p0 =	seq.s32 s12, $0x13240;
	[sflag:s11] =	ssyncset.done $0x0  }
0x6f: {  	s17 =	simm.s32 @p0 $0x2;
	[sflag:s11] =	ssyncadd.s32 $0xFFFFEC00  }
0x70: {  	s20 =	sshra.s32 @p0 s12, $0x2;
	_ =	swait.ge @p0 [sflag:s17], $0x1400  }
0x71: {  	s21 =	simm.s32 @p0 $0x50;
	s19 =	simm.s32 @p0 $0xB1D0;
	[sflag:s17] =	ssyncset.done @p0 $0x0  }
0x72: {  	s23 =	simm.s32 @p0 $0x6;
	[sflag:s17] =	ssyncadd.s32 @p0 $0xFFFFEC00;
	s17 =	sadd.s32 @p0 $0x4E70, s20  }
0x73: {  	[spmem:s2] =	stream.indirect.scatter.add.f32 @p0 [tilespmem:s19], [sflag:$0x6], $0x40, s17, s21, $0xb8;
	[tilespmem:$0x1A450] =	vst v63  }
0x74: {  	_ =	swait.ge @p0 [sflag:s23], $0x1400  }
0x75: {  	[sflag:s23] =	ssyncset.done @p0 $0x0  }
0x76: {  	s17 =	sshra.s32 @!p0 s12, $0x2;
	[sflag:s23] =	ssyncadd.s32 @p0 $0xFFFFEC00  }
0x77: {  	v1 =	vld @!p0 [tilespmem:s17+$0x190];
	_ =	sdelay $0x4  }
0x78: {  	v1 =	vshll.u32 @!p0 v1, $0x1  }
0x79: {  	v1 =	vor.u32 @!p0 v0, v1  }
0x7a: {  	[tilespmem:$0x9C40] =	vst @!p0 v1  }
0x7b: {  	v1 =	vld @!p0 [tilespmem:s17+$0x1A0];
	_ =	sdelay $0x4  }
0x7c: {  	v1 =	vshll.u32 @!p0 v1, $0x1  }
0x7d: {  	v1 =	vor.u32 @!p0 v0, v1  }
0x7e: {  	[tilespmem:$0x9C50] =	vst @!p0 v1  }
0x7f: {  	v1 =	vld @!p0 [tilespmem:s17+$0x1B0];
	_ =	sdelay $0x4  }
0x80: {  	v1 =	vshll.u32 @!p0 v1, $0x1  }
0x81: {  	v1 =	vor.u32 @!p0 v0, v1  }
0x82: {  	[tilespmem:$0x9C60] =	vst @!p0 v1  }
0x83: {  	v1 =	vld @!p0 [tilespmem:s17+$0x1C0];
	_ =	sdelay $0x4  }
0x84: {  	v1 =	vshll.u32 @!p0 v1, $0x1  }
0x85: {  	v1 =	vor.u32 @!p0 v0, v1  }
0x86: {  	[tilespmem:$0x9C70] =	vst @!p0 v1  }
0x87: {  	v1 =	vld @!p0 [tilespmem:s17+$0x1D0];
	_ =	sdelay $0x4  }
0x88: {  	v1 =	vshll.u32 @!p0 v1, $0x1  }
0x89: {  	v1 =	vor.u32 @!p0 v0, v1  }
0x8a: {  	s24 =	simm.s32 @!p0 $0x9C40;
	s31 =	simm.s32 @!p0 $0x9DD0;
	s19 =	simm.s32 @!p0 $0x50;
	[tilespmem:$0x9C80] =	vst @!p0 v1  }
0x8b: {  	[tilespmem:s31], [sflag:$0x1] =	stream.indirect.gather @!p0 [hbm4b:s4+s19], $0x40, s24, s19, $0xb8;
	[tilespmem:$0x1A450] =	vst v63  }
0x8c: {  	s24 =	simm.s32 @!p0 $0x2  }
0x8d: {  	_ =	swait.ge @!p0 [sflag:s24], $0x1400  }
0x8e: {  	[sflag:s24] =	ssyncset.done @!p0 $0x0  }
0x8f: {  	s31 =	simm.s32 @!p0 $0xB1D0;
	[sflag:s24] =	ssyncadd.s32 @!p0 $0xFFFFEC00;
	s24 =	sadd.s32 @!p0 $0x4E70, s17  }
0x90: {  	[spmem:s2] =	stream.indirect.scatter.add.f32 @!p0 [tilespmem:s31], [sflag:$0x6], $0x40, s24, s19, $0xb8;
	[tilespmem:$0x1A450] =	vst v63  }
0x91: {  	s24 =	simm.s32 @!p0 $0x6  }
0x92: {  	_ =	swait.ge @!p0 [sflag:s24], $0x1400  }
0x93: {  	[sflag:s24] =	ssyncset.done @!p0 $0x0  }
0x94: {  	[sflag:s24] =	ssyncadd.s32 @!p0 $0xFFFFEC00  }
0x95: {  	v1 =	vld @!p0 [tilespmem:s17+$0x1E0];
	_ =	sdelay $0x4  }
0x96: {  	v1 =	vshll.u32 @!p0 v1, $0x1  }
0x97: {  	v1 =	vor.u32 @!p0 v0, v1  }
0x98: {  	[tilespmem:$0x9C90] =	vst @!p0 v1  }
0x99: {  	v1 =	vld @!p0 [tilespmem:s17+$0x1F0];
	_ =	sdelay $0x4  }
0x9a: {  	v1 =	vshll.u32 @!p0 v1, $0x1  }
0x9b: {  	v1 =	vor.u32 @!p0 v0, v1  }
0x9c: {  	[tilespmem:$0x9CA0] =	vst @!p0 v1  }
0x9d: {  	v1 =	vld @!p0 [tilespmem:s17+$0x200];
	_ =	sdelay $0x4  }
0x9e: {  	v1 =	vshll.u32 @!p0 v1, $0x1  }
0x9f: {  	v1 =	vor.u32 @!p0 v0, v1  }
0xa0: {  	[tilespmem:$0x9CB0] =	vst @!p0 v1  }
0xa1: {  	v1 =	vld @!p0 [tilespmem:s17+$0x210];
	_ =	sdelay $0x4  }
0xa2: {  	v1 =	vshll.u32 @!p0 v1, $0x1  }
0xa3: {  	v1 =	vor.u32 @!p0 v0, v1  }
0xa4: {  	[tilespmem:$0x9CC0] =	vst @!p0 v1  }
0xa5: {  	v1 =	vld @!p0 [tilespmem:s17+$0x220];
	_ =	sdelay $0x4  }
0xa6: {  	v1 =	vshll.u32 @!p0 v1, $0x1  }
0xa7: {  	v1 =	vor.u32 @!p0 v0, v1  }
0xa8: {  	s0 =	simm.s32 @!p0 $0x9C90;
	[tilespmem:$0x9CD0] =	vst @!p0 v1  }
0xa9: {  	[tilespmem:s31], [sflag:$0x2] =	stream.indirect.gather @!p0 [hbm4b:s4+s19], $0x40, s0, s19, $0xb8;
	[tilespmem:$0x1A450] =	vst v63  }
0xaa: {  	_ =	swait.ge [sflag:s29], $0x1400  }
0xab: {  	[sflag:s29] =	ssyncset.done $0x0  }
0xac: {  	s31 =	sadd.s32 $0x4EC0, s13;
	[sflag:s29] =	ssyncadd.s32 $0xFFFFEC00  }
0xad: {  	[spmem:s2] =	stream.indirect.scatter.add.f32 [tilespmem:s22], [sflag:$0x6], $0x40, s31, s16, $0xb8;
	[tilespmem:$0x1A450] =	vst v63  }
0xae: {  	_ =	swait.ge [sflag:s11], $0x1400  }
0xaf: {  	[sflag:s11] =	ssyncset.done $0x0  }
0xb0: {  	s0 =	simm.s32 @p0 $0x4;
	[sflag:s11] =	ssyncadd.s32 $0xFFFFEC00  }
0xb1: {  	_ =	swait.ge @p0 [sflag:s0], $0x1400  }
0xb2: {  	[sflag:s0] =	ssyncset.done @p0 $0x0  }
0xb3: {  	[sflag:s0] =	ssyncadd.s32 @p0 $0xFFFFEC00;
	s0 =	sadd.s32 @p0 $0x4F10, s20;
	s20 =	simm.s32 @p0 $0xD9D0  }
0xb4: {  	[spmem:s2] =	stream.indirect.scatter.add.f32 @p0 [tilespmem:s20], [sflag:$0x6], $0x40, s0, s21, $0xb8;
	[tilespmem:$0x1A450] =	vst v63  }
0xb5: {  	_ =	swait.ge @p0 [sflag:s23], $0x1400  }
0xb6: {  	[sflag:s23] =	ssyncset.done @p0 $0x0  }
0xb7: {  	[sflag:s23] =	ssyncadd.s32 @p0 $0xFFFFEC00  }
0xb8: {  	v1 =	vld @!p0 [tilespmem:s17+$0x230];
	_ =	sdelay $0x4  }
0xb9: {  	v1 =	vshll.u32 @!p0 v1, $0x1  }
0xba: {  	v1 =	vor.u32 @!p0 v0, v1  }
0xbb: {  	[tilespmem:$0x9CE0] =	vst @!p0 v1  }
0xbc: {  	v1 =	vld @!p0 [tilespmem:s17+$0x240];
	_ =	sdelay $0x4  }
0xbd: {  	v1 =	vshll.u32 @!p0 v1, $0x1  }
0xbe: {  	v1 =	vor.u32 @!p0 v0, v1  }
0xbf: {  	[tilespmem:$0x9CF0] =	vst @!p0 v1  }
0xc0: {  	v1 =	vld @!p0 [tilespmem:s17+$0x250];
	_ =	sdelay $0x4  }
0xc1: {  	v1 =	vshll.u32 @!p0 v1, $0x1  }
0xc2: {  	v1 =	vor.u32 @!p0 v0, v1  }
0xc3: {  	[tilespmem:$0x9D00] =	vst @!p0 v1  }
0xc4: {  	v1 =	vld @!p0 [tilespmem:s17+$0x260];
	_ =	sdelay $0x4  }
0xc5: {  	v1 =	vshll.u32 @!p0 v1, $0x1  }
0xc6: {  	v1 =	vor.u32 @!p0 v0, v1  }
0xc7: {  	[tilespmem:$0x9D10] =	vst @!p0 v1  }
0xc8: {  	v1 =	vld @!p0 [tilespmem:s17+$0x270];
	_ =	sdelay $0x4  }
0xc9: {  	v1 =	vshll.u32 @!p0 v1, $0x1  }
0xca: {  	v1 =	vor.u32 @!p0 v0, v1  }
0xcb: {  	s0 =	simm.s32 @!p0 $0x9CE0;
	s20 =	simm.s32 @!p0 $0xC5D0;
	[tilespmem:$0x9D20] =	vst @!p0 v1  }
0xcc: {  	[tilespmem:s20], [sflag:$0x3] =	stream.indirect.gather @!p0 [hbm4b:s4+s19], $0x40, s0, s19, $0xb8;
	[tilespmem:$0x1A450] =	vst v63  }
0xcd: {  	s0 =	simm.s32 @!p0 $0x4  }
0xce: {  	_ =	swait.ge @!p0 [sflag:s0], $0x1400  }
0xcf: {  	[sflag:s0] =	ssyncset.done @!p0 $0x0  }
0xd0: {  	s20 =	simm.s32 @!p0 $0xD9D0;
	[sflag:s0] =	ssyncadd.s32 @!p0 $0xFFFFEC00;
	s0 =	sadd.s32 @!p0 $0x4F10, s17  }
0xd1: {  	[spmem:s2] =	stream.indirect.scatter.add.f32 @!p0 [tilespmem:s20], [sflag:$0x6], $0x40, s0, s19, $0xb8;
	[tilespmem:$0x1A450] =	vst v63  }
0xd2: {  	_ =	swait.ge @!p0 [sflag:s24], $0x1400  }
0xd3: {  	[sflag:s24] =	ssyncset.done @!p0 $0x0  }
0xd4: {  	[sflag:s24] =	ssyncadd.s32 @!p0 $0xFFFFEC00  }
0xd5: {  	v1 =	vld @!p0 [tilespmem:s17+$0x280];
	_ =	sdelay $0x4  }
0xd6: {  	v1 =	vshll.u32 @!p0 v1, $0x1  }
0xd7: {  	v1 =	vor.u32 @!p0 v0, v1  }
0xd8: {  	[tilespmem:$0x9D30] =	vst @!p0 v1  }
0xd9: {  	v1 =	vld @!p0 [tilespmem:s17+$0x290];
	_ =	sdelay $0x4  }
0xda: {  	v1 =	vshll.u32 @!p0 v1, $0x1  }
0xdb: {  	v1 =	vor.u32 @!p0 v0, v1  }
0xdc: {  	[tilespmem:$0x9D40] =	vst @!p0 v1  }
0xdd: {  	v1 =	vld @!p0 [tilespmem:s17+$0x2A0];
	_ =	sdelay $0x4  }
0xde: {  	v1 =	vshll.u32 @!p0 v1, $0x1  }
0xdf: {  	v1 =	vor.u32 @!p0 v0, v1  }
0xe0: {  	[tilespmem:$0x9D50] =	vst @!p0 v1  }
0xe1: {  	v1 =	vld @!p0 [tilespmem:s17+$0x2B0];
	_ =	sdelay $0x4  }
0xe2: {  	v1 =	vshll.u32 @!p0 v1, $0x1  }
0xe3: {  	v1 =	vor.u32 @!p0 v0, v1  }
0xe4: {  	[tilespmem:$0x9D60] =	vst @!p0 v1  }
0xe5: {  	v1 =	vld @!p0 [tilespmem:s17+$0x2C0];
	_ =	sdelay $0x4  }
0xe6: {  	v1 =	vshll.u32 @!p0 v1, $0x1  }
0xe7: {  	v1 =	vor.u32 @!p0 v0, v1  }
0xe8: {  	s0 =	simm.s32 @!p0 $0x9D30;
	[tilespmem:$0x9D70] =	vst @!p0 v1  }
0xe9: {  	[tilespmem:s20], [sflag:$0x4] =	stream.indirect.gather @!p0 [hbm4b:s4+s19], $0x40, s0, s19, $0xb8;
	[tilespmem:$0x1A450] =	vst v63  }
0xea: {  	_ =	swait.ge [sflag:s30], $0x1400  }
0xeb: {  	[sflag:s30] =	ssyncset.done $0x0  }
.Ltmp2:
0xec: {  	s31 =	sadd.s32 $0x4F60, s13;
	[sflag:s30] =	ssyncadd.s32 $0xFFFFEC00;
	(pc) =	sbr.rel @p0 .LBB2_4-.Ltmp2, $4  }
0xed: {  	[spmem:s2] =	stream.indirect.scatter.add.f32 [tilespmem:s26], [sflag:$0x6], $0x40, s31, s16, $0xb8;
	[tilespmem:$0x1A450] =	vst v63  }
0xee: {  	_ =	swait.ge [sflag:s11], $0x1400  }
0xef: {  	[sflag:s11] =	ssyncset.done $0x0  }
0xf0: {  	[sflag:s11] =	ssyncadd.s32 $0xFFFFEC00  }
0xf1: {  	v1 =	vld [tilespmem:s13+$0x2D0];
	_ =	sdelay $0x4  }
0xf2: {  	v1 =	vshll.u32 v1, $0x1  }
0xf3: {  	v1 =	vor.u32 v0, v1  }
0xf4: {  	[tilespmem:$0x9D80] =	vst v1  }
0xf5: {  	v1 =	vld [tilespmem:s13+$0x2E0];
	_ =	sdelay $0x4  }
0xf6: {  	v1 =	vshll.u32 v1, $0x1  }
0xf7: {  	v1 =	vor.u32 v0, v1  }
0xf8: {  	[tilespmem:$0x9D90] =	vst v1  }
0xf9: {  	v1 =	vld [tilespmem:s13+$0x2F0];
	_ =	sdelay $0x4  }
0xfa: {  	v1 =	vshll.u32 v1, $0x1  }
0xfb: {  	v1 =	vor.u32 v0, v1  }
0xfc: {  	[tilespmem:$0x9DA0] =	vst v1  }
0xfd: {  	v1 =	vld [tilespmem:s13+$0x300];
	_ =	sdelay $0x4  }
0xfe: {  	v1 =	vshll.u32 v1, $0x1  }
0xff: {  	v1 =	vor.u32 v0, v1  }
0x100: {  	[tilespmem:$0x9DB0] =	vst v1  }
0x101: {  	v1 =	vld [tilespmem:s13+$0x310];
	_ =	sdelay $0x3  }
.Ltmp3:
0x102: {  	_ = 	snop;
	(pc) =	sbr.rel .LBB2_2-.Ltmp3, $4  }
0x103: {  	v1 =	vshll.u32 v1, $0x1  }
0x104: {  	v1 =	vor.u32 v0, v1  }
0x105: {  	s12 =	sadd.s32 $0x640, s12;
	[tilespmem:$0x9DC0] =	vst v1  }
0x106: {  	[tilespmem:s26], [sflag:$0x5] =	stream.indirect.gather [hbm4b:s4+s16], $0x40, s25, s16, $0xb8;
	[tilespmem:$0x1A450] =	vst v63  }
.LBB2_5:
0x107: {  	_ =	sfence.sel $0x180000  }
0x108: {  	[bflag:$0x0] =	sbarrier.arrive $0xFFFF  }
0x109: {  	_ =	strace $0x9000004A  }
0x10a: {  	s0 =	stileid.u32;
	[bflag:$0x2] =	sbarrier.arrive $0xFFFF  }
0x10b: {  	p0 =	sne.s32 s0, $0x0;
	s0 =	rddreg [dreg:$0x2]  }
0x10c: {  	s0 =	sadd.s32 @!p0 $0x100000, s0  }
0x10d: {  	[sflag:s0] =	ssyncadd.tile.s32 @!p0 $0x1;
	_ =	shalt  }
.Lfunc_end2:
_tile_overlayer_lowered:
.L_overlay_start_2:
0x10e: {  	(tag) =	ssettag $0x2  }
0x10f: {  	s0 =	rddreg [dreg:$0x0];
	s2 =	stileid.u32  }
0x110: {  	s1 =	rddreg [dreg:$0x1];
	p0 =	sne.s32 s2, $0x0  }
0x111: {  	s3 =	rddreg [dreg:$0x2];
	[bflag:$0x3] =	sbarrier.arrive $0xFFFF;
	s2 =	simm.s32 @!p0 $0x1C06  }
0x112: {  	[timem:s3], [sflag:s2] =	dma.local @!p0 [hbm:s0], s1  }
0x113: {  	s0 =	simm.s32 @!p0 $0x6  }
0x114: {  	_ =	swait.ge @!p0 [sflag:s0], s1  }
0x115: {  	s1 =	ssub.s32 @!p0 $0x0, s1;
	[sflag:s0] =	ssyncset.done @!p0 $0x0  }
0x116: {  	[sflag:s0] =	ssyncadd.s32 @!p0 s1  }
0x117: {  	[bflag:$0x3] =	sbarrier.arrive $0xFFFF  }
0x118: {  	_ =	shalt  }

</sc_bundles>
